<compile_context>
chip_gen: v7x
topology: tpu7x:2x2x1
jax: 0.10.2.dev20260603
libtpu: 0.0.44.dev20260713+nightly
codegen_flags: <defaults>
</compile_context>

<pallas_src>
import jax
import jax.numpy as jnp
from jax import lax
from jax.experimental import pallas as pl
from jax.experimental.pallas import tpu as pltpu
from jax.experimental.pallas import tpu_sc as plsc

BATCH = 16384
EMB = 128
NC = 2
NS = 16
NW = NC * NS
ROWS_PER_W = BATCH // NW
CHUNK = 32
N_CHUNKS = ROWS_PER_W // CHUNK
NBUF = 8
LANES = 16
SEGS = EMB // LANES
PSTRIDE = LANES + 1


def _dot_kernel(u_hbm, i_hbm, ut_hbm, it_hbm, out_hbm,
                uidx_v, iidx_v,
                ur0, ur1, ur2, ur3, ur4, ur5, ur6, ur7,
                ir0, ir1, ir2, ir3, ir4, ir5, ir6, ir7,
                part_v, outv,
                su0, su1, su2, su3, su4, su5, su6, su7,
                si0, si1, si2, si3, si4, si5, si6, si7, sx0, sx1):
    wid = lax.axis_index("s") * NC + lax.axis_index("c")
    base = wid * ROWS_PER_W

    urows = [ur0, ur1, ur2, ur3, ur4, ur5, ur6, ur7]
    irows = [ir0, ir1, ir2, ir3, ir4, ir5, ir6, ir7]
    sem_u = [su0, su1, su2, su3, su4, su5, su6, su7]
    sem_i = [si0, si1, si2, si3, si4, si5, si6, si7]

    lane = lax.iota(jnp.int32, LANES)
    cols = [jnp.full((LANES,), j, jnp.int32) for j in range(LANES)]

    cu = pltpu.async_copy(u_hbm.at[pl.ds(wid * N_CHUNKS, N_CHUNKS)], uidx_v, sx0)
    ci = pltpu.async_copy(i_hbm.at[pl.ds(wid * N_CHUNKS, N_CHUNKS)], iidx_v, sx1)
    cu.wait()
    ci.wait()

    for b in range(NBUF):
        pltpu.async_copy(ut_hbm.at[uidx_v.at[b]], urows[b], sem_u[b])
        pltpu.async_copy(it_hbm.at[iidx_v.at[b]], irows[b], sem_i[b])

    def compute_chunk(c, ur, ir):
        @plsc.parallel_loop(0, CHUNK, step=1)
        def _row(r):
            m = [ur[r, pl.ds(s * LANES, LANES)] * ir[r, pl.ds(s * LANES, LANES)]
                 for s in range(SEGS)]
            while len(m) > 1:
                m = [m[2 * k] + m[2 * k + 1] for k in range(len(m) // 2)]
            part_v[r, pl.ds(0, LANES)] = m[0]

        cbase = c * CHUNK

        @plsc.parallel_loop(0, CHUNK // LANES, step=1)
        def _grp(g):
            rows = g * LANES + lane
            t = [plsc.load_gather(part_v, [rows, cols[j]]) for j in range(LANES)]
            while len(t) > 1:
                t = [t[2 * k] + t[2 * k + 1] for k in range(len(t) // 2)]
            outv[pl.ds(cbase + g * LANES, LANES)] = t[0]

    def round_body(p, _):
        c0 = NBUF * p
        for b in range(NBUF):
            c = c0 + b
            pltpu.make_async_copy(ut_hbm.at[pl.ds(0, CHUNK)], urows[b], sem_u[b]).wait()
            pltpu.make_async_copy(it_hbm.at[pl.ds(0, CHUNK)], irows[b], sem_i[b]).wait()
            compute_chunk(c, urows[b], irows[b])

            @pl.when(c + NBUF < N_CHUNKS)
            def _():
                pltpu.async_copy(ut_hbm.at[uidx_v.at[c + NBUF]], urows[b], sem_u[b])
                pltpu.async_copy(it_hbm.at[iidx_v.at[c + NBUF]], irows[b], sem_i[b])

        return 0

    lax.fori_loop(0, N_CHUNKS // NBUF, round_body, 0)
    pltpu.sync_copy(outv, out_hbm.at[pl.ds(base, ROWS_PER_W)])


@jax.jit
def _run(u, i, user_table, item_table):
    mesh = plsc.VectorSubcoreMesh(core_axis_name="c", subcore_axis_name="s")
    f = pl.kernel(
        _dot_kernel,
        out_type=jax.ShapeDtypeStruct((BATCH,), jnp.float32),
        mesh=mesh,
        compiler_params=pltpu.CompilerParams(needs_layout_passes=False,
                                             disable_bounds_checks=True,
                                             disable_semaphore_checks=True),
        scratch_types=(
            [pltpu.VMEM((N_CHUNKS, CHUNK), jnp.int32)] * 2
            + [pltpu.VMEM((CHUNK, EMB), jnp.float32)] * (2 * NBUF)
            + [pltpu.VMEM((CHUNK, PSTRIDE), jnp.float32),
               pltpu.VMEM((ROWS_PER_W,), jnp.float32)]
            + [pltpu.SemaphoreType.DMA] * (2 * NBUF + 2)
        ),
    )
    return f(u.reshape(BATCH // CHUNK, CHUNK), i.reshape(BATCH // CHUNK, CHUNK),
             user_table, item_table)


def kernel(u, i, user_table, item_table):
    return _run(u.astype(jnp.int32), i.astype(jnp.int32), user_table, item_table)

# --- scband reference (transcript-rebuilt; emitter-appended) ---
"""Pipeline reference for scband-bprmodel-20109036880463 (READ-ONLY COPY).

The authoritative reference and input builder live on the scoring server;
editing this copy changes nothing except your own understanding.
"""

import jax, jax.numpy as jnp
import numpy as np

N_USERS = 100000
N_ITEMS = 100000
EMB_DIM = 128
BATCH = 16384

def _xavier_normal(key, shape):
    fan_in, fan_out = shape[1], shape[0]
    std = float(np.sqrt(2.0 / (fan_in + fan_out)))
    return jax.random.normal(key, shape, dtype=jnp.float32) * std

def setup_inputs(seed: int = 0) -> dict:
    key = jax.random.key(seed)
    k_u, k_i, k_ue, k_ie = jax.random.split(key, 4)
    u = jax.random.randint(k_u, (BATCH,), 0, N_USERS, dtype=jnp.int64 if jax.config.jax_enable_x64 else jnp.int32)
    i = jax.random.randint(k_i, (BATCH,), 0, N_ITEMS, dtype=jnp.int64 if jax.config.jax_enable_x64 else jnp.int32)
    user_table = _xavier_normal(k_ue, (N_USERS, EMB_DIM))
    item_table = _xavier_normal(k_ie, (N_ITEMS, EMB_DIM))
    return {"u": u, "i": i, "user_table": user_table, "item_table": item_table}

def reference(u, i, user_table, item_table):
    ue = jnp.take(user_table, u, axis=0)
    ie = jnp.take(item_table, i, axis=0)
    return (ue * ie).sum(-1)

if __name__ == "__main__":
    import jax
    _d = setup_inputs()
    print(jax.jit(kernel)(*tuple(_d.values())))

</pallas_src>

<mosaic_0001>
#map = affine_map<(d0, d1) -> (0, 0)>
#map1 = affine_map<(d0, d1) -> (0)>
module attributes {stable_mosaic.version = 14 : i64} {
  func.func @_dot_kernel(%arg0: i32, %arg1: i32, %arg2: memref<512x32xi32, #tpu.memory_space<hbm>>, %arg3: memref<512x32xi32, #tpu.memory_space<hbm>>, %arg4: memref<100000x128xf32, #tpu.memory_space<hbm>>, %arg5: memref<100000x128xf32, #tpu.memory_space<hbm>>, %arg6: memref<16384xf32, #tpu.memory_space<hbm>>, %arg7: memref<16x32xi32, #tpu.memory_space<vmem>>, %arg8: memref<16x32xi32, #tpu.memory_space<vmem>>, %arg9: memref<32x128xf32, #tpu.memory_space<vmem>>, %arg10: memref<32x128xf32, #tpu.memory_space<vmem>>, %arg11: memref<32x128xf32, #tpu.memory_space<vmem>>, %arg12: memref<32x128xf32, #tpu.memory_space<vmem>>, %arg13: memref<32x128xf32, #tpu.memory_space<vmem>>, %arg14: memref<32x128xf32, #tpu.memory_space<vmem>>, %arg15: memref<32x128xf32, #tpu.memory_space<vmem>>, %arg16: memref<32x128xf32, #tpu.memory_space<vmem>>, %arg17: memref<32x128xf32, #tpu.memory_space<vmem>>, %arg18: memref<32x128xf32, #tpu.memory_space<vmem>>, %arg19: memref<32x128xf32, #tpu.memory_space<vmem>>, %arg20: memref<32x128xf32, #tpu.memory_space<vmem>>, %arg21: memref<32x128xf32, #tpu.memory_space<vmem>>, %arg22: memref<32x128xf32, #tpu.memory_space<vmem>>, %arg23: memref<32x128xf32, #tpu.memory_space<vmem>>, %arg24: memref<32x128xf32, #tpu.memory_space<vmem>>, %arg25: memref<32x17xf32, #tpu.memory_space<vmem>>, %arg26: memref<512xf32, #tpu.memory_space<vmem>>, %arg27: memref<!tpu.dma_semaphore, #tpu.memory_space<semaphore_mem>>, %arg28: memref<!tpu.dma_semaphore, #tpu.memory_space<semaphore_mem>>, %arg29: memref<!tpu.dma_semaphore, #tpu.memory_space<semaphore_mem>>, %arg30: memref<!tpu.dma_semaphore, #tpu.memory_space<semaphore_mem>>, %arg31: memref<!tpu.dma_semaphore, #tpu.memory_space<semaphore_mem>>, %arg32: memref<!tpu.dma_semaphore, #tpu.memory_space<semaphore_mem>>, %arg33: memref<!tpu.dma_semaphore, #tpu.memory_space<semaphore_mem>>, %arg34: memref<!tpu.dma_semaphore, #tpu.memory_space<semaphore_mem>>, %arg35: memref<!tpu.dma_semaphore, #tpu.memory_space<semaphore_mem>>, %arg36: memref<!tpu.dma_semaphore, #tpu.memory_space<semaphore_mem>>, %arg37: memref<!tpu.dma_semaphore, #tpu.memory_space<semaphore_mem>>, %arg38: memref<!tpu.dma_semaphore, #tpu.memory_space<semaphore_mem>>, %arg39: memref<!tpu.dma_semaphore, #tpu.memory_space<semaphore_mem>>, %arg40: memref<!tpu.dma_semaphore, #tpu.memory_space<semaphore_mem>>, %arg41: memref<!tpu.dma_semaphore, #tpu.memory_space<semaphore_mem>>, %arg42: memref<!tpu.dma_semaphore, #tpu.memory_space<semaphore_mem>>, %arg43: memref<!tpu.dma_semaphore, #tpu.memory_space<semaphore_mem>>, %arg44: memref<!tpu.dma_semaphore, #tpu.memory_space<semaphore_mem>>) attributes {dimension_semantics = [#tpu.dimension_semantics<core_parallel>, #tpu.dimension_semantics<subcore_parallel>], iteration_bounds = array<i64: 2, 16>, scalar_prefetch = 0 : i64, scratch_operands = 38 : i64, tpu.core_type = #tpu.core_type<sc_vector_subcore>, window_params = [{transform_indices = #map}, {transform_indices = #map}, {transform_indices = #map}, {transform_indices = #map}, {transform_indices = #map1}]} {
    %mul3A = arith.constant 2 : i32
    %mul3A_0 = arith.muli %arg1, %mul3A : i32
    %add3A = arith.addi %mul3A_0, %arg0 : i32
    %mul3A_1 = arith.constant 512 : i32
    %mul3A_2 = arith.muli %add3A, %mul3A_1 : i32
    %iota3A = tpu.iota {dimensions = array<i32: 0>} : vector<16xi32>
    %broadcast_in_dim3A = arith.constant 0 : i32
    %broadcast_in_dim3A_3 = vector.broadcast %broadcast_in_dim3A : i32 to vector<16xi32>
    %broadcast_in_dim3A_4 = arith.constant 1 : i32
    %broadcast_in_dim3A_5 = vector.broadcast %broadcast_in_dim3A_4 : i32 to vector<16xi32>
    %broadcast_in_dim3A_6 = arith.constant 2 : i32
    %broadcast_in_dim3A_7 = vector.broadcast %broadcast_in_dim3A_6 : i32 to vector<16xi32>
    %broadcast_in_dim3A_8 = arith.constant 3 : i32
    %broadcast_in_dim3A_9 = vector.broadcast %broadcast_in_dim3A_8 : i32 to vector<16xi32>
    %broadcast_in_dim3A_10 = arith.constant 4 : i32
    %broadcast_in_dim3A_11 = vector.broadcast %broadcast_in_dim3A_10 : i32 to vector<16xi32>
    %broadcast_in_dim3A_12 = arith.constant 5 : i32
    %broadcast_in_dim3A_13 = vector.broadcast %broadcast_in_dim3A_12 : i32 to vector<16xi32>
    %broadcast_in_dim3A_14 = arith.constant 6 : i32
    %broadcast_in_dim3A_15 = vector.broadcast %broadcast_in_dim3A_14 : i32 to vector<16xi32>
    %broadcast_in_dim3A_16 = arith.constant 7 : i32
    %broadcast_in_dim3A_17 = vector.broadcast %broadcast_in_dim3A_16 : i32 to vector<16xi32>
    %broadcast_in_dim3A_18 = arith.constant 8 : i32
    %broadcast_in_dim3A_19 = vector.broadcast %broadcast_in_dim3A_18 : i32 to vector<16xi32>
    %broadcast_in_dim3A_20 = arith.constant 9 : i32
    %broadcast_in_dim3A_21 = vector.broadcast %broadcast_in_dim3A_20 : i32 to vector<16xi32>
    %broadcast_in_dim3A_22 = arith.constant 10 : i32
    %broadcast_in_dim3A_23 = vector.broadcast %broadcast_in_dim3A_22 : i32 to vector<16xi32>
    %broadcast_in_dim3A_24 = arith.constant 11 : i32
    %broadcast_in_dim3A_25 = vector.broadcast %broadcast_in_dim3A_24 : i32 to vector<16xi32>
    %broadcast_in_dim3A_26 = arith.constant 12 : i32
    %broadcast_in_dim3A_27 = vector.broadcast %broadcast_in_dim3A_26 : i32 to vector<16xi32>
    %broadcast_in_dim3A_28 = arith.constant 13 : i32
    %broadcast_in_dim3A_29 = vector.broadcast %broadcast_in_dim3A_28 : i32 to vector<16xi32>
    %broadcast_in_dim3A_30 = arith.constant 14 : i32
    %broadcast_in_dim3A_31 = vector.broadcast %broadcast_in_dim3A_30 : i32 to vector<16xi32>
    %broadcast_in_dim3A_32 = arith.constant 15 : i32
    %broadcast_in_dim3A_33 = vector.broadcast %broadcast_in_dim3A_32 : i32 to vector<16xi32>
    %mul3A_34 = arith.constant 16 : i32
    %mul3A_35 = arith.muli %add3A, %mul3A_34 : i32
    %dma_start3A = arith.constant 0 : i32
    %dma_start3A_36 = tpu.memref_slice %arg2[%mul3A_35, %dma_start3A] : memref<512x32xi32, #tpu.memory_space<hbm>> -> memref<16x32xi32, #tpu.memory_space<hbm>>
    %dma_start3A_37 = arith.constant 0 : i32
    %dma_start3A_38 = tpu.memref_slice %arg2[%mul3A_35, %dma_start3A_37] : memref<512x32xi32, #tpu.memory_space<hbm>> -> memref<16x32xi32, #tpu.memory_space<hbm>>
    tpu.enqueue_dma source(%dma_start3A_38 : memref<16x32xi32, #tpu.memory_space<hbm>>) target(%arg7 : memref<16x32xi32, #tpu.memory_space<vmem>>) target_semaphore(%arg43 : memref<!tpu.dma_semaphore, #tpu.memory_space<semaphore_mem>>)
    %mul3A_39 = arith.constant 16 : i32
    %mul3A_40 = arith.muli %add3A, %mul3A_39 : i32
    %dma_start3A_41 = arith.constant 0 : i32
    %dma_start3A_42 = tpu.memref_slice %arg3[%mul3A_40, %dma_start3A_41] : memref<512x32xi32, #tpu.memory_space<hbm>> -> memref<16x32xi32, #tpu.memory_space<hbm>>
    %dma_start3A_43 = arith.constant 0 : i32
    %dma_start3A_44 = tpu.memref_slice %arg3[%mul3A_40, %dma_start3A_43] : memref<512x32xi32, #tpu.memory_space<hbm>> -> memref<16x32xi32, #tpu.memory_space<hbm>>
    tpu.enqueue_dma source(%dma_start3A_44 : memref<16x32xi32, #tpu.memory_space<hbm>>) target(%arg8 : memref<16x32xi32, #tpu.memory_space<vmem>>) target_semaphore(%arg44 : memref<!tpu.dma_semaphore, #tpu.memory_space<semaphore_mem>>)
    %dma_wait3A = arith.constant 0 : i32
    %dma_wait3A_45 = tpu.memref_slice %arg2[%mul3A_35, %dma_wait3A] : memref<512x32xi32, #tpu.memory_space<hbm>> -> memref<16x32xi32, #tpu.memory_space<hbm>>
    %dma_wait3A_46 = arith.constant 0 : i32
    %dma_wait3A_47 = tpu.memref_slice %arg2[%mul3A_35, %dma_wait3A_46] : memref<512x32xi32, #tpu.memory_space<hbm>> -> memref<16x32xi32, #tpu.memory_space<hbm>>
    tpu.wait_dma2 semaphore(%arg43 : memref<!tpu.dma_semaphore, #tpu.memory_space<semaphore_mem>>) src(%dma_wait3A_47 : memref<16x32xi32, #tpu.memory_space<hbm>>) dst(%arg7 : memref<16x32xi32, #tpu.memory_space<vmem>>)
    %dma_wait3A_48 = arith.constant 0 : i32
    %dma_wait3A_49 = tpu.memref_slice %arg3[%mul3A_40, %dma_wait3A_48] : memref<512x32xi32, #tpu.memory_space<hbm>> -> memref<16x32xi32, #tpu.memory_space<hbm>>
    %dma_wait3A_50 = arith.constant 0 : i32
    %dma_wait3A_51 = tpu.memref_slice %arg3[%mul3A_40, %dma_wait3A_50] : memref<512x32xi32, #tpu.memory_space<hbm>> -> memref<16x32xi32, #tpu.memory_space<hbm>>
    tpu.wait_dma2 semaphore(%arg44 : memref<!tpu.dma_semaphore, #tpu.memory_space<semaphore_mem>>) src(%dma_wait3A_51 : memref<16x32xi32, #tpu.memory_space<hbm>>) dst(%arg8 : memref<16x32xi32, #tpu.memory_space<vmem>>)
    %dma_start3A_52 = arith.constant 0 : i32
    %dma_start3A_53 = arith.constant 0 : i32
    %dma_start3A_54 = tpu.memref_slice %arg7[%dma_start3A_52, %dma_start3A_53] : memref<16x32xi32, #tpu.memory_space<vmem>> -> memref<1x32xi32, #tpu.memory_space<vmem>>
    %dma_start3A_55 = tpu.memref_squeeze %dma_start3A_54 : memref<1x32xi32, #tpu.memory_space<vmem>> -> memref<32xi32, #tpu.memory_space<vmem>>
    %dma_start3A_56 = arith.constant 0 : i32
    %dma_start3A_57 = arith.constant 0 : i32
    %dma_start3A_58 = tpu.memref_slice %arg4[%dma_start3A_56, %dma_start3A_57] : memref<100000x128xf32, #tpu.memory_space<hbm>> -> memref<100000x128xf32, #tpu.memory_space<hbm>>
    tpu.enqueue_indirect_dma source(%dma_start3A_58 : memref<100000x128xf32, #tpu.memory_space<hbm>>) target(%arg9 : memref<32x128xf32, #tpu.memory_space<vmem>>) offsets(%dma_start3A_55 : memref<32xi32, #tpu.memory_space<vmem>>) semaphore(%arg27 : memref<!tpu.dma_semaphore, #tpu.memory_space<semaphore_mem>>)
    %dma_start3A_59 = arith.constant 0 : i32
    %dma_start3A_60 = arith.constant 0 : i32
    %dma_start3A_61 = tpu.memref_slice %arg8[%dma_start3A_59, %dma_start3A_60] : memref<16x32xi32, #tpu.memory_space<vmem>> -> memref<1x32xi32, #tpu.memory_space<vmem>>
    %dma_start3A_62 = tpu.memref_squeeze %dma_start3A_61 : memref<1x32xi32, #tpu.memory_space<vmem>> -> memref<32xi32, #tpu.memory_space<vmem>>
    %dma_start3A_63 = arith.constant 0 : i32
    %dma_start3A_64 = arith.constant 0 : i32
    %dma_start3A_65 = tpu.memref_slice %arg5[%dma_start3A_63, %dma_start3A_64] : memref<100000x128xf32, #tpu.memory_space<hbm>> -> memref<100000x128xf32, #tpu.memory_space<hbm>>
    tpu.enqueue_indirect_dma source(%dma_start3A_65 : memref<100000x128xf32, #tpu.memory_space<hbm>>) target(%arg17 : memref<32x128xf32, #tpu.memory_space<vmem>>) offsets(%dma_start3A_62 : memref<32xi32, #tpu.memory_space<vmem>>) semaphore(%arg35 : memref<!tpu.dma_semaphore, #tpu.memory_space<semaphore_mem>>)
    %dma_start3A_66 = arith.constant 1 : i32
    %dma_start3A_67 = arith.constant 0 : i32
    %dma_start3A_68 = tpu.memref_slice %arg7[%dma_start3A_66, %dma_start3A_67] : memref<16x32xi32, #tpu.memory_space<vmem>> -> memref<1x32xi32, #tpu.memory_space<vmem>>
    %dma_start3A_69 = tpu.memref_squeeze %dma_start3A_68 : memref<1x32xi32, #tpu.memory_space<vmem>> -> memref<32xi32, #tpu.memory_space<vmem>>
    %dma_start3A_70 = arith.constant 0 : i32
    %dma_start3A_71 = arith.constant 0 : i32
    %dma_start3A_72 = tpu.memref_slice %arg4[%dma_start3A_70, %dma_start3A_71] : memref<100000x128xf32, #tpu.memory_space<hbm>> -> memref<100000x128xf32, #tpu.memory_space<hbm>>
    tpu.enqueue_indirect_dma source(%dma_start3A_72 : memref<100000x128xf32, #tpu.memory_space<hbm>>) target(%arg10 : memref<32x128xf32, #tpu.memory_space<vmem>>) offsets(%dma_start3A_69 : memref<32xi32, #tpu.memory_space<vmem>>) semaphore(%arg28 : memref<!tpu.dma_semaphore, #tpu.memory_space<semaphore_mem>>)
    %dma_start3A_73 = arith.constant 1 : i32
    %dma_start3A_74 = arith.constant 0 : i32
    %dma_start3A_75 = tpu.memref_slice %arg8[%dma_start3A_73, %dma_start3A_74] : memref<16x32xi32, #tpu.memory_space<vmem>> -> memref<1x32xi32, #tpu.memory_space<vmem>>
    %dma_start3A_76 = tpu.memref_squeeze %dma_start3A_75 : memref<1x32xi32, #tpu.memory_space<vmem>> -> memref<32xi32, #tpu.memory_space<vmem>>
    %dma_start3A_77 = arith.constant 0 : i32
    %dma_start3A_78 = arith.constant 0 : i32
    %dma_start3A_79 = tpu.memref_slice %arg5[%dma_start3A_77, %dma_start3A_78] : memref<100000x128xf32, #tpu.memory_space<hbm>> -> memref<100000x128xf32, #tpu.memory_space<hbm>>
    tpu.enqueue_indirect_dma source(%dma_start3A_79 : memref<100000x128xf32, #tpu.memory_space<hbm>>) target(%arg18 : memref<32x128xf32, #tpu.memory_space<vmem>>) offsets(%dma_start3A_76 : memref<32xi32, #tpu.memory_space<vmem>>) semaphore(%arg36 : memref<!tpu.dma_semaphore, #tpu.memory_space<semaphore_mem>>)
    %dma_start3A_80 = arith.constant 2 : i32
    %dma_start3A_81 = arith.constant 0 : i32
    %dma_start3A_82 = tpu.memref_slice %arg7[%dma_start3A_80, %dma_start3A_81] : memref<16x32xi32, #tpu.memory_space<vmem>> -> memref<1x32xi32, #tpu.memory_space<vmem>>
    %dma_start3A_83 = tpu.memref_squeeze %dma_start3A_82 : memref<1x32xi32, #tpu.memory_space<vmem>> -> memref<32xi32, #tpu.memory_space<vmem>>
    %dma_start3A_84 = arith.constant 0 : i32
    %dma_start3A_85 = arith.constant 0 : i32
    %dma_start3A_86 = tpu.memref_slice %arg4[%dma_start3A_84, %dma_start3A_85] : memref<100000x128xf32, #tpu.memory_space<hbm>> -> memref<100000x128xf32, #tpu.memory_space<hbm>>
    tpu.enqueue_indirect_dma source(%dma_start3A_86 : memref<100000x128xf32, #tpu.memory_space<hbm>>) target(%arg11 : memref<32x128xf32, #tpu.memory_space<vmem>>) offsets(%dma_start3A_83 : memref<32xi32, #tpu.memory_space<vmem>>) semaphore(%arg29 : memref<!tpu.dma_semaphore, #tpu.memory_space<semaphore_mem>>)
    %dma_start3A_87 = arith.constant 2 : i32
    %dma_start3A_88 = arith.constant 0 : i32
    %dma_start3A_89 = tpu.memref_slice %arg8[%dma_start3A_87, %dma_start3A_88] : memref<16x32xi32, #tpu.memory_space<vmem>> -> memref<1x32xi32, #tpu.memory_space<vmem>>
    %dma_start3A_90 = tpu.memref_squeeze %dma_start3A_89 : memref<1x32xi32, #tpu.memory_space<vmem>> -> memref<32xi32, #tpu.memory_space<vmem>>
    %dma_start3A_91 = arith.constant 0 : i32
    %dma_start3A_92 = arith.constant 0 : i32
    %dma_start3A_93 = tpu.memref_slice %arg5[%dma_start3A_91, %dma_start3A_92] : memref<100000x128xf32, #tpu.memory_space<hbm>> -> memref<100000x128xf32, #tpu.memory_space<hbm>>
    tpu.enqueue_indirect_dma source(%dma_start3A_93 : memref<100000x128xf32, #tpu.memory_space<hbm>>) target(%arg19 : memref<32x128xf32, #tpu.memory_space<vmem>>) offsets(%dma_start3A_90 : memref<32xi32, #tpu.memory_space<vmem>>) semaphore(%arg37 : memref<!tpu.dma_semaphore, #tpu.memory_space<semaphore_mem>>)
    %dma_start3A_94 = arith.constant 3 : i32
    %dma_start3A_95 = arith.constant 0 : i32
    %dma_start3A_96 = tpu.memref_slice %arg7[%dma_start3A_94, %dma_start3A_95] : memref<16x32xi32, #tpu.memory_space<vmem>> -> memref<1x32xi32, #tpu.memory_space<vmem>>
    %dma_start3A_97 = tpu.memref_squeeze %dma_start3A_96 : memref<1x32xi32, #tpu.memory_space<vmem>> -> memref<32xi32, #tpu.memory_space<vmem>>
    %dma_start3A_98 = arith.constant 0 : i32
    %dma_start3A_99 = arith.constant 0 : i32
    %dma_start3A_100 = tpu.memref_slice %arg4[%dma_start3A_98, %dma_start3A_99] : memref<100000x128xf32, #tpu.memory_space<hbm>> -> memref<100000x128xf32, #tpu.memory_space<hbm>>
    tpu.enqueue_indirect_dma source(%dma_start3A_100 : memref<100000x128xf32, #tpu.memory_space<hbm>>) target(%arg12 : memref<32x128xf32, #tpu.memory_space<vmem>>) offsets(%dma_start3A_97 : memref<32xi32, #tpu.memory_space<vmem>>) semaphore(%arg30 : memref<!tpu.dma_semaphore, #tpu.memory_space<semaphore_mem>>)
    %dma_start3A_101 = arith.constant 3 : i32
    %dma_start3A_102 = arith.constant 0 : i32
    %dma_start3A_103 = tpu.memref_slice %arg8[%dma_start3A_101, %dma_start3A_102] : memref<16x32xi32, #tpu.memory_space<vmem>> -> memref<1x32xi32, #tpu.memory_space<vmem>>
    %dma_start3A_104 = tpu.memref_squeeze %dma_start3A_103 : memref<1x32xi32, #tpu.memory_space<vmem>> -> memref<32xi32, #tpu.memory_space<vmem>>
    %dma_start3A_105 = arith.constant 0 : i32
    %dma_start3A_106 = arith.constant 0 : i32
    %dma_start3A_107 = tpu.memref_slice %arg5[%dma_start3A_105, %dma_start3A_106] : memref<100000x128xf32, #tpu.memory_space<hbm>> -> memref<100000x128xf32, #tpu.memory_space<hbm>>
    tpu.enqueue_indirect_dma source(%dma_start3A_107 : memref<100000x128xf32, #tpu.memory_space<hbm>>) target(%arg20 : memref<32x128xf32, #tpu.memory_space<vmem>>) offsets(%dma_start3A_104 : memref<32xi32, #tpu.memory_space<vmem>>) semaphore(%arg38 : memref<!tpu.dma_semaphore, #tpu.memory_space<semaphore_mem>>)
    %dma_start3A_108 = arith.constant 4 : i32
    %dma_start3A_109 = arith.constant 0 : i32
    %dma_start3A_110 = tpu.memref_slice %arg7[%dma_start3A_108, %dma_start3A_109] : memref<16x32xi32, #tpu.memory_space<vmem>> -> memref<1x32xi32, #tpu.memory_space<vmem>>
    %dma_start3A_111 = tpu.memref_squeeze %dma_start3A_110 : memref<1x32xi32, #tpu.memory_space<vmem>> -> memref<32xi32, #tpu.memory_space<vmem>>
    %dma_start3A_112 = arith.constant 0 : i32
    %dma_start3A_113 = arith.constant 0 : i32
    %dma_start3A_114 = tpu.memref_slice %arg4[%dma_start3A_112, %dma_start3A_113] : memref<100000x128xf32, #tpu.memory_space<hbm>> -> memref<100000x128xf32, #tpu.memory_space<hbm>>
    tpu.enqueue_indirect_dma source(%dma_start3A_114 : memref<100000x128xf32, #tpu.memory_space<hbm>>) target(%arg13 : memref<32x128xf32, #tpu.memory_space<vmem>>) offsets(%dma_start3A_111 : memref<32xi32, #tpu.memory_space<vmem>>) semaphore(%arg31 : memref<!tpu.dma_semaphore, #tpu.memory_space<semaphore_mem>>)
    %dma_start3A_115 = arith.constant 4 : i32
    %dma_start3A_116 = arith.constant 0 : i32
    %dma_start3A_117 = tpu.memref_slice %arg8[%dma_start3A_115, %dma_start3A_116] : memref<16x32xi32, #tpu.memory_space<vmem>> -> memref<1x32xi32, #tpu.memory_space<vmem>>
    %dma_start3A_118 = tpu.memref_squeeze %dma_start3A_117 : memref<1x32xi32, #tpu.memory_space<vmem>> -> memref<32xi32, #tpu.memory_space<vmem>>
    %dma_start3A_119 = arith.constant 0 : i32
    %dma_start3A_120 = arith.constant 0 : i32
    %dma_start3A_121 = tpu.memref_slice %arg5[%dma_start3A_119, %dma_start3A_120] : memref<100000x128xf32, #tpu.memory_space<hbm>> -> memref<100000x128xf32, #tpu.memory_space<hbm>>
    tpu.enqueue_indirect_dma source(%dma_start3A_121 : memref<100000x128xf32, #tpu.memory_space<hbm>>) target(%arg21 : memref<32x128xf32, #tpu.memory_space<vmem>>) offsets(%dma_start3A_118 : memref<32xi32, #tpu.memory_space<vmem>>) semaphore(%arg39 : memref<!tpu.dma_semaphore, #tpu.memory_space<semaphore_mem>>)
    %dma_start3A_122 = arith.constant 5 : i32
    %dma_start3A_123 = arith.constant 0 : i32
    %dma_start3A_124 = tpu.memref_slice %arg7[%dma_start3A_122, %dma_start3A_123] : memref<16x32xi32, #tpu.memory_space<vmem>> -> memref<1x32xi32, #tpu.memory_space<vmem>>
    %dma_start3A_125 = tpu.memref_squeeze %dma_start3A_124 : memref<1x32xi32, #tpu.memory_space<vmem>> -> memref<32xi32, #tpu.memory_space<vmem>>
    %dma_start3A_126 = arith.constant 0 : i32
    %dma_start3A_127 = arith.constant 0 : i32
    %dma_start3A_128 = tpu.memref_slice %arg4[%dma_start3A_126, %dma_start3A_127] : memref<100000x128xf32, #tpu.memory_space<hbm>> -> memref<100000x128xf32, #tpu.memory_space<hbm>>
    tpu.enqueue_indirect_dma source(%dma_start3A_128 : memref<100000x128xf32, #tpu.memory_space<hbm>>) target(%arg14 : memref<32x128xf32, #tpu.memory_space<vmem>>) offsets(%dma_start3A_125 : memref<32xi32, #tpu.memory_space<vmem>>) semaphore(%arg32 : memref<!tpu.dma_semaphore, #tpu.memory_space<semaphore_mem>>)
    %dma_start3A_129 = arith.constant 5 : i32
    %dma_start3A_130 = arith.constant 0 : i32
    %dma_start3A_131 = tpu.memref_slice %arg8[%dma_start3A_129, %dma_start3A_130] : memref<16x32xi32, #tpu.memory_space<vmem>> -> memref<1x32xi32, #tpu.memory_space<vmem>>
    %dma_start3A_132 = tpu.memref_squeeze %dma_start3A_131 : memref<1x32xi32, #tpu.memory_space<vmem>> -> memref<32xi32, #tpu.memory_space<vmem>>
    %dma_start3A_133 = arith.constant 0 : i32
    %dma_start3A_134 = arith.constant 0 : i32
    %dma_start3A_135 = tpu.memref_slice %arg5[%dma_start3A_133, %dma_start3A_134] : memref<100000x128xf32, #tpu.memory_space<hbm>> -> memref<100000x128xf32, #tpu.memory_space<hbm>>
    tpu.enqueue_indirect_dma source(%dma_start3A_135 : memref<100000x128xf32, #tpu.memory_space<hbm>>) target(%arg22 : memref<32x128xf32, #tpu.memory_space<vmem>>) offsets(%dma_start3A_132 : memref<32xi32, #tpu.memory_space<vmem>>) semaphore(%arg40 : memref<!tpu.dma_semaphore, #tpu.memory_space<semaphore_mem>>)
    %dma_start3A_136 = arith.constant 6 : i32
    %dma_start3A_137 = arith.constant 0 : i32
    %dma_start3A_138 = tpu.memref_slice %arg7[%dma_start3A_136, %dma_start3A_137] : memref<16x32xi32, #tpu.memory_space<vmem>> -> memref<1x32xi32, #tpu.memory_space<vmem>>
    %dma_start3A_139 = tpu.memref_squeeze %dma_start3A_138 : memref<1x32xi32, #tpu.memory_space<vmem>> -> memref<32xi32, #tpu.memory_space<vmem>>
    %dma_start3A_140 = arith.constant 0 : i32
    %dma_start3A_141 = arith.constant 0 : i32
    %dma_start3A_142 = tpu.memref_slice %arg4[%dma_start3A_140, %dma_start3A_141] : memref<100000x128xf32, #tpu.memory_space<hbm>> -> memref<100000x128xf32, #tpu.memory_space<hbm>>
    tpu.enqueue_indirect_dma source(%dma_start3A_142 : memref<100000x128xf32, #tpu.memory_space<hbm>>) target(%arg15 : memref<32x128xf32, #tpu.memory_space<vmem>>) offsets(%dma_start3A_139 : memref<32xi32, #tpu.memory_space<vmem>>) semaphore(%arg33 : memref<!tpu.dma_semaphore, #tpu.memory_space<semaphore_mem>>)
    %dma_start3A_143 = arith.constant 6 : i32
    %dma_start3A_144 = arith.constant 0 : i32
    %dma_start3A_145 = tpu.memref_slice %arg8[%dma_start3A_143, %dma_start3A_144] : memref<16x32xi32, #tpu.memory_space<vmem>> -> memref<1x32xi32, #tpu.memory_space<vmem>>
    %dma_start3A_146 = tpu.memref_squeeze %dma_start3A_145 : memref<1x32xi32, #tpu.memory_space<vmem>> -> memref<32xi32, #tpu.memory_space<vmem>>
    %dma_start3A_147 = arith.constant 0 : i32
    %dma_start3A_148 = arith.constant 0 : i32
    %dma_start3A_149 = tpu.memref_slice %arg5[%dma_start3A_147, %dma_start3A_148] : memref<100000x128xf32, #tpu.memory_space<hbm>> -> memref<100000x128xf32, #tpu.memory_space<hbm>>
    tpu.enqueue_indirect_dma source(%dma_start3A_149 : memref<100000x128xf32, #tpu.memory_space<hbm>>) target(%arg23 : memref<32x128xf32, #tpu.memory_space<vmem>>) offsets(%dma_start3A_146 : memref<32xi32, #tpu.memory_space<vmem>>) semaphore(%arg41 : memref<!tpu.dma_semaphore, #tpu.memory_space<semaphore_mem>>)
    %dma_start3A_150 = arith.constant 7 : i32
    %dma_start3A_151 = arith.constant 0 : i32
    %dma_start3A_152 = tpu.memref_slice %arg7[%dma_start3A_150, %dma_start3A_151] : memref<16x32xi32, #tpu.memory_space<vmem>> -> memref<1x32xi32, #tpu.memory_space<vmem>>
    %dma_start3A_153 = tpu.memref_squeeze %dma_start3A_152 : memref<1x32xi32, #tpu.memory_space<vmem>> -> memref<32xi32, #tpu.memory_space<vmem>>
    %dma_start3A_154 = arith.constant 0 : i32
    %dma_start3A_155 = arith.constant 0 : i32
    %dma_start3A_156 = tpu.memref_slice %arg4[%dma_start3A_154, %dma_start3A_155] : memref<100000x128xf32, #tpu.memory_space<hbm>> -> memref<100000x128xf32, #tpu.memory_space<hbm>>
    tpu.enqueue_indirect_dma source(%dma_start3A_156 : memref<100000x128xf32, #tpu.memory_space<hbm>>) target(%arg16 : memref<32x128xf32, #tpu.memory_space<vmem>>) offsets(%dma_start3A_153 : memref<32xi32, #tpu.memory_space<vmem>>) semaphore(%arg34 : memref<!tpu.dma_semaphore, #tpu.memory_space<semaphore_mem>>)
    %dma_start3A_157 = arith.constant 7 : i32
    %dma_start3A_158 = arith.constant 0 : i32
    %dma_start3A_159 = tpu.memref_slice %arg8[%dma_start3A_157, %dma_start3A_158] : memref<16x32xi32, #tpu.memory_space<vmem>> -> memref<1x32xi32, #tpu.memory_space<vmem>>
    %dma_start3A_160 = tpu.memref_squeeze %dma_start3A_159 : memref<1x32xi32, #tpu.memory_space<vmem>> -> memref<32xi32, #tpu.memory_space<vmem>>
    %dma_start3A_161 = arith.constant 0 : i32
    %dma_start3A_162 = arith.constant 0 : i32
    %dma_start3A_163 = tpu.memref_slice %arg5[%dma_start3A_161, %dma_start3A_162] : memref<100000x128xf32, #tpu.memory_space<hbm>> -> memref<100000x128xf32, #tpu.memory_space<hbm>>
    tpu.enqueue_indirect_dma source(%dma_start3A_163 : memref<100000x128xf32, #tpu.memory_space<hbm>>) target(%arg24 : memref<32x128xf32, #tpu.memory_space<vmem>>) offsets(%dma_start3A_160 : memref<32xi32, #tpu.memory_space<vmem>>) semaphore(%arg42 : memref<!tpu.dma_semaphore, #tpu.memory_space<semaphore_mem>>)
    %scan3A = arith.constant 0 : i32
    %scan3A_164 = arith.constant 0 : i32
    %scan3A_165 = arith.constant 2 : i32
    %scan3A_166 = arith.addi %scan3A_164, %scan3A_165 : i32
    %scan3A_167 = arith.constant 1 : i32
    %scan3A_168 = scf.for %scan3A_170 = %scan3A_164 to %scan3A_166 step %scan3A_167 iter_args(%scan3A_171 = %scan3A) -> (i32)  : i32 {
      %mul3A_172 = arith.constant 8 : i32
      %mul3A_173 = arith.muli %mul3A_172, %scan3A_170 : i32
      %add3A_174 = arith.constant 0 : i32
      %add3A_175 = arith.addi %mul3A_173, %add3A_174 : i32
      %dma_wait3A_176 = arith.constant 0 : i32
      %dma_wait3A_177 = arith.constant 0 : i32
      %dma_wait3A_178 = tpu.memref_slice %arg4[%dma_wait3A_176, %dma_wait3A_177] : memref<100000x128xf32, #tpu.memory_space<hbm>> -> memref<32x128xf32, #tpu.memory_space<hbm>>
      %dma_wait3A_179 = arith.constant 0 : i32
      %dma_wait3A_180 = arith.constant 0 : i32
      %dma_wait3A_181 = tpu.memref_slice %arg4[%dma_wait3A_179, %dma_wait3A_180] : memref<100000x128xf32, #tpu.memory_space<hbm>> -> memref<32x128xf32, #tpu.memory_space<hbm>>
      tpu.wait_dma2 semaphore(%arg27 : memref<!tpu.dma_semaphore, #tpu.memory_space<semaphore_mem>>) src(%dma_wait3A_181 : memref<32x128xf32, #tpu.memory_space<hbm>>) dst(%arg9 : memref<32x128xf32, #tpu.memory_space<vmem>>)
      %dma_wait3A_182 = arith.constant 0 : i32
      %dma_wait3A_183 = arith.constant 0 : i32
      %dma_wait3A_184 = tpu.memref_slice %arg5[%dma_wait3A_182, %dma_wait3A_183] : memref<100000x128xf32, #tpu.memory_space<hbm>> -> memref<32x128xf32, #tpu.memory_space<hbm>>
      %dma_wait3A_185 = arith.constant 0 : i32
      %dma_wait3A_186 = arith.constant 0 : i32
      %dma_wait3A_187 = tpu.memref_slice %arg5[%dma_wait3A_185, %dma_wait3A_186] : memref<100000x128xf32, #tpu.memory_space<hbm>> -> memref<32x128xf32, #tpu.memory_space<hbm>>
      tpu.wait_dma2 semaphore(%arg35 : memref<!tpu.dma_semaphore, #tpu.memory_space<semaphore_mem>>) src(%dma_wait3A_187 : memref<32x128xf32, #tpu.memory_space<hbm>>) dst(%arg17 : memref<32x128xf32, #tpu.memory_space<vmem>>)
      %parallel_loop3A = arith.constant 0 : i32
      %parallel_loop3A_188 = arith.constant 32 : i32
      %parallel_loop3A_189 = arith.constant 1 : i32
      scf.for %parallel_loop3A_403 = %parallel_loop3A to %parallel_loop3A_188 step %parallel_loop3A_189  : i32 {
        %parallel_loop3A_404 = arith.index_cast %parallel_loop3A_403 : i32 to index
        %parallel_loop3A_405 = arith.constant 0 : index
        %parallel_loop3A_406 = tpu.vector_load %arg9[%parallel_loop3A_404, %parallel_loop3A_405] {strides = array<i32>} : memref<32x128xf32, #tpu.memory_space<vmem>>, vector<16xf32>,
        %parallel_loop3A_407 = arith.index_cast %parallel_loop3A_403 : i32 to index
        %parallel_loop3A_408 = arith.constant 0 : index
        %parallel_loop3A_409 = tpu.vector_load %arg17[%parallel_loop3A_407, %parallel_loop3A_408] {strides = array<i32>} : memref<32x128xf32, #tpu.memory_space<vmem>>, vector<16xf32>,
        %parallel_loop3A_410 = arith.mulf %parallel_loop3A_406, %parallel_loop3A_409 : vector<16xf32>
        %parallel_loop3A_411 = arith.index_cast %parallel_loop3A_403 : i32 to index
        %parallel_loop3A_412 = arith.constant 16 : index
        %parallel_loop3A_413 = tpu.vector_load %arg9[%parallel_loop3A_411, %parallel_loop3A_412] {strides = array<i32>} : memref<32x128xf32, #tpu.memory_space<vmem>>, vector<16xf32>,
        %parallel_loop3A_414 = arith.index_cast %parallel_loop3A_403 : i32 to index
        %parallel_loop3A_415 = arith.constant 16 : index
        %parallel_loop3A_416 = tpu.vector_load %arg17[%parallel_loop3A_414, %parallel_loop3A_415] {strides = array<i32>} : memref<32x128xf32, #tpu.memory_space<vmem>>, vector<16xf32>,
        %parallel_loop3A_417 = arith.mulf %parallel_loop3A_413, %parallel_loop3A_416 : vector<16xf32>
        %parallel_loop3A_418 = arith.index_cast %parallel_loop3A_403 : i32 to index
        %parallel_loop3A_419 = arith.constant 32 : index
        %parallel_loop3A_420 = tpu.vector_load %arg9[%parallel_loop3A_418, %parallel_loop3A_419] {strides = array<i32>} : memref<32x128xf32, #tpu.memory_space<vmem>>, vector<16xf32>,
        %parallel_loop3A_421 = arith.index_cast %parallel_loop3A_403 : i32 to index
        %parallel_loop3A_422 = arith.constant 32 : index
        %parallel_loop3A_423 = tpu.vector_load %arg17[%parallel_loop3A_421, %parallel_loop3A_422] {strides = array<i32>} : memref<32x128xf32, #tpu.memory_space<vmem>>, vector<16xf32>,
        %parallel_loop3A_424 = arith.mulf %parallel_loop3A_420, %parallel_loop3A_423 : vector<16xf32>
        %parallel_loop3A_425 = arith.index_cast %parallel_loop3A_403 : i32 to index
        %parallel_loop3A_426 = arith.constant 48 : index
        %parallel_loop3A_427 = tpu.vector_load %arg9[%parallel_loop3A_425, %parallel_loop3A_426] {strides = array<i32>} : memref<32x128xf32, #tpu.memory_space<vmem>>, vector<16xf32>,
        %parallel_loop3A_428 = arith.index_cast %parallel_loop3A_403 : i32 to index
        %parallel_loop3A_429 = arith.constant 48 : index
        %parallel_loop3A_430 = tpu.vector_load %arg17[%parallel_loop3A_428, %parallel_loop3A_429] {strides = array<i32>} : memref<32x128xf32, #tpu.memory_space<vmem>>, vector<16xf32>,
        %parallel_loop3A_431 = arith.mulf %parallel_loop3A_427, %parallel_loop3A_430 : vector<16xf32>
        %parallel_loop3A_432 = arith.index_cast %parallel_loop3A_403 : i32 to index
        %parallel_loop3A_433 = arith.constant 64 : index
        %parallel_loop3A_434 = tpu.vector_load %arg9[%parallel_loop3A_432, %parallel_loop3A_433] {strides = array<i32>} : memref<32x128xf32, #tpu.memory_space<vmem>>, vector<16xf32>,
        %parallel_loop3A_435 = arith.index_cast %parallel_loop3A_403 : i32 to index
        %parallel_loop3A_436 = arith.constant 64 : index
        %parallel_loop3A_437 = tpu.vector_load %arg17[%parallel_loop3A_435, %parallel_loop3A_436] {strides = array<i32>} : memref<32x128xf32, #tpu.memory_space<vmem>>, vector<16xf32>,
        %parallel_loop3A_438 = arith.mulf %parallel_loop3A_434, %parallel_loop3A_437 : vector<16xf32>
        %parallel_loop3A_439 = arith.index_cast %parallel_loop3A_403 : i32 to index
        %parallel_loop3A_440 = arith.constant 80 : index
        %parallel_loop3A_441 = tpu.vector_load %arg9[%parallel_loop3A_439, %parallel_loop3A_440] {strides = array<i32>} : memref<32x128xf32, #tpu.memory_space<vmem>>, vector<16xf32>,
        %parallel_loop3A_442 = arith.index_cast %parallel_loop3A_403 : i32 to index
        %parallel_loop3A_443 = arith.constant 80 : index
        %parallel_loop3A_444 = tpu.vector_load %arg17[%parallel_loop3A_442, %parallel_loop3A_443] {strides = array<i32>} : memref<32x128xf32, #tpu.memory_space<vmem>>, vector<16xf32>,
        %parallel_loop3A_445 = arith.mulf %parallel_loop3A_441, %parallel_loop3A_444 : vector<16xf32>
        %parallel_loop3A_446 = arith.index_cast %parallel_loop3A_403 : i32 to index
        %parallel_loop3A_447 = arith.constant 96 : index
        %parallel_loop3A_448 = tpu.vector_load %arg9[%parallel_loop3A_446, %parallel_loop3A_447] {strides = array<i32>} : memref<32x128xf32, #tpu.memory_space<vmem>>, vector<16xf32>,
        %parallel_loop3A_449 = arith.index_cast %parallel_loop3A_403 : i32 to index
        %parallel_loop3A_450 = arith.constant 96 : index
        %parallel_loop3A_451 = tpu.vector_load %arg17[%parallel_loop3A_449, %parallel_loop3A_450] {strides = array<i32>} : memref<32x128xf32, #tpu.memory_space<vmem>>, vector<16xf32>,
        %parallel_loop3A_452 = arith.mulf %parallel_loop3A_448, %parallel_loop3A_451 : vector<16xf32>
        %parallel_loop3A_453 = arith.index_cast %parallel_loop3A_403 : i32 to index
        %parallel_loop3A_454 = arith.constant 112 : index
        %parallel_loop3A_455 = tpu.vector_load %arg9[%parallel_loop3A_453, %parallel_loop3A_454] {strides = array<i32>} : memref<32x128xf32, #tpu.memory_space<vmem>>, vector<16xf32>,
        %parallel_loop3A_456 = arith.index_cast %parallel_loop3A_403 : i32 to index
        %parallel_loop3A_457 = arith.constant 112 : index
        %parallel_loop3A_458 = tpu.vector_load %arg17[%parallel_loop3A_456, %parallel_loop3A_457] {strides = array<i32>} : memref<32x128xf32, #tpu.memory_space<vmem>>, vector<16xf32>,
        %parallel_loop3A_459 = arith.mulf %parallel_loop3A_455, %parallel_loop3A_458 : vector<16xf32>
        %parallel_loop3A_460 = arith.addf %parallel_loop3A_410, %parallel_loop3A_417 : vector<16xf32>
        %parallel_loop3A_461 = arith.addf %parallel_loop3A_424, %parallel_loop3A_431 : vector<16xf32>
        %parallel_loop3A_462 = arith.addf %parallel_loop3A_438, %parallel_loop3A_445 : vector<16xf32>
        %parallel_loop3A_463 = arith.addf %parallel_loop3A_452, %parallel_loop3A_459 : vector<16xf32>
        %parallel_loop3A_464 = arith.addf %parallel_loop3A_460, %parallel_loop3A_461 : vector<16xf32>
        %parallel_loop3A_465 = arith.addf %parallel_loop3A_462, %parallel_loop3A_463 : vector<16xf32>
        %parallel_loop3A_466 = arith.addf %parallel_loop3A_464, %parallel_loop3A_465 : vector<16xf32>
        %parallel_loop3A_467 = arith.index_cast %parallel_loop3A_403 : i32 to index
        %parallel_loop3A_468 = arith.constant 0 : index
        %parallel_loop3A_469 = tpu.vector_load %arg25[%parallel_loop3A_467, %parallel_loop3A_468] {strides = array<i32>} : memref<32x17xf32, #tpu.memory_space<vmem>>, vector<16xf32>,
        tpu.vector_store %arg25[%parallel_loop3A_467, %parallel_loop3A_468], %parallel_loop3A_466 {strides = array<i32>} : memref<32x17xf32, #tpu.memory_space<vmem>>, vector<16xf32>,
      } {sc.loop_unroll_factor = 1 : i64, sc.parallel_access}
      %mul3A_190 = arith.constant 32 : i32
      %mul3A_191 = arith.muli %add3A_175, %mul3A_190 : i32
      %parallel_loop3A_192 = arith.constant 0 : i32
      %parallel_loop3A_193 = arith.constant 2 : i32
      %parallel_loop3A_194 = arith.constant 1 : i32
      scf.for %parallel_loop3A_403 = %parallel_loop3A_192 to %parallel_loop3A_193 step %parallel_loop3A_194  : i32 {
        %parallel_loop3A_404 = arith.constant 16 : i32
        %parallel_loop3A_405 = arith.muli %parallel_loop3A_403, %parallel_loop3A_404 : i32
        %parallel_loop3A_406 = vector.broadcast %parallel_loop3A_405 : i32 to vector<16xi32>
        %parallel_loop3A_407 = arith.addi %parallel_loop3A_406, %iota3A : vector<16xi32>
        %parallel_loop3A_408 = tpu.vector_load_idx %arg25[%parallel_loop3A_407, %broadcast_in_dim3A_3] : memref<32x17xf32, #tpu.memory_space<vmem>>[vector<16xi32>, vector<16xi32>], vector<16xf32>,
        %parallel_loop3A_409 = tpu.vector_load_idx %arg25[%parallel_loop3A_407, %broadcast_in_dim3A_5] : memref<32x17xf32, #tpu.memory_space<vmem>>[vector<16xi32>, vector<16xi32>], vector<16xf32>,
        %parallel_loop3A_410 = tpu.vector_load_idx %arg25[%parallel_loop3A_407, %broadcast_in_dim3A_7] : memref<32x17xf32, #tpu.memory_space<vmem>>[vector<16xi32>, vector<16xi32>], vector<16xf32>,
        %parallel_loop3A_411 = tpu.vector_load_idx %arg25[%parallel_loop3A_407, %broadcast_in_dim3A_9] : memref<32x17xf32, #tpu.memory_space<vmem>>[vector<16xi32>, vector<16xi32>], vector<16xf32>,
        %parallel_loop3A_412 = tpu.vector_load_idx %arg25[%parallel_loop3A_407, %broadcast_in_dim3A_11] : memref<32x17xf32, #tpu.memory_space<vmem>>[vector<16xi32>, vector<16xi32>], vector<16xf32>,
        %parallel_loop3A_413 = tpu.vector_load_idx %arg25[%parallel_loop3A_407, %broadcast_in_dim3A_13] : memref<32x17xf32, #tpu.memory_space<vmem>>[vector<16xi32>, vector<16xi32>], vector<16xf32>,
        %parallel_loop3A_414 = tpu.vector_load_idx %arg25[%parallel_loop3A_407, %broadcast_in_dim3A_15] : memref<32x17xf32, #tpu.memory_space<vmem>>[vector<16xi32>, vector<16xi32>], vector<16xf32>,
        %parallel_loop3A_415 = tpu.vector_load_idx %arg25[%parallel_loop3A_407, %broadcast_in_dim3A_17] : memref<32x17xf32, #tpu.memory_space<vmem>>[vector<16xi32>, vector<16xi32>], vector<16xf32>,
        %parallel_loop3A_416 = tpu.vector_load_idx %arg25[%parallel_loop3A_407, %broadcast_in_dim3A_19] : memref<32x17xf32, #tpu.memory_space<vmem>>[vector<16xi32>, vector<16xi32>], vector<16xf32>,
        %parallel_loop3A_417 = tpu.vector_load_idx %arg25[%parallel_loop3A_407, %broadcast_in_dim3A_21] : memref<32x17xf32, #tpu.memory_space<vmem>>[vector<16xi32>, vector<16xi32>], vector<16xf32>,
        %parallel_loop3A_418 = tpu.vector_load_idx %arg25[%parallel_loop3A_407, %broadcast_in_dim3A_23] : memref<32x17xf32, #tpu.memory_space<vmem>>[vector<16xi32>, vector<16xi32>], vector<16xf32>,
        %parallel_loop3A_419 = tpu.vector_load_idx %arg25[%parallel_loop3A_407, %broadcast_in_dim3A_25] : memref<32x17xf32, #tpu.memory_space<vmem>>[vector<16xi32>, vector<16xi32>], vector<16xf32>,
        %parallel_loop3A_420 = tpu.vector_load_idx %arg25[%parallel_loop3A_407, %broadcast_in_dim3A_27] : memref<32x17xf32, #tpu.memory_space<vmem>>[vector<16xi32>, vector<16xi32>], vector<16xf32>,
        %parallel_loop3A_421 = tpu.vector_load_idx %arg25[%parallel_loop3A_407, %broadcast_in_dim3A_29] : memref<32x17xf32, #tpu.memory_space<vmem>>[vector<16xi32>, vector<16xi32>], vector<16xf32>,
        %parallel_loop3A_422 = tpu.vector_load_idx %arg25[%parallel_loop3A_407, %broadcast_in_dim3A_31] : memref<32x17xf32, #tpu.memory_space<vmem>>[vector<16xi32>, vector<16xi32>], vector<16xf32>,
        %parallel_loop3A_423 = tpu.vector_load_idx %arg25[%parallel_loop3A_407, %broadcast_in_dim3A_33] : memref<32x17xf32, #tpu.memory_space<vmem>>[vector<16xi32>, vector<16xi32>], vector<16xf32>,
        %parallel_loop3A_424 = arith.addf %parallel_loop3A_408, %parallel_loop3A_409 : vector<16xf32>
        %parallel_loop3A_425 = arith.addf %parallel_loop3A_410, %parallel_loop3A_411 : vector<16xf32>
        %parallel_loop3A_426 = arith.addf %parallel_loop3A_412, %parallel_loop3A_413 : vector<16xf32>
        %parallel_loop3A_427 = arith.addf %parallel_loop3A_414, %parallel_loop3A_415 : vector<16xf32>
        %parallel_loop3A_428 = arith.addf %parallel_loop3A_416, %parallel_loop3A_417 : vector<16xf32>
        %parallel_loop3A_429 = arith.addf %parallel_loop3A_418, %parallel_loop3A_419 : vector<16xf32>
        %parallel_loop3A_430 = arith.addf %parallel_loop3A_420, %parallel_loop3A_421 : vector<16xf32>
        %parallel_loop3A_431 = arith.addf %parallel_loop3A_422, %parallel_loop3A_423 : vector<16xf32>
        %parallel_loop3A_432 = arith.addf %parallel_loop3A_424, %parallel_loop3A_425 : vector<16xf32>
        %parallel_loop3A_433 = arith.addf %parallel_loop3A_426, %parallel_loop3A_427 : vector<16xf32>
        %parallel_loop3A_434 = arith.addf %parallel_loop3A_428, %parallel_loop3A_429 : vector<16xf32>
        %parallel_loop3A_435 = arith.addf %parallel_loop3A_430, %parallel_loop3A_431 : vector<16xf32>
        %parallel_loop3A_436 = arith.addf %parallel_loop3A_432, %parallel_loop3A_433 : vector<16xf32>
        %parallel_loop3A_437 = arith.addf %parallel_loop3A_434, %parallel_loop3A_435 : vector<16xf32>
        %parallel_loop3A_438 = arith.addf %parallel_loop3A_436, %parallel_loop3A_437 : vector<16xf32>
        %parallel_loop3A_439 = arith.constant 16 : i32
        %parallel_loop3A_440 = arith.muli %parallel_loop3A_403, %parallel_loop3A_439 : i32
        %parallel_loop3A_441 = arith.addi %mul3A_191, %parallel_loop3A_440 : i32
        %parallel_loop3A_442 = arith.index_cast %parallel_loop3A_441 : i32 to index
        %parallel_loop3A_443 = tpu.vector_load %arg26[%parallel_loop3A_442] {strides = array<i32>} : memref<512xf32, #tpu.memory_space<vmem>>, vector<16xf32>,
        tpu.vector_store %arg26[%parallel_loop3A_442], %parallel_loop3A_438 {strides = array<i32>} : memref<512xf32, #tpu.memory_space<vmem>>, vector<16xf32>,
      } {sc.loop_unroll_factor = 1 : i64, sc.parallel_access}
      %add3A_195 = arith.constant 8 : i32
      %add3A_196 = arith.addi %add3A_175, %add3A_195 : i32
      %lt3A = arith.constant 16 : i32
      %lt3A_197 = arith.cmpi slt, %add3A_196, %lt3A : i32
      %convert_element_type3A = arith.extui %lt3A_197 : i1 to i32
      %cond3A = arith.constant 0 : i32
      %cond3A_198 = arith.cmpi ne, %convert_element_type3A, %cond3A : i32
      scf.if %cond3A_198 {
        %add3A_403 = arith.constant 8 : i32
        %add3A_404 = arith.addi %add3A_175, %add3A_403 : i32
        %dma_start3A_405 = arith.constant 0 : i32
        %dma_start3A_406 = tpu.memref_slice %arg7[%add3A_404, %dma_start3A_405] : memref<16x32xi32, #tpu.memory_space<vmem>> -> memref<1x32xi32, #tpu.memory_space<vmem>>
        %dma_start3A_407 = tpu.memref_squeeze %dma_start3A_406 : memref<1x32xi32, #tpu.memory_space<vmem>> -> memref<32xi32, #tpu.memory_space<vmem>>
        %dma_start3A_408 = arith.constant 0 : i32
        %dma_start3A_409 = arith.constant 0 : i32
        %dma_start3A_410 = tpu.memref_slice %arg4[%dma_start3A_408, %dma_start3A_409] : memref<100000x128xf32, #tpu.memory_space<hbm>> -> memref<100000x128xf32, #tpu.memory_space<hbm>>
        tpu.enqueue_indirect_dma source(%dma_start3A_410 : memref<100000x128xf32, #tpu.memory_space<hbm>>) target(%arg9 : memref<32x128xf32, #tpu.memory_space<vmem>>) offsets(%dma_start3A_407 : memref<32xi32, #tpu.memory_space<vmem>>) semaphore(%arg27 : memref<!tpu.dma_semaphore, #tpu.memory_space<semaphore_mem>>)
        %add3A_411 = arith.constant 8 : i32
        %add3A_412 = arith.addi %add3A_175, %add3A_411 : i32
        %dma_start3A_413 = arith.constant 0 : i32
        %dma_start3A_414 = tpu.memref_slice %arg8[%add3A_412, %dma_start3A_413] : memref<16x32xi32, #tpu.memory_space<vmem>> -> memref<1x32xi32, #tpu.memory_space<vmem>>
        %dma_start3A_415 = tpu.memref_squeeze %dma_start3A_414 : memref<1x32xi32, #tpu.memory_space<vmem>> -> memref<32xi32, #tpu.memory_space<vmem>>
        %dma_start3A_416 = arith.constant 0 : i32
        %dma_start3A_417 = arith.constant 0 : i32
        %dma_start3A_418 = tpu.memref_slice %arg5[%dma_start3A_416, %dma_start3A_417] : memref<100000x128xf32, #tpu.memory_space<hbm>> -> memref<100000x128xf32, #tpu.memory_space<hbm>>
        tpu.enqueue_indirect_dma source(%dma_start3A_418 : memref<100000x128xf32, #tpu.memory_space<hbm>>) target(%arg17 : memref<32x128xf32, #tpu.memory_space<vmem>>) offsets(%dma_start3A_415 : memref<32xi32, #tpu.memory_space<vmem>>) semaphore(%arg35 : memref<!tpu.dma_semaphore, #tpu.memory_space<semaphore_mem>>)
      } else {
      }
      %add3A_199 = arith.constant 1 : i32
      %add3A_200 = arith.addi %mul3A_173, %add3A_199 : i32
      %dma_wait3A_201 = arith.constant 0 : i32
      %dma_wait3A_202 = arith.constant 0 : i32
      %dma_wait3A_203 = tpu.memref_slice %arg4[%dma_wait3A_201, %dma_wait3A_202] : memref<100000x128xf32, #tpu.memory_space<hbm>> -> memref<32x128xf32, #tpu.memory_space<hbm>>
      %dma_wait3A_204 = arith.constant 0 : i32
      %dma_wait3A_205 = arith.constant 0 : i32
      %dma_wait3A_206 = tpu.memref_slice %arg4[%dma_wait3A_204, %dma_wait3A_205] : memref<100000x128xf32, #tpu.memory_space<hbm>> -> memref<32x128xf32, #tpu.memory_space<hbm>>
      tpu.wait_dma2 semaphore(%arg28 : memref<!tpu.dma_semaphore, #tpu.memory_space<semaphore_mem>>) src(%dma_wait3A_206 : memref<32x128xf32, #tpu.memory_space<hbm>>) dst(%arg10 : memref<32x128xf32, #tpu.memory_space<vmem>>)
      %dma_wait3A_207 = arith.constant 0 : i32
      %dma_wait3A_208 = arith.constant 0 : i32
      %dma_wait3A_209 = tpu.memref_slice %arg5[%dma_wait3A_207, %dma_wait3A_208] : memref<100000x128xf32, #tpu.memory_space<hbm>> -> memref<32x128xf32, #tpu.memory_space<hbm>>
      %dma_wait3A_210 = arith.constant 0 : i32
      %dma_wait3A_211 = arith.constant 0 : i32
      %dma_wait3A_212 = tpu.memref_slice %arg5[%dma_wait3A_210, %dma_wait3A_211] : memref<100000x128xf32, #tpu.memory_space<hbm>> -> memref<32x128xf32, #tpu.memory_space<hbm>>
      tpu.wait_dma2 semaphore(%arg36 : memref<!tpu.dma_semaphore, #tpu.memory_space<semaphore_mem>>) src(%dma_wait3A_212 : memref<32x128xf32, #tpu.memory_space<hbm>>) dst(%arg18 : memref<32x128xf32, #tpu.memory_space<vmem>>)
      %parallel_loop3A_213 = arith.constant 0 : i32
      %parallel_loop3A_214 = arith.constant 32 : i32
      %parallel_loop3A_215 = arith.constant 1 : i32
      scf.for %parallel_loop3A_403 = %parallel_loop3A_213 to %parallel_loop3A_214 step %parallel_loop3A_215  : i32 {
        %parallel_loop3A_404 = arith.index_cast %parallel_loop3A_403 : i32 to index
        %parallel_loop3A_405 = arith.constant 0 : index
        %parallel_loop3A_406 = tpu.vector_load %arg10[%parallel_loop3A_404, %parallel_loop3A_405] {strides = array<i32>} : memref<32x128xf32, #tpu.memory_space<vmem>>, vector<16xf32>,
        %parallel_loop3A_407 = arith.index_cast %parallel_loop3A_403 : i32 to index
        %parallel_loop3A_408 = arith.constant 0 : index
        %parallel_loop3A_409 = tpu.vector_load %arg18[%parallel_loop3A_407, %parallel_loop3A_408] {strides = array<i32>} : memref<32x128xf32, #tpu.memory_space<vmem>>, vector<16xf32>,
        %parallel_loop3A_410 = arith.mulf %parallel_loop3A_406, %parallel_loop3A_409 : vector<16xf32>
        %parallel_loop3A_411 = arith.index_cast %parallel_loop3A_403 : i32 to index
        %parallel_loop3A_412 = arith.constant 16 : index
        %parallel_loop3A_413 = tpu.vector_load %arg10[%parallel_loop3A_411, %parallel_loop3A_412] {strides = array<i32>} : memref<32x128xf32, #tpu.memory_space<vmem>>, vector<16xf32>,
        %parallel_loop3A_414 = arith.index_cast %parallel_loop3A_403 : i32 to index
        %parallel_loop3A_415 = arith.constant 16 : index
        %parallel_loop3A_416 = tpu.vector_load %arg18[%parallel_loop3A_414, %parallel_loop3A_415] {strides = array<i32>} : memref<32x128xf32, #tpu.memory_space<vmem>>, vector<16xf32>,
        %parallel_loop3A_417 = arith.mulf %parallel_loop3A_413, %parallel_loop3A_416 : vector<16xf32>
        %parallel_loop3A_418 = arith.index_cast %parallel_loop3A_403 : i32 to index
        %parallel_loop3A_419 = arith.constant 32 : index
        %parallel_loop3A_420 = tpu.vector_load %arg10[%parallel_loop3A_418, %parallel_loop3A_419] {strides = array<i32>} : memref<32x128xf32, #tpu.memory_space<vmem>>, vector<16xf32>,
        %parallel_loop3A_421 = arith.index_cast %parallel_loop3A_403 : i32 to index
        %parallel_loop3A_422 = arith.constant 32 : index
        %parallel_loop3A_423 = tpu.vector_load %arg18[%parallel_loop3A_421, %parallel_loop3A_422] {strides = array<i32>} : memref<32x128xf32, #tpu.memory_space<vmem>>, vector<16xf32>,
        %parallel_loop3A_424 = arith.mulf %parallel_loop3A_420, %parallel_loop3A_423 : vector<16xf32>
        %parallel_loop3A_425 = arith.index_cast %parallel_loop3A_403 : i32 to index
        %parallel_loop3A_426 = arith.constant 48 : index
        %parallel_loop3A_427 = tpu.vector_load %arg10[%parallel_loop3A_425, %parallel_loop3A_426] {strides = array<i32>} : memref<32x128xf32, #tpu.memory_space<vmem>>, vector<16xf32>,
        %parallel_loop3A_428 = arith.index_cast %parallel_loop3A_403 : i32 to index
        %parallel_loop3A_429 = arith.constant 48 : index
        %parallel_loop3A_430 = tpu.vector_load %arg18[%parallel_loop3A_428, %parallel_loop3A_429] {strides = array<i32>} : memref<32x128xf32, #tpu.memory_space<vmem>>, vector<16xf32>,
        %parallel_loop3A_431 = arith.mulf %parallel_loop3A_427, %parallel_loop3A_430 : vector<16xf32>
        %parallel_loop3A_432 = arith.index_cast %parallel_loop3A_403 : i32 to index
        %parallel_loop3A_433 = arith.constant 64 : index
        %parallel_loop3A_434 = tpu.vector_load %arg10[%parallel_loop3A_432, %parallel_loop3A_433] {strides = array<i32>} : memref<32x128xf32, #tpu.memory_space<vmem>>, vector<16xf32>,
        %parallel_loop3A_435 = arith.index_cast %parallel_loop3A_403 : i32 to index
        %parallel_loop3A_436 = arith.constant 64 : index
        %parallel_loop3A_437 = tpu.vector_load %arg18[%parallel_loop3A_435, %parallel_loop3A_436] {strides = array<i32>} : memref<32x128xf32, #tpu.memory_space<vmem>>, vector<16xf32>,
        %parallel_loop3A_438 = arith.mulf %parallel_loop3A_434, %parallel_loop3A_437 : vector<16xf32>
        %parallel_loop3A_439 = arith.index_cast %parallel_loop3A_403 : i32 to index
        %parallel_loop3A_440 = arith.constant 80 : index
        %parallel_loop3A_441 = tpu.vector_load %arg10[%parallel_loop3A_439, %parallel_loop3A_440] {strides = array<i32>} : memref<32x128xf32, #tpu.memory_space<vmem>>, vector<16xf32>,
        %parallel_loop3A_442 = arith.index_cast %parallel_loop3A_403 : i32 to index
        %parallel_loop3A_443 = arith.constant 80 : index
        %parallel_loop3A_444 = tpu.vector_load %arg18[%parallel_loop3A_442, %parallel_loop3A_443] {strides = array<i32>} : memref<32x128xf32, #tpu.memory_space<vmem>>, vector<16xf32>,
        %parallel_loop3A_445 = arith.mulf %parallel_loop3A_441, %parallel_loop3A_444 : vector<16xf32>
        %parallel_loop3A_446 = arith.index_cast %parallel_loop3A_403 : i32 to index
        %parallel_loop3A_447 = arith.constant 96 : index
        %parallel_loop3A_448 = tpu.vector_load %arg10[%parallel_loop3A_446, %parallel_loop3A_447] {strides = array<i32>} : memref<32x128xf32, #tpu.memory_space<vmem>>, vector<16xf32>,
        %parallel_loop3A_449 = arith.index_cast %parallel_loop3A_403 : i32 to index
        %parallel_loop3A_450 = arith.constant 96 : index
        %parallel_loop3A_451 = tpu.vector_load %arg18[%parallel_loop3A_449, %parallel_loop3A_450] {strides = array<i32>} : memref<32x128xf32, #tpu.memory_space<vmem>>, vector<16xf32>,
        %parallel_loop3A_452 = arith.mulf %parallel_loop3A_448, %parallel_loop3A_451 : vector<16xf32>
        %parallel_loop3A_453 = arith.index_cast %parallel_loop3A_403 : i32 to index
        %parallel_loop3A_454 = arith.constant 112 : index
        %parallel_loop3A_455 = tpu.vector_load %arg10[%parallel_loop3A_453, %parallel_loop3A_454] {strides = array<i32>} : memref<32x128xf32, #tpu.memory_space<vmem>>, vector<16xf32>,
        %parallel_loop3A_456 = arith.index_cast %parallel_loop3A_403 : i32 to index
        %parallel_loop3A_457 = arith.constant 112 : index
        %parallel_loop3A_458 = tpu.vector_load %arg18[%parallel_loop3A_456, %parallel_loop3A_457] {strides = array<i32>} : memref<32x128xf32, #tpu.memory_space<vmem>>, vector<16xf32>,
        %parallel_loop3A_459 = arith.mulf %parallel_loop3A_455, %parallel_loop3A_458 : vector<16xf32>
        %parallel_loop3A_460 = arith.addf %parallel_loop3A_410, %parallel_loop3A_417 : vector<16xf32>
        %parallel_loop3A_461 = arith.addf %parallel_loop3A_424, %parallel_loop3A_431 : vector<16xf32>
        %parallel_loop3A_462 = arith.addf %parallel_loop3A_438, %parallel_loop3A_445 : vector<16xf32>
        %parallel_loop3A_463 = arith.addf %parallel_loop3A_452, %parallel_loop3A_459 : vector<16xf32>
        %parallel_loop3A_464 = arith.addf %parallel_loop3A_460, %parallel_loop3A_461 : vector<16xf32>
        %parallel_loop3A_465 = arith.addf %parallel_loop3A_462, %parallel_loop3A_463 : vector<16xf32>
        %parallel_loop3A_466 = arith.addf %parallel_loop3A_464, %parallel_loop3A_465 : vector<16xf32>
        %parallel_loop3A_467 = arith.index_cast %parallel_loop3A_403 : i32 to index
        %parallel_loop3A_468 = arith.constant 0 : index
        %parallel_loop3A_469 = tpu.vector_load %arg25[%parallel_loop3A_467, %parallel_loop3A_468] {strides = array<i32>} : memref<32x17xf32, #tpu.memory_space<vmem>>, vector<16xf32>,
        tpu.vector_store %arg25[%parallel_loop3A_467, %parallel_loop3A_468], %parallel_loop3A_466 {strides = array<i32>} : memref<32x17xf32, #tpu.memory_space<vmem>>, vector<16xf32>,
      } {sc.loop_unroll_factor = 1 : i64, sc.parallel_access}
      %mul3A_216 = arith.constant 32 : i32
      %mul3A_217 = arith.muli %add3A_200, %mul3A_216 : i32
      %parallel_loop3A_218 = arith.constant 0 : i32
      %parallel_loop3A_219 = arith.constant 2 : i32
      %parallel_loop3A_220 = arith.constant 1 : i32
      scf.for %parallel_loop3A_403 = %parallel_loop3A_218 to %parallel_loop3A_219 step %parallel_loop3A_220  : i32 {
        %parallel_loop3A_404 = arith.constant 16 : i32
        %parallel_loop3A_405 = arith.muli %parallel_loop3A_403, %parallel_loop3A_404 : i32
        %parallel_loop3A_406 = vector.broadcast %parallel_loop3A_405 : i32 to vector<16xi32>
        %parallel_loop3A_407 = arith.addi %parallel_loop3A_406, %iota3A : vector<16xi32>
        %parallel_loop3A_408 = tpu.vector_load_idx %arg25[%parallel_loop3A_407, %broadcast_in_dim3A_3] : memref<32x17xf32, #tpu.memory_space<vmem>>[vector<16xi32>, vector<16xi32>], vector<16xf32>,
        %parallel_loop3A_409 = tpu.vector_load_idx %arg25[%parallel_loop3A_407, %broadcast_in_dim3A_5] : memref<32x17xf32, #tpu.memory_space<vmem>>[vector<16xi32>, vector<16xi32>], vector<16xf32>,
        %parallel_loop3A_410 = tpu.vector_load_idx %arg25[%parallel_loop3A_407, %broadcast_in_dim3A_7] : memref<32x17xf32, #tpu.memory_space<vmem>>[vector<16xi32>, vector<16xi32>], vector<16xf32>,
        %parallel_loop3A_411 = tpu.vector_load_idx %arg25[%parallel_loop3A_407, %broadcast_in_dim3A_9] : memref<32x17xf32, #tpu.memory_space<vmem>>[vector<16xi32>, vector<16xi32>], vector<16xf32>,
        %parallel_loop3A_412 = tpu.vector_load_idx %arg25[%parallel_loop3A_407, %broadcast_in_dim3A_11] : memref<32x17xf32, #tpu.memory_space<vmem>>[vector<16xi32>, vector<16xi32>], vector<16xf32>,
        %parallel_loop3A_413 = tpu.vector_load_idx %arg25[%parallel_loop3A_407, %broadcast_in_dim3A_13] : memref<32x17xf32, #tpu.memory_space<vmem>>[vector<16xi32>, vector<16xi32>], vector<16xf32>,
        %parallel_loop3A_414 = tpu.vector_load_idx %arg25[%parallel_loop3A_407, %broadcast_in_dim3A_15] : memref<32x17xf32, #tpu.memory_space<vmem>>[vector<16xi32>, vector<16xi32>], vector<16xf32>,
        %parallel_loop3A_415 = tpu.vector_load_idx %arg25[%parallel_loop3A_407, %broadcast_in_dim3A_17] : memref<32x17xf32, #tpu.memory_space<vmem>>[vector<16xi32>, vector<16xi32>], vector<16xf32>,
        %parallel_loop3A_416 = tpu.vector_load_idx %arg25[%parallel_loop3A_407, %broadcast_in_dim3A_19] : memref<32x17xf32, #tpu.memory_space<vmem>>[vector<16xi32>, vector<16xi32>], vector<16xf32>,
        %parallel_loop3A_417 = tpu.vector_load_idx %arg25[%parallel_loop3A_407, %broadcast_in_dim3A_21] : memref<32x17xf32, #tpu.memory_space<vmem>>[vector<16xi32>, vector<16xi32>], vector<16xf32>,
        %parallel_loop3A_418 = tpu.vector_load_idx %arg25[%parallel_loop3A_407, %broadcast_in_dim3A_23] : memref<32x17xf32, #tpu.memory_space<vmem>>[vector<16xi32>, vector<16xi32>], vector<16xf32>,
        %parallel_loop3A_419 = tpu.vector_load_idx %arg25[%parallel_loop3A_407, %broadcast_in_dim3A_25] : memref<32x17xf32, #tpu.memory_space<vmem>>[vector<16xi32>, vector<16xi32>], vector<16xf32>,
        %parallel_loop3A_420 = tpu.vector_load_idx %arg25[%parallel_loop3A_407, %broadcast_in_dim3A_27] : memref<32x17xf32, #tpu.memory_space<vmem>>[vector<16xi32>, vector<16xi32>], vector<16xf32>,
        %parallel_loop3A_421 = tpu.vector_load_idx %arg25[%parallel_loop3A_407, %broadcast_in_dim3A_29] : memref<32x17xf32, #tpu.memory_space<vmem>>[vector<16xi32>, vector<16xi32>], vector<16xf32>,
        %parallel_loop3A_422 = tpu.vector_load_idx %arg25[%parallel_loop3A_407, %broadcast_in_dim3A_31] : memref<32x17xf32, #tpu.memory_space<vmem>>[vector<16xi32>, vector<16xi32>], vector<16xf32>,
        %parallel_loop3A_423 = tpu.vector_load_idx %arg25[%parallel_loop3A_407, %broadcast_in_dim3A_33] : memref<32x17xf32, #tpu.memory_space<vmem>>[vector<16xi32>, vector<16xi32>], vector<16xf32>,
        %parallel_loop3A_424 = arith.addf %parallel_loop3A_408, %parallel_loop3A_409 : vector<16xf32>
        %parallel_loop3A_425 = arith.addf %parallel_loop3A_410, %parallel_loop3A_411 : vector<16xf32>
        %parallel_loop3A_426 = arith.addf %parallel_loop3A_412, %parallel_loop3A_413 : vector<16xf32>
        %parallel_loop3A_427 = arith.addf %parallel_loop3A_414, %parallel_loop3A_415 : vector<16xf32>
        %parallel_loop3A_428 = arith.addf %parallel_loop3A_416, %parallel_loop3A_417 : vector<16xf32>
        %parallel_loop3A_429 = arith.addf %parallel_loop3A_418, %parallel_loop3A_419 : vector<16xf32>
        %parallel_loop3A_430 = arith.addf %parallel_loop3A_420, %parallel_loop3A_421 : vector<16xf32>
        %parallel_loop3A_431 = arith.addf %parallel_loop3A_422, %parallel_loop3A_423 : vector<16xf32>
        %parallel_loop3A_432 = arith.addf %parallel_loop3A_424, %parallel_loop3A_425 : vector<16xf32>
        %parallel_loop3A_433 = arith.addf %parallel_loop3A_426, %parallel_loop3A_427 : vector<16xf32>
        %parallel_loop3A_434 = arith.addf %parallel_loop3A_428, %parallel_loop3A_429 : vector<16xf32>
        %parallel_loop3A_435 = arith.addf %parallel_loop3A_430, %parallel_loop3A_431 : vector<16xf32>
        %parallel_loop3A_436 = arith.addf %parallel_loop3A_432, %parallel_loop3A_433 : vector<16xf32>
        %parallel_loop3A_437 = arith.addf %parallel_loop3A_434, %parallel_loop3A_435 : vector<16xf32>
        %parallel_loop3A_438 = arith.addf %parallel_loop3A_436, %parallel_loop3A_437 : vector<16xf32>
        %parallel_loop3A_439 = arith.constant 16 : i32
        %parallel_loop3A_440 = arith.muli %parallel_loop3A_403, %parallel_loop3A_439 : i32
        %parallel_loop3A_441 = arith.addi %mul3A_217, %parallel_loop3A_440 : i32
        %parallel_loop3A_442 = arith.index_cast %parallel_loop3A_441 : i32 to index
        %parallel_loop3A_443 = tpu.vector_load %arg26[%parallel_loop3A_442] {strides = array<i32>} : memref<512xf32, #tpu.memory_space<vmem>>, vector<16xf32>,
        tpu.vector_store %arg26[%parallel_loop3A_442], %parallel_loop3A_438 {strides = array<i32>} : memref<512xf32, #tpu.memory_space<vmem>>, vector<16xf32>,
      } {sc.loop_unroll_factor = 1 : i64, sc.parallel_access}
      %add3A_221 = arith.constant 8 : i32
      %add3A_222 = arith.addi %add3A_200, %add3A_221 : i32
      %lt3A_223 = arith.constant 16 : i32
      %lt3A_224 = arith.cmpi slt, %add3A_222, %lt3A_223 : i32
      %convert_element_type3A_225 = arith.extui %lt3A_224 : i1 to i32
      %cond3A_226 = arith.constant 0 : i32
      %cond3A_227 = arith.cmpi ne, %convert_element_type3A_225, %cond3A_226 : i32
      scf.if %cond3A_227 {
        %add3A_403 = arith.constant 8 : i32
        %add3A_404 = arith.addi %add3A_200, %add3A_403 : i32
        %dma_start3A_405 = arith.constant 0 : i32
        %dma_start3A_406 = tpu.memref_slice %arg7[%add3A_404, %dma_start3A_405] : memref<16x32xi32, #tpu.memory_space<vmem>> -> memref<1x32xi32, #tpu.memory_space<vmem>>
        %dma_start3A_407 = tpu.memref_squeeze %dma_start3A_406 : memref<1x32xi32, #tpu.memory_space<vmem>> -> memref<32xi32, #tpu.memory_space<vmem>>
        %dma_start3A_408 = arith.constant 0 : i32
        %dma_start3A_409 = arith.constant 0 : i32
        %dma_start3A_410 = tpu.memref_slice %arg4[%dma_start3A_408, %dma_start3A_409] : memref<100000x128xf32, #tpu.memory_space<hbm>> -> memref<100000x128xf32, #tpu.memory_space<hbm>>
        tpu.enqueue_indirect_dma source(%dma_start3A_410 : memref<100000x128xf32, #tpu.memory_space<hbm>>) target(%arg10 : memref<32x128xf32, #tpu.memory_space<vmem>>) offsets(%dma_start3A_407 : memref<32xi32, #tpu.memory_space<vmem>>) semaphore(%arg28 : memref<!tpu.dma_semaphore, #tpu.memory_space<semaphore_mem>>)
        %add3A_411 = arith.constant 8 : i32
        %add3A_412 = arith.addi %add3A_200, %add3A_411 : i32
        %dma_start3A_413 = arith.constant 0 : i32
        %dma_start3A_414 = tpu.memref_slice %arg8[%add3A_412, %dma_start3A_413] : memref<16x32xi32, #tpu.memory_space<vmem>> -> memref<1x32xi32, #tpu.memory_space<vmem>>
        %dma_start3A_415 = tpu.memref_squeeze %dma_start3A_414 : memref<1x32xi32, #tpu.memory_space<vmem>> -> memref<32xi32, #tpu.memory_space<vmem>>
        %dma_start3A_416 = arith.constant 0 : i32
        %dma_start3A_417 = arith.constant 0 : i32
        %dma_start3A_418 = tpu.memref_slice %arg5[%dma_start3A_416, %dma_start3A_417] : memref<100000x128xf32, #tpu.memory_space<hbm>> -> memref<100000x128xf32, #tpu.memory_space<hbm>>
        tpu.enqueue_indirect_dma source(%dma_start3A_418 : memref<100000x128xf32, #tpu.memory_space<hbm>>) target(%arg18 : memref<32x128xf32, #tpu.memory_space<vmem>>) offsets(%dma_start3A_415 : memref<32xi32, #tpu.memory_space<vmem>>) semaphore(%arg36 : memref<!tpu.dma_semaphore, #tpu.memory_space<semaphore_mem>>)
      } else {
      }
      %add3A_228 = arith.constant 2 : i32
      %add3A_229 = arith.addi %mul3A_173, %add3A_228 : i32
      %dma_wait3A_230 = arith.constant 0 : i32
      %dma_wait3A_231 = arith.constant 0 : i32
      %dma_wait3A_232 = tpu.memref_slice %arg4[%dma_wait3A_230, %dma_wait3A_231] : memref<100000x128xf32, #tpu.memory_space<hbm>> -> memref<32x128xf32, #tpu.memory_space<hbm>>
      %dma_wait3A_233 = arith.constant 0 : i32
      %dma_wait3A_234 = arith.constant 0 : i32
      %dma_wait3A_235 = tpu.memref_slice %arg4[%dma_wait3A_233, %dma_wait3A_234] : memref<100000x128xf32, #tpu.memory_space<hbm>> -> memref<32x128xf32, #tpu.memory_space<hbm>>
      tpu.wait_dma2 semaphore(%arg29 : memref<!tpu.dma_semaphore, #tpu.memory_space<semaphore_mem>>) src(%dma_wait3A_235 : memref<32x128xf32, #tpu.memory_space<hbm>>) dst(%arg11 : memref<32x128xf32, #tpu.memory_space<vmem>>)
      %dma_wait3A_236 = arith.constant 0 : i32
      %dma_wait3A_237 = arith.constant 0 : i32
      %dma_wait3A_238 = tpu.memref_slice %arg5[%dma_wait3A_236, %dma_wait3A_237] : memref<100000x128xf32, #tpu.memory_space<hbm>> -> memref<32x128xf32, #tpu.memory_space<hbm>>
      %dma_wait3A_239 = arith.constant 0 : i32
      %dma_wait3A_240 = arith.constant 0 : i32
      %dma_wait3A_241 = tpu.memref_slice %arg5[%dma_wait3A_239, %dma_wait3A_240] : memref<100000x128xf32, #tpu.memory_space<hbm>> -> memref<32x128xf32, #tpu.memory_space<hbm>>
      tpu.wait_dma2 semaphore(%arg37 : memref<!tpu.dma_semaphore, #tpu.memory_space<semaphore_mem>>) src(%dma_wait3A_241 : memref<32x128xf32, #tpu.memory_space<hbm>>) dst(%arg19 : memref<32x128xf32, #tpu.memory_space<vmem>>)
      %parallel_loop3A_242 = arith.constant 0 : i32
      %parallel_loop3A_243 = arith.constant 32 : i32
      %parallel_loop3A_244 = arith.constant 1 : i32
      scf.for %parallel_loop3A_403 = %parallel_loop3A_242 to %parallel_loop3A_243 step %parallel_loop3A_244  : i32 {
        %parallel_loop3A_404 = arith.index_cast %parallel_loop3A_403 : i32 to index
        %parallel_loop3A_405 = arith.constant 0 : index
        %parallel_loop3A_406 = tpu.vector_load %arg11[%parallel_loop3A_404, %parallel_loop3A_405] {strides = array<i32>} : memref<32x128xf32, #tpu.memory_space<vmem>>, vector<16xf32>,
        %parallel_loop3A_407 = arith.index_cast %parallel_loop3A_403 : i32 to index
        %parallel_loop3A_408 = arith.constant 0 : index
        %parallel_loop3A_409 = tpu.vector_load %arg19[%parallel_loop3A_407, %parallel_loop3A_408] {strides = array<i32>} : memref<32x128xf32, #tpu.memory_space<vmem>>, vector<16xf32>,
        %parallel_loop3A_410 = arith.mulf %parallel_loop3A_406, %parallel_loop3A_409 : vector<16xf32>
        %parallel_loop3A_411 = arith.index_cast %parallel_loop3A_403 : i32 to index
        %parallel_loop3A_412 = arith.constant 16 : index
        %parallel_loop3A_413 = tpu.vector_load %arg11[%parallel_loop3A_411, %parallel_loop3A_412] {strides = array<i32>} : memref<32x128xf32, #tpu.memory_space<vmem>>, vector<16xf32>,
        %parallel_loop3A_414 = arith.index_cast %parallel_loop3A_403 : i32 to index
        %parallel_loop3A_415 = arith.constant 16 : index
        %parallel_loop3A_416 = tpu.vector_load %arg19[%parallel_loop3A_414, %parallel_loop3A_415] {strides = array<i32>} : memref<32x128xf32, #tpu.memory_space<vmem>>, vector<16xf32>,
        %parallel_loop3A_417 = arith.mulf %parallel_loop3A_413, %parallel_loop3A_416 : vector<16xf32>
        %parallel_loop3A_418 = arith.index_cast %parallel_loop3A_403 : i32 to index
        %parallel_loop3A_419 = arith.constant 32 : index
        %parallel_loop3A_420 = tpu.vector_load %arg11[%parallel_loop3A_418, %parallel_loop3A_419] {strides = array<i32>} : memref<32x128xf32, #tpu.memory_space<vmem>>, vector<16xf32>,
        %parallel_loop3A_421 = arith.index_cast %parallel_loop3A_403 : i32 to index
        %parallel_loop3A_422 = arith.constant 32 : index
        %parallel_loop3A_423 = tpu.vector_load %arg19[%parallel_loop3A_421, %parallel_loop3A_422] {strides = array<i32>} : memref<32x128xf32, #tpu.memory_space<vmem>>, vector<16xf32>,
        %parallel_loop3A_424 = arith.mulf %parallel_loop3A_420, %parallel_loop3A_423 : vector<16xf32>
        %parallel_loop3A_425 = arith.index_cast %parallel_loop3A_403 : i32 to index
        %parallel_loop3A_426 = arith.constant 48 : index
        %parallel_loop3A_427 = tpu.vector_load %arg11[%parallel_loop3A_425, %parallel_loop3A_426] {strides = array<i32>} : memref<32x128xf32, #tpu.memory_space<vmem>>, vector<16xf32>,
        %parallel_loop3A_428 = arith.index_cast %parallel_loop3A_403 : i32 to index
        %parallel_loop3A_429 = arith.constant 48 : index
        %parallel_loop3A_430 = tpu.vector_load %arg19[%parallel_loop3A_428, %parallel_loop3A_429] {strides = array<i32>} : memref<32x128xf32, #tpu.memory_space<vmem>>, vector<16xf32>,
        %parallel_loop3A_431 = arith.mulf %parallel_loop3A_427, %parallel_loop3A_430 : vector<16xf32>
        %parallel_loop3A_432 = arith.index_cast %parallel_loop3A_403 : i32 to index
        %parallel_loop3A_433 = arith.constant 64 : index
        %parallel_loop3A_434 = tpu.vector_load %arg11[%parallel_loop3A_432, %parallel_loop3A_433] {strides = array<i32>} : memref<32x128xf32, #tpu.memory_space<vmem>>, vector<16xf32>,
        %parallel_loop3A_435 = arith.index_cast %parallel_loop3A_403 : i32 to index
        %parallel_loop3A_436 = arith.constant 64 : index
        %parallel_loop3A_437 = tpu.vector_load %arg19[%parallel_loop3A_435, %parallel_loop3A_436] {strides = array<i32>} : memref<32x128xf32, #tpu.memory_space<vmem>>, vector<16xf32>,
        %parallel_loop3A_438 = arith.mulf %parallel_loop3A_434, %parallel_loop3A_437 : vector<16xf32>
        %parallel_loop3A_439 = arith.index_cast %parallel_loop3A_403 : i32 to index
        %parallel_loop3A_440 = arith.constant 80 : index
        %parallel_loop3A_441 = tpu.vector_load %arg11[%parallel_loop3A_439, %parallel_loop3A_440] {strides = array<i32>} : memref<32x128xf32, #tpu.memory_space<vmem>>, vector<16xf32>,
        %parallel_loop3A_442 = arith.index_cast %parallel_loop3A_403 : i32 to index
        %parallel_loop3A_443 = arith.constant 80 : index
        %parallel_loop3A_444 = tpu.vector_load %arg19[%parallel_loop3A_442, %parallel_loop3A_443] {strides = array<i32>} : memref<32x128xf32, #tpu.memory_space<vmem>>, vector<16xf32>,
        %parallel_loop3A_445 = arith.mulf %parallel_loop3A_441, %parallel_loop3A_444 : vector<16xf32>
        %parallel_loop3A_446 = arith.index_cast %parallel_loop3A_403 : i32 to index
        %parallel_loop3A_447 = arith.constant 96 : index
        %parallel_loop3A_448 = tpu.vector_load %arg11[%parallel_loop3A_446, %parallel_loop3A_447] {strides = array<i32>} : memref<32x128xf32, #tpu.memory_space<vmem>>, vector<16xf32>,
        %parallel_loop3A_449 = arith.index_cast %parallel_loop3A_403 : i32 to index
        %parallel_loop3A_450 = arith.constant 96 : index
        %parallel_loop3A_451 = tpu.vector_load %arg19[%parallel_loop3A_449, %parallel_loop3A_450] {strides = array<i32>} : memref<32x128xf32, #tpu.memory_space<vmem>>, vector<16xf32>,
        %parallel_loop3A_452 = arith.mulf %parallel_loop3A_448, %parallel_loop3A_451 : vector<16xf32>
        %parallel_loop3A_453 = arith.index_cast %parallel_loop3A_403 : i32 to index
        %parallel_loop3A_454 = arith.constant 112 : index
        %parallel_loop3A_455 = tpu.vector_load %arg11[%parallel_loop3A_453, %parallel_loop3A_454] {strides = array<i32>} : memref<32x128xf32, #tpu.memory_space<vmem>>, vector<16xf32>,
        %parallel_loop3A_456 = arith.index_cast %parallel_loop3A_403 : i32 to index
        %parallel_loop3A_457 = arith.constant 112 : index
        %parallel_loop3A_458 = tpu.vector_load %arg19[%parallel_loop3A_456, %parallel_loop3A_457] {strides = array<i32>} : memref<32x128xf32, #tpu.memory_space<vmem>>, vector<16xf32>,
        %parallel_loop3A_459 = arith.mulf %parallel_loop3A_455, %parallel_loop3A_458 : vector<16xf32>
        %parallel_loop3A_460 = arith.addf %parallel_loop3A_410, %parallel_loop3A_417 : vector<16xf32>
        %parallel_loop3A_461 = arith.addf %parallel_loop3A_424, %parallel_loop3A_431 : vector<16xf32>
        %parallel_loop3A_462 = arith.addf %parallel_loop3A_438, %parallel_loop3A_445 : vector<16xf32>
        %parallel_loop3A_463 = arith.addf %parallel_loop3A_452, %parallel_loop3A_459 : vector<16xf32>
        %parallel_loop3A_464 = arith.addf %parallel_loop3A_460, %parallel_loop3A_461 : vector<16xf32>
        %parallel_loop3A_465 = arith.addf %parallel_loop3A_462, %parallel_loop3A_463 : vector<16xf32>
        %parallel_loop3A_466 = arith.addf %parallel_loop3A_464, %parallel_loop3A_465 : vector<16xf32>
        %parallel_loop3A_467 = arith.index_cast %parallel_loop3A_403 : i32 to index
        %parallel_loop3A_468 = arith.constant 0 : index
        %parallel_loop3A_469 = tpu.vector_load %arg25[%parallel_loop3A_467, %parallel_loop3A_468] {strides = array<i32>} : memref<32x17xf32, #tpu.memory_space<vmem>>, vector<16xf32>,
        tpu.vector_store %arg25[%parallel_loop3A_467, %parallel_loop3A_468], %parallel_loop3A_466 {strides = array<i32>} : memref<32x17xf32, #tpu.memory_space<vmem>>, vector<16xf32>,
      } {sc.loop_unroll_factor = 1 : i64, sc.parallel_access}
      %mul3A_245 = arith.constant 32 : i32
      %mul3A_246 = arith.muli %add3A_229, %mul3A_245 : i32
      %parallel_loop3A_247 = arith.constant 0 : i32
      %parallel_loop3A_248 = arith.constant 2 : i32
      %parallel_loop3A_249 = arith.constant 1 : i32
      scf.for %parallel_loop3A_403 = %parallel_loop3A_247 to %parallel_loop3A_248 step %parallel_loop3A_249  : i32 {
        %parallel_loop3A_404 = arith.constant 16 : i32
        %parallel_loop3A_405 = arith.muli %parallel_loop3A_403, %parallel_loop3A_404 : i32
        %parallel_loop3A_406 = vector.broadcast %parallel_loop3A_405 : i32 to vector<16xi32>
        %parallel_loop3A_407 = arith.addi %parallel_loop3A_406, %iota3A : vector<16xi32>
        %parallel_loop3A_408 = tpu.vector_load_idx %arg25[%parallel_loop3A_407, %broadcast_in_dim3A_3] : memref<32x17xf32, #tpu.memory_space<vmem>>[vector<16xi32>, vector<16xi32>], vector<16xf32>,
        %parallel_loop3A_409 = tpu.vector_load_idx %arg25[%parallel_loop3A_407, %broadcast_in_dim3A_5] : memref<32x17xf32, #tpu.memory_space<vmem>>[vector<16xi32>, vector<16xi32>], vector<16xf32>,
        %parallel_loop3A_410 = tpu.vector_load_idx %arg25[%parallel_loop3A_407, %broadcast_in_dim3A_7] : memref<32x17xf32, #tpu.memory_space<vmem>>[vector<16xi32>, vector<16xi32>], vector<16xf32>,
        %parallel_loop3A_411 = tpu.vector_load_idx %arg25[%parallel_loop3A_407, %broadcast_in_dim3A_9] : memref<32x17xf32, #tpu.memory_space<vmem>>[vector<16xi32>, vector<16xi32>], vector<16xf32>,
        %parallel_loop3A_412 = tpu.vector_load_idx %arg25[%parallel_loop3A_407, %broadcast_in_dim3A_11] : memref<32x17xf32, #tpu.memory_space<vmem>>[vector<16xi32>, vector<16xi32>], vector<16xf32>,
        %parallel_loop3A_413 = tpu.vector_load_idx %arg25[%parallel_loop3A_407, %broadcast_in_dim3A_13] : memref<32x17xf32, #tpu.memory_space<vmem>>[vector<16xi32>, vector<16xi32>], vector<16xf32>,
        %parallel_loop3A_414 = tpu.vector_load_idx %arg25[%parallel_loop3A_407, %broadcast_in_dim3A_15] : memref<32x17xf32, #tpu.memory_space<vmem>>[vector<16xi32>, vector<16xi32>], vector<16xf32>,
        %parallel_loop3A_415 = tpu.vector_load_idx %arg25[%parallel_loop3A_407, %broadcast_in_dim3A_17] : memref<32x17xf32, #tpu.memory_space<vmem>>[vector<16xi32>, vector<16xi32>], vector<16xf32>,
        %parallel_loop3A_416 = tpu.vector_load_idx %arg25[%parallel_loop3A_407, %broadcast_in_dim3A_19] : memref<32x17xf32, #tpu.memory_space<vmem>>[vector<16xi32>, vector<16xi32>], vector<16xf32>,
        %parallel_loop3A_417 = tpu.vector_load_idx %arg25[%parallel_loop3A_407, %broadcast_in_dim3A_21] : memref<32x17xf32, #tpu.memory_space<vmem>>[vector<16xi32>, vector<16xi32>], vector<16xf32>,
        %parallel_loop3A_418 = tpu.vector_load_idx %arg25[%parallel_loop3A_407, %broadcast_in_dim3A_23] : memref<32x17xf32, #tpu.memory_space<vmem>>[vector<16xi32>, vector<16xi32>], vector<16xf32>,
        %parallel_loop3A_419 = tpu.vector_load_idx %arg25[%parallel_loop3A_407, %broadcast_in_dim3A_25] : memref<32x17xf32, #tpu.memory_space<vmem>>[vector<16xi32>, vector<16xi32>], vector<16xf32>,
        %parallel_loop3A_420 = tpu.vector_load_idx %arg25[%parallel_loop3A_407, %broadcast_in_dim3A_27] : memref<32x17xf32, #tpu.memory_space<vmem>>[vector<16xi32>, vector<16xi32>], vector<16xf32>,
        %parallel_loop3A_421 = tpu.vector_load_idx %arg25[%parallel_loop3A_407, %broadcast_in_dim3A_29] : memref<32x17xf32, #tpu.memory_space<vmem>>[vector<16xi32>, vector<16xi32>], vector<16xf32>,
        %parallel_loop3A_422 = tpu.vector_load_idx %arg25[%parallel_loop3A_407, %broadcast_in_dim3A_31] : memref<32x17xf32, #tpu.memory_space<vmem>>[vector<16xi32>, vector<16xi32>], vector<16xf32>,
        %parallel_loop3A_423 = tpu.vector_load_idx %arg25[%parallel_loop3A_407, %broadcast_in_dim3A_33] : memref<32x17xf32, #tpu.memory_space<vmem>>[vector<16xi32>, vector<16xi32>], vector<16xf32>,
        %parallel_loop3A_424 = arith.addf %parallel_loop3A_408, %parallel_loop3A_409 : vector<16xf32>
        %parallel_loop3A_425 = arith.addf %parallel_loop3A_410, %parallel_loop3A_411 : vector<16xf32>
        %parallel_loop3A_426 = arith.addf %parallel_loop3A_412, %parallel_loop3A_413 : vector<16xf32>
        %parallel_loop3A_427 = arith.addf %parallel_loop3A_414, %parallel_loop3A_415 : vector<16xf32>
        %parallel_loop3A_428 = arith.addf %parallel_loop3A_416, %parallel_loop3A_417 : vector<16xf32>
        %parallel_loop3A_429 = arith.addf %parallel_loop3A_418, %parallel_loop3A_419 : vector<16xf32>
        %parallel_loop3A_430 = arith.addf %parallel_loop3A_420, %parallel_loop3A_421 : vector<16xf32>
        %parallel_loop3A_431 = arith.addf %parallel_loop3A_422, %parallel_loop3A_423 : vector<16xf32>
        %parallel_loop3A_432 = arith.addf %parallel_loop3A_424, %parallel_loop3A_425 : vector<16xf32>
        %parallel_loop3A_433 = arith.addf %parallel_loop3A_426, %parallel_loop3A_427 : vector<16xf32>
        %parallel_loop3A_434 = arith.addf %parallel_loop3A_428, %parallel_loop3A_429 : vector<16xf32>
        %parallel_loop3A_435 = arith.addf %parallel_loop3A_430, %parallel_loop3A_431 : vector<16xf32>
        %parallel_loop3A_436 = arith.addf %parallel_loop3A_432, %parallel_loop3A_433 : vector<16xf32>
        %parallel_loop3A_437 = arith.addf %parallel_loop3A_434, %parallel_loop3A_435 : vector<16xf32>
        %parallel_loop3A_438 = arith.addf %parallel_loop3A_436, %parallel_loop3A_437 : vector<16xf32>
        %parallel_loop3A_439 = arith.constant 16 : i32
        %parallel_loop3A_440 = arith.muli %parallel_loop3A_403, %parallel_loop3A_439 : i32
        %parallel_loop3A_441 = arith.addi %mul3A_246, %parallel_loop3A_440 : i32
        %parallel_loop3A_442 = arith.index_cast %parallel_loop3A_441 : i32 to index
        %parallel_loop3A_443 = tpu.vector_load %arg26[%parallel_loop3A_442] {strides = array<i32>} : memref<512xf32, #tpu.memory_space<vmem>>, vector<16xf32>,
        tpu.vector_store %arg26[%parallel_loop3A_442], %parallel_loop3A_438 {strides = array<i32>} : memref<512xf32, #tpu.memory_space<vmem>>, vector<16xf32>,
      } {sc.loop_unroll_factor = 1 : i64, sc.parallel_access}
      %add3A_250 = arith.constant 8 : i32
      %add3A_251 = arith.addi %add3A_229, %add3A_250 : i32
      %lt3A_252 = arith.constant 16 : i32
      %lt3A_253 = arith.cmpi slt, %add3A_251, %lt3A_252 : i32
      %convert_element_type3A_254 = arith.extui %lt3A_253 : i1 to i32
      %cond3A_255 = arith.constant 0 : i32
      %cond3A_256 = arith.cmpi ne, %convert_element_type3A_254, %cond3A_255 : i32
      scf.if %cond3A_256 {
        %add3A_403 = arith.constant 8 : i32
        %add3A_404 = arith.addi %add3A_229, %add3A_403 : i32
        %dma_start3A_405 = arith.constant 0 : i32
        %dma_start3A_406 = tpu.memref_slice %arg7[%add3A_404, %dma_start3A_405] : memref<16x32xi32, #tpu.memory_space<vmem>> -> memref<1x32xi32, #tpu.memory_space<vmem>>
        %dma_start3A_407 = tpu.memref_squeeze %dma_start3A_406 : memref<1x32xi32, #tpu.memory_space<vmem>> -> memref<32xi32, #tpu.memory_space<vmem>>
        %dma_start3A_408 = arith.constant 0 : i32
        %dma_start3A_409 = arith.constant 0 : i32
        %dma_start3A_410 = tpu.memref_slice %arg4[%dma_start3A_408, %dma_start3A_409] : memref<100000x128xf32, #tpu.memory_space<hbm>> -> memref<100000x128xf32, #tpu.memory_space<hbm>>
        tpu.enqueue_indirect_dma source(%dma_start3A_410 : memref<100000x128xf32, #tpu.memory_space<hbm>>) target(%arg11 : memref<32x128xf32, #tpu.memory_space<vmem>>) offsets(%dma_start3A_407 : memref<32xi32, #tpu.memory_space<vmem>>) semaphore(%arg29 : memref<!tpu.dma_semaphore, #tpu.memory_space<semaphore_mem>>)
        %add3A_411 = arith.constant 8 : i32
        %add3A_412 = arith.addi %add3A_229, %add3A_411 : i32
        %dma_start3A_413 = arith.constant 0 : i32
        %dma_start3A_414 = tpu.memref_slice %arg8[%add3A_412, %dma_start3A_413] : memref<16x32xi32, #tpu.memory_space<vmem>> -> memref<1x32xi32, #tpu.memory_space<vmem>>
        %dma_start3A_415 = tpu.memref_squeeze %dma_start3A_414 : memref<1x32xi32, #tpu.memory_space<vmem>> -> memref<32xi32, #tpu.memory_space<vmem>>
        %dma_start3A_416 = arith.constant 0 : i32
        %dma_start3A_417 = arith.constant 0 : i32
        %dma_start3A_418 = tpu.memref_slice %arg5[%dma_start3A_416, %dma_start3A_417] : memref<100000x128xf32, #tpu.memory_space<hbm>> -> memref<100000x128xf32, #tpu.memory_space<hbm>>
        tpu.enqueue_indirect_dma source(%dma_start3A_418 : memref<100000x128xf32, #tpu.memory_space<hbm>>) target(%arg19 : memref<32x128xf32, #tpu.memory_space<vmem>>) offsets(%dma_start3A_415 : memref<32xi32, #tpu.memory_space<vmem>>) semaphore(%arg37 : memref<!tpu.dma_semaphore, #tpu.memory_space<semaphore_mem>>)
      } else {
      }
      %add3A_257 = arith.constant 3 : i32
      %add3A_258 = arith.addi %mul3A_173, %add3A_257 : i32
      %dma_wait3A_259 = arith.constant 0 : i32
      %dma_wait3A_260 = arith.constant 0 : i32
      %dma_wait3A_261 = tpu.memref_slice %arg4[%dma_wait3A_259, %dma_wait3A_260] : memref<100000x128xf32, #tpu.memory_space<hbm>> -> memref<32x128xf32, #tpu.memory_space<hbm>>
      %dma_wait3A_262 = arith.constant 0 : i32
      %dma_wait3A_263 = arith.constant 0 : i32
      %dma_wait3A_264 = tpu.memref_slice %arg4[%dma_wait3A_262, %dma_wait3A_263] : memref<100000x128xf32, #tpu.memory_space<hbm>> -> memref<32x128xf32, #tpu.memory_space<hbm>>
      tpu.wait_dma2 semaphore(%arg30 : memref<!tpu.dma_semaphore, #tpu.memory_space<semaphore_mem>>) src(%dma_wait3A_264 : memref<32x128xf32, #tpu.memory_space<hbm>>) dst(%arg12 : memref<32x128xf32, #tpu.memory_space<vmem>>)
      %dma_wait3A_265 = arith.constant 0 : i32
      %dma_wait3A_266 = arith.constant 0 : i32
      %dma_wait3A_267 = tpu.memref_slice %arg5[%dma_wait3A_265, %dma_wait3A_266] : memref<100000x128xf32, #tpu.memory_space<hbm>> -> memref<32x128xf32, #tpu.memory_space<hbm>>
      %dma_wait3A_268 = arith.constant 0 : i32
      %dma_wait3A_269 = arith.constant 0 : i32
      %dma_wait3A_270 = tpu.memref_slice %arg5[%dma_wait3A_268, %dma_wait3A_269] : memref<100000x128xf32, #tpu.memory_space<hbm>> -> memref<32x128xf32, #tpu.memory_space<hbm>>
      tpu.wait_dma2 semaphore(%arg38 : memref<!tpu.dma_semaphore, #tpu.memory_space<semaphore_mem>>) src(%dma_wait3A_270 : memref<32x128xf32, #tpu.memory_space<hbm>>) dst(%arg20 : memref<32x128xf32, #tpu.memory_space<vmem>>)
      %parallel_loop3A_271 = arith.constant 0 : i32
      %parallel_loop3A_272 = arith.constant 32 : i32
      %parallel_loop3A_273 = arith.constant 1 : i32
      scf.for %parallel_loop3A_403 = %parallel_loop3A_271 to %parallel_loop3A_272 step %parallel_loop3A_273  : i32 {
        %parallel_loop3A_404 = arith.index_cast %parallel_loop3A_403 : i32 to index
        %parallel_loop3A_405 = arith.constant 0 : index
        %parallel_loop3A_406 = tpu.vector_load %arg12[%parallel_loop3A_404, %parallel_loop3A_405] {strides = array<i32>} : memref<32x128xf32, #tpu.memory_space<vmem>>, vector<16xf32>,
        %parallel_loop3A_407 = arith.index_cast %parallel_loop3A_403 : i32 to index
        %parallel_loop3A_408 = arith.constant 0 : index
        %parallel_loop3A_409 = tpu.vector_load %arg20[%parallel_loop3A_407, %parallel_loop3A_408] {strides = array<i32>} : memref<32x128xf32, #tpu.memory_space<vmem>>, vector<16xf32>,
        %parallel_loop3A_410 = arith.mulf %parallel_loop3A_406, %parallel_loop3A_409 : vector<16xf32>
        %parallel_loop3A_411 = arith.index_cast %parallel_loop3A_403 : i32 to index
        %parallel_loop3A_412 = arith.constant 16 : index
        %parallel_loop3A_413 = tpu.vector_load %arg12[%parallel_loop3A_411, %parallel_loop3A_412] {strides = array<i32>} : memref<32x128xf32, #tpu.memory_space<vmem>>, vector<16xf32>,
        %parallel_loop3A_414 = arith.index_cast %parallel_loop3A_403 : i32 to index
        %parallel_loop3A_415 = arith.constant 16 : index
        %parallel_loop3A_416 = tpu.vector_load %arg20[%parallel_loop3A_414, %parallel_loop3A_415] {strides = array<i32>} : memref<32x128xf32, #tpu.memory_space<vmem>>, vector<16xf32>,
        %parallel_loop3A_417 = arith.mulf %parallel_loop3A_413, %parallel_loop3A_416 : vector<16xf32>
        %parallel_loop3A_418 = arith.index_cast %parallel_loop3A_403 : i32 to index
        %parallel_loop3A_419 = arith.constant 32 : index
        %parallel_loop3A_420 = tpu.vector_load %arg12[%parallel_loop3A_418, %parallel_loop3A_419] {strides = array<i32>} : memref<32x128xf32, #tpu.memory_space<vmem>>, vector<16xf32>,
        %parallel_loop3A_421 = arith.index_cast %parallel_loop3A_403 : i32 to index
        %parallel_loop3A_422 = arith.constant 32 : index
        %parallel_loop3A_423 = tpu.vector_load %arg20[%parallel_loop3A_421, %parallel_loop3A_422] {strides = array<i32>} : memref<32x128xf32, #tpu.memory_space<vmem>>, vector<16xf32>,
        %parallel_loop3A_424 = arith.mulf %parallel_loop3A_420, %parallel_loop3A_423 : vector<16xf32>
        %parallel_loop3A_425 = arith.index_cast %parallel_loop3A_403 : i32 to index
        %parallel_loop3A_426 = arith.constant 48 : index
        %parallel_loop3A_427 = tpu.vector_load %arg12[%parallel_loop3A_425, %parallel_loop3A_426] {strides = array<i32>} : memref<32x128xf32, #tpu.memory_space<vmem>>, vector<16xf32>,
        %parallel_loop3A_428 = arith.index_cast %parallel_loop3A_403 : i32 to index
        %parallel_loop3A_429 = arith.constant 48 : index
        %parallel_loop3A_430 = tpu.vector_load %arg20[%parallel_loop3A_428, %parallel_loop3A_429] {strides = array<i32>} : memref<32x128xf32, #tpu.memory_space<vmem>>, vector<16xf32>,
        %parallel_loop3A_431 = arith.mulf %parallel_loop3A_427, %parallel_loop3A_430 : vector<16xf32>
        %parallel_loop3A_432 = arith.index_cast %parallel_loop3A_403 : i32 to index
        %parallel_loop3A_433 = arith.constant 64 : index
        %parallel_loop3A_434 = tpu.vector_load %arg12[%parallel_loop3A_432, %parallel_loop3A_433] {strides = array<i32>} : memref<32x128xf32, #tpu.memory_space<vmem>>, vector<16xf32>,
        %parallel_loop3A_435 = arith.index_cast %parallel_loop3A_403 : i32 to index
        %parallel_loop3A_436 = arith.constant 64 : index
        %parallel_loop3A_437 = tpu.vector_load %arg20[%parallel_loop3A_435, %parallel_loop3A_436] {strides = array<i32>} : memref<32x128xf32, #tpu.memory_space<vmem>>, vector<16xf32>,
        %parallel_loop3A_438 = arith.mulf %parallel_loop3A_434, %parallel_loop3A_437 : vector<16xf32>
        %parallel_loop3A_439 = arith.index_cast %parallel_loop3A_403 : i32 to index
        %parallel_loop3A_440 = arith.constant 80 : index
        %parallel_loop3A_441 = tpu.vector_load %arg12[%parallel_loop3A_439, %parallel_loop3A_440] {strides = array<i32>} : memref<32x128xf32, #tpu.memory_space<vmem>>, vector<16xf32>,
        %parallel_loop3A_442 = arith.index_cast %parallel_loop3A_403 : i32 to index
        %parallel_loop3A_443 = arith.constant 80 : index
        %parallel_loop3A_444 = tpu.vector_load %arg20[%parallel_loop3A_442, %parallel_loop3A_443] {strides = array<i32>} : memref<32x128xf32, #tpu.memory_space<vmem>>, vector<16xf32>,
        %parallel_loop3A_445 = arith.mulf %parallel_loop3A_441, %parallel_loop3A_444 : vector<16xf32>
        %parallel_loop3A_446 = arith.index_cast %parallel_loop3A_403 : i32 to index
        %parallel_loop3A_447 = arith.constant 96 : index
        %parallel_loop3A_448 = tpu.vector_load %arg12[%parallel_loop3A_446, %parallel_loop3A_447] {strides = array<i32>} : memref<32x128xf32, #tpu.memory_space<vmem>>, vector<16xf32>,
        %parallel_loop3A_449 = arith.index_cast %parallel_loop3A_403 : i32 to index
        %parallel_loop3A_450 = arith.constant 96 : index
        %parallel_loop3A_451 = tpu.vector_load %arg20[%parallel_loop3A_449, %parallel_loop3A_450] {strides = array<i32>} : memref<32x128xf32, #tpu.memory_space<vmem>>, vector<16xf32>,
        %parallel_loop3A_452 = arith.mulf %parallel_loop3A_448, %parallel_loop3A_451 : vector<16xf32>
        %parallel_loop3A_453 = arith.index_cast %parallel_loop3A_403 : i32 to index
        %parallel_loop3A_454 = arith.constant 112 : index
        %parallel_loop3A_455 = tpu.vector_load %arg12[%parallel_loop3A_453, %parallel_loop3A_454] {strides = array<i32>} : memref<32x128xf32, #tpu.memory_space<vmem>>, vector<16xf32>,
        %parallel_loop3A_456 = arith.index_cast %parallel_loop3A_403 : i32 to index
        %parallel_loop3A_457 = arith.constant 112 : index
        %parallel_loop3A_458 = tpu.vector_load %arg20[%parallel_loop3A_456, %parallel_loop3A_457] {strides = array<i32>} : memref<32x128xf32, #tpu.memory_space<vmem>>, vector<16xf32>,
        %parallel_loop3A_459 = arith.mulf %parallel_loop3A_455, %parallel_loop3A_458 : vector<16xf32>
        %parallel_loop3A_460 = arith.addf %parallel_loop3A_410, %parallel_loop3A_417 : vector<16xf32>
        %parallel_loop3A_461 = arith.addf %parallel_loop3A_424, %parallel_loop3A_431 : vector<16xf32>
        %parallel_loop3A_462 = arith.addf %parallel_loop3A_438, %parallel_loop3A_445 : vector<16xf32>
        %parallel_loop3A_463 = arith.addf %parallel_loop3A_452, %parallel_loop3A_459 : vector<16xf32>
        %parallel_loop3A_464 = arith.addf %parallel_loop3A_460, %parallel_loop3A_461 : vector<16xf32>
        %parallel_loop3A_465 = arith.addf %parallel_loop3A_462, %parallel_loop3A_463 : vector<16xf32>
        %parallel_loop3A_466 = arith.addf %parallel_loop3A_464, %parallel_loop3A_465 : vector<16xf32>
        %parallel_loop3A_467 = arith.index_cast %parallel_loop3A_403 : i32 to index
        %parallel_loop3A_468 = arith.constant 0 : index
        %parallel_loop3A_469 = tpu.vector_load %arg25[%parallel_loop3A_467, %parallel_loop3A_468] {strides = array<i32>} : memref<32x17xf32, #tpu.memory_space<vmem>>, vector<16xf32>,
        tpu.vector_store %arg25[%parallel_loop3A_467, %parallel_loop3A_468], %parallel_loop3A_466 {strides = array<i32>} : memref<32x17xf32, #tpu.memory_space<vmem>>, vector<16xf32>,
      } {sc.loop_unroll_factor = 1 : i64, sc.parallel_access}
      %mul3A_274 = arith.constant 32 : i32
      %mul3A_275 = arith.muli %add3A_258, %mul3A_274 : i32
      %parallel_loop3A_276 = arith.constant 0 : i32
      %parallel_loop3A_277 = arith.constant 2 : i32
      %parallel_loop3A_278 = arith.constant 1 : i32
      scf.for %parallel_loop3A_403 = %parallel_loop3A_276 to %parallel_loop3A_277 step %parallel_loop3A_278  : i32 {
        %parallel_loop3A_404 = arith.constant 16 : i32
        %parallel_loop3A_405 = arith.muli %parallel_loop3A_403, %parallel_loop3A_404 : i32
        %parallel_loop3A_406 = vector.broadcast %parallel_loop3A_405 : i32 to vector<16xi32>
        %parallel_loop3A_407 = arith.addi %parallel_loop3A_406, %iota3A : vector<16xi32>
        %parallel_loop3A_408 = tpu.vector_load_idx %arg25[%parallel_loop3A_407, %broadcast_in_dim3A_3] : memref<32x17xf32, #tpu.memory_space<vmem>>[vector<16xi32>, vector<16xi32>], vector<16xf32>,
        %parallel_loop3A_409 = tpu.vector_load_idx %arg25[%parallel_loop3A_407, %broadcast_in_dim3A_5] : memref<32x17xf32, #tpu.memory_space<vmem>>[vector<16xi32>, vector<16xi32>], vector<16xf32>,
        %parallel_loop3A_410 = tpu.vector_load_idx %arg25[%parallel_loop3A_407, %broadcast_in_dim3A_7] : memref<32x17xf32, #tpu.memory_space<vmem>>[vector<16xi32>, vector<16xi32>], vector<16xf32>,
        %parallel_loop3A_411 = tpu.vector_load_idx %arg25[%parallel_loop3A_407, %broadcast_in_dim3A_9] : memref<32x17xf32, #tpu.memory_space<vmem>>[vector<16xi32>, vector<16xi32>], vector<16xf32>,
        %parallel_loop3A_412 = tpu.vector_load_idx %arg25[%parallel_loop3A_407, %broadcast_in_dim3A_11] : memref<32x17xf32, #tpu.memory_space<vmem>>[vector<16xi32>, vector<16xi32>], vector<16xf32>,
        %parallel_loop3A_413 = tpu.vector_load_idx %arg25[%parallel_loop3A_407, %broadcast_in_dim3A_13] : memref<32x17xf32, #tpu.memory_space<vmem>>[vector<16xi32>, vector<16xi32>], vector<16xf32>,
        %parallel_loop3A_414 = tpu.vector_load_idx %arg25[%parallel_loop3A_407, %broadcast_in_dim3A_15] : memref<32x17xf32, #tpu.memory_space<vmem>>[vector<16xi32>, vector<16xi32>], vector<16xf32>,
        %parallel_loop3A_415 = tpu.vector_load_idx %arg25[%parallel_loop3A_407, %broadcast_in_dim3A_17] : memref<32x17xf32, #tpu.memory_space<vmem>>[vector<16xi32>, vector<16xi32>], vector<16xf32>,
        %parallel_loop3A_416 = tpu.vector_load_idx %arg25[%parallel_loop3A_407, %broadcast_in_dim3A_19] : memref<32x17xf32, #tpu.memory_space<vmem>>[vector<16xi32>, vector<16xi32>], vector<16xf32>,
        %parallel_loop3A_417 = tpu.vector_load_idx %arg25[%parallel_loop3A_407, %broadcast_in_dim3A_21] : memref<32x17xf32, #tpu.memory_space<vmem>>[vector<16xi32>, vector<16xi32>], vector<16xf32>,
        %parallel_loop3A_418 = tpu.vector_load_idx %arg25[%parallel_loop3A_407, %broadcast_in_dim3A_23] : memref<32x17xf32, #tpu.memory_space<vmem>>[vector<16xi32>, vector<16xi32>], vector<16xf32>,
        %parallel_loop3A_419 = tpu.vector_load_idx %arg25[%parallel_loop3A_407, %broadcast_in_dim3A_25] : memref<32x17xf32, #tpu.memory_space<vmem>>[vector<16xi32>, vector<16xi32>], vector<16xf32>,
        %parallel_loop3A_420 = tpu.vector_load_idx %arg25[%parallel_loop3A_407, %broadcast_in_dim3A_27] : memref<32x17xf32, #tpu.memory_space<vmem>>[vector<16xi32>, vector<16xi32>], vector<16xf32>,
        %parallel_loop3A_421 = tpu.vector_load_idx %arg25[%parallel_loop3A_407, %broadcast_in_dim3A_29] : memref<32x17xf32, #tpu.memory_space<vmem>>[vector<16xi32>, vector<16xi32>], vector<16xf32>,
        %parallel_loop3A_422 = tpu.vector_load_idx %arg25[%parallel_loop3A_407, %broadcast_in_dim3A_31] : memref<32x17xf32, #tpu.memory_space<vmem>>[vector<16xi32>, vector<16xi32>], vector<16xf32>,
        %parallel_loop3A_423 = tpu.vector_load_idx %arg25[%parallel_loop3A_407, %broadcast_in_dim3A_33] : memref<32x17xf32, #tpu.memory_space<vmem>>[vector<16xi32>, vector<16xi32>], vector<16xf32>,
        %parallel_loop3A_424 = arith.addf %parallel_loop3A_408, %parallel_loop3A_409 : vector<16xf32>
        %parallel_loop3A_425 = arith.addf %parallel_loop3A_410, %parallel_loop3A_411 : vector<16xf32>
        %parallel_loop3A_426 = arith.addf %parallel_loop3A_412, %parallel_loop3A_413 : vector<16xf32>
        %parallel_loop3A_427 = arith.addf %parallel_loop3A_414, %parallel_loop3A_415 : vector<16xf32>
        %parallel_loop3A_428 = arith.addf %parallel_loop3A_416, %parallel_loop3A_417 : vector<16xf32>
        %parallel_loop3A_429 = arith.addf %parallel_loop3A_418, %parallel_loop3A_419 : vector<16xf32>
        %parallel_loop3A_430 = arith.addf %parallel_loop3A_420, %parallel_loop3A_421 : vector<16xf32>
        %parallel_loop3A_431 = arith.addf %parallel_loop3A_422, %parallel_loop3A_423 : vector<16xf32>
        %parallel_loop3A_432 = arith.addf %parallel_loop3A_424, %parallel_loop3A_425 : vector<16xf32>
        %parallel_loop3A_433 = arith.addf %parallel_loop3A_426, %parallel_loop3A_427 : vector<16xf32>
        %parallel_loop3A_434 = arith.addf %parallel_loop3A_428, %parallel_loop3A_429 : vector<16xf32>
        %parallel_loop3A_435 = arith.addf %parallel_loop3A_430, %parallel_loop3A_431 : vector<16xf32>
        %parallel_loop3A_436 = arith.addf %parallel_loop3A_432, %parallel_loop3A_433 : vector<16xf32>
        %parallel_loop3A_437 = arith.addf %parallel_loop3A_434, %parallel_loop3A_435 : vector<16xf32>
        %parallel_loop3A_438 = arith.addf %parallel_loop3A_436, %parallel_loop3A_437 : vector<16xf32>
        %parallel_loop3A_439 = arith.constant 16 : i32
        %parallel_loop3A_440 = arith.muli %parallel_loop3A_403, %parallel_loop3A_439 : i32
        %parallel_loop3A_441 = arith.addi %mul3A_275, %parallel_loop3A_440 : i32
        %parallel_loop3A_442 = arith.index_cast %parallel_loop3A_441 : i32 to index
        %parallel_loop3A_443 = tpu.vector_load %arg26[%parallel_loop3A_442] {strides = array<i32>} : memref<512xf32, #tpu.memory_space<vmem>>, vector<16xf32>,
        tpu.vector_store %arg26[%parallel_loop3A_442], %parallel_loop3A_438 {strides = array<i32>} : memref<512xf32, #tpu.memory_space<vmem>>, vector<16xf32>,
      } {sc.loop_unroll_factor = 1 : i64, sc.parallel_access}
      %add3A_279 = arith.constant 8 : i32
      %add3A_280 = arith.addi %add3A_258, %add3A_279 : i32
      %lt3A_281 = arith.constant 16 : i32
      %lt3A_282 = arith.cmpi slt, %add3A_280, %lt3A_281 : i32
      %convert_element_type3A_283 = arith.extui %lt3A_282 : i1 to i32
      %cond3A_284 = arith.constant 0 : i32
      %cond3A_285 = arith.cmpi ne, %convert_element_type3A_283, %cond3A_284 : i32
      scf.if %cond3A_285 {
        %add3A_403 = arith.constant 8 : i32
        %add3A_404 = arith.addi %add3A_258, %add3A_403 : i32
        %dma_start3A_405 = arith.constant 0 : i32
        %dma_start3A_406 = tpu.memref_slice %arg7[%add3A_404, %dma_start3A_405] : memref<16x32xi32, #tpu.memory_space<vmem>> -> memref<1x32xi32, #tpu.memory_space<vmem>>
        %dma_start3A_407 = tpu.memref_squeeze %dma_start3A_406 : memref<1x32xi32, #tpu.memory_space<vmem>> -> memref<32xi32, #tpu.memory_space<vmem>>
        %dma_start3A_408 = arith.constant 0 : i32
        %dma_start3A_409 = arith.constant 0 : i32
        %dma_start3A_410 = tpu.memref_slice %arg4[%dma_start3A_408, %dma_start3A_409] : memref<100000x128xf32, #tpu.memory_space<hbm>> -> memref<100000x128xf32, #tpu.memory_space<hbm>>
        tpu.enqueue_indirect_dma source(%dma_start3A_410 : memref<100000x128xf32, #tpu.memory_space<hbm>>) target(%arg12 : memref<32x128xf32, #tpu.memory_space<vmem>>) offsets(%dma_start3A_407 : memref<32xi32, #tpu.memory_space<vmem>>) semaphore(%arg30 : memref<!tpu.dma_semaphore, #tpu.memory_space<semaphore_mem>>)
        %add3A_411 = arith.constant 8 : i32
        %add3A_412 = arith.addi %add3A_258, %add3A_411 : i32
        %dma_start3A_413 = arith.constant 0 : i32
        %dma_start3A_414 = tpu.memref_slice %arg8[%add3A_412, %dma_start3A_413] : memref<16x32xi32, #tpu.memory_space<vmem>> -> memref<1x32xi32, #tpu.memory_space<vmem>>
        %dma_start3A_415 = tpu.memref_squeeze %dma_start3A_414 : memref<1x32xi32, #tpu.memory_space<vmem>> -> memref<32xi32, #tpu.memory_space<vmem>>
        %dma_start3A_416 = arith.constant 0 : i32
        %dma_start3A_417 = arith.constant 0 : i32
        %dma_start3A_418 = tpu.memref_slice %arg5[%dma_start3A_416, %dma_start3A_417] : memref<100000x128xf32, #tpu.memory_space<hbm>> -> memref<100000x128xf32, #tpu.memory_space<hbm>>
        tpu.enqueue_indirect_dma source(%dma_start3A_418 : memref<100000x128xf32, #tpu.memory_space<hbm>>) target(%arg20 : memref<32x128xf32, #tpu.memory_space<vmem>>) offsets(%dma_start3A_415 : memref<32xi32, #tpu.memory_space<vmem>>) semaphore(%arg38 : memref<!tpu.dma_semaphore, #tpu.memory_space<semaphore_mem>>)
      } else {
      }
      %add3A_286 = arith.constant 4 : i32
      %add3A_287 = arith.addi %mul3A_173, %add3A_286 : i32
      %dma_wait3A_288 = arith.constant 0 : i32
      %dma_wait3A_289 = arith.constant 0 : i32
      %dma_wait3A_290 = tpu.memref_slice %arg4[%dma_wait3A_288, %dma_wait3A_289] : memref<100000x128xf32, #tpu.memory_space<hbm>> -> memref<32x128xf32, #tpu.memory_space<hbm>>
      %dma_wait3A_291 = arith.constant 0 : i32
      %dma_wait3A_292 = arith.constant 0 : i32
      %dma_wait3A_293 = tpu.memref_slice %arg4[%dma_wait3A_291, %dma_wait3A_292] : memref<100000x128xf32, #tpu.memory_space<hbm>> -> memref<32x128xf32, #tpu.memory_space<hbm>>
      tpu.wait_dma2 semaphore(%arg31 : memref<!tpu.dma_semaphore, #tpu.memory_space<semaphore_mem>>) src(%dma_wait3A_293 : memref<32x128xf32, #tpu.memory_space<hbm>>) dst(%arg13 : memref<32x128xf32, #tpu.memory_space<vmem>>)
      %dma_wait3A_294 = arith.constant 0 : i32
      %dma_wait3A_295 = arith.constant 0 : i32
      %dma_wait3A_296 = tpu.memref_slice %arg5[%dma_wait3A_294, %dma_wait3A_295] : memref<100000x128xf32, #tpu.memory_space<hbm>> -> memref<32x128xf32, #tpu.memory_space<hbm>>
      %dma_wait3A_297 = arith.constant 0 : i32
      %dma_wait3A_298 = arith.constant 0 : i32
      %dma_wait3A_299 = tpu.memref_slice %arg5[%dma_wait3A_297, %dma_wait3A_298] : memref<100000x128xf32, #tpu.memory_space<hbm>> -> memref<32x128xf32, #tpu.memory_space<hbm>>
      tpu.wait_dma2 semaphore(%arg39 : memref<!tpu.dma_semaphore, #tpu.memory_space<semaphore_mem>>) src(%dma_wait3A_299 : memref<32x128xf32, #tpu.memory_space<hbm>>) dst(%arg21 : memref<32x128xf32, #tpu.memory_space<vmem>>)
      %parallel_loop3A_300 = arith.constant 0 : i32
      %parallel_loop3A_301 = arith.constant 32 : i32
      %parallel_loop3A_302 = arith.constant 1 : i32
      scf.for %parallel_loop3A_403 = %parallel_loop3A_300 to %parallel_loop3A_301 step %parallel_loop3A_302  : i32 {
        %parallel_loop3A_404 = arith.index_cast %parallel_loop3A_403 : i32 to index
        %parallel_loop3A_405 = arith.constant 0 : index
        %parallel_loop3A_406 = tpu.vector_load %arg13[%parallel_loop3A_404, %parallel_loop3A_405] {strides = array<i32>} : memref<32x128xf32, #tpu.memory_space<vmem>>, vector<16xf32>,
        %parallel_loop3A_407 = arith.index_cast %parallel_loop3A_403 : i32 to index
        %parallel_loop3A_408 = arith.constant 0 : index
        %parallel_loop3A_409 = tpu.vector_load %arg21[%parallel_loop3A_407, %parallel_loop3A_408] {strides = array<i32>} : memref<32x128xf32, #tpu.memory_space<vmem>>, vector<16xf32>,
        %parallel_loop3A_410 = arith.mulf %parallel_loop3A_406, %parallel_loop3A_409 : vector<16xf32>
        %parallel_loop3A_411 = arith.index_cast %parallel_loop3A_403 : i32 to index
        %parallel_loop3A_412 = arith.constant 16 : index
        %parallel_loop3A_413 = tpu.vector_load %arg13[%parallel_loop3A_411, %parallel_loop3A_412] {strides = array<i32>} : memref<32x128xf32, #tpu.memory_space<vmem>>, vector<16xf32>,
        %parallel_loop3A_414 = arith.index_cast %parallel_loop3A_403 : i32 to index
        %parallel_loop3A_415 = arith.constant 16 : index
        %parallel_loop3A_416 = tpu.vector_load %arg21[%parallel_loop3A_414, %parallel_loop3A_415] {strides = array<i32>} : memref<32x128xf32, #tpu.memory_space<vmem>>, vector<16xf32>,
        %parallel_loop3A_417 = arith.mulf %parallel_loop3A_413, %parallel_loop3A_416 : vector<16xf32>
        %parallel_loop3A_418 = arith.index_cast %parallel_loop3A_403 : i32 to index
        %parallel_loop3A_419 = arith.constant 32 : index
        %parallel_loop3A_420 = tpu.vector_load %arg13[%parallel_loop3A_418, %parallel_loop3A_419] {strides = array<i32>} : memref<32x128xf32, #tpu.memory_space<vmem>>, vector<16xf32>,
        %parallel_loop3A_421 = arith.index_cast %parallel_loop3A_403 : i32 to index
        %parallel_loop3A_422 = arith.constant 32 : index
        %parallel_loop3A_423 = tpu.vector_load %arg21[%parallel_loop3A_421, %parallel_loop3A_422] {strides = array<i32>} : memref<32x128xf32, #tpu.memory_space<vmem>>, vector<16xf32>,
        %parallel_loop3A_424 = arith.mulf %parallel_loop3A_420, %parallel_loop3A_423 : vector<16xf32>
        %parallel_loop3A_425 = arith.index_cast %parallel_loop3A_403 : i32 to index
        %parallel_loop3A_426 = arith.constant 48 : index
        %parallel_loop3A_427 = tpu.vector_load %arg13[%parallel_loop3A_425, %parallel_loop3A_426] {strides = array<i32>} : memref<32x128xf32, #tpu.memory_space<vmem>>, vector<16xf32>,
        %parallel_loop3A_428 = arith.index_cast %parallel_loop3A_403 : i32 to index
        %parallel_loop3A_429 = arith.constant 48 : index
        %parallel_loop3A_430 = tpu.vector_load %arg21[%parallel_loop3A_428, %parallel_loop3A_429] {strides = array<i32>} : memref<32x128xf32, #tpu.memory_space<vmem>>, vector<16xf32>,
        %parallel_loop3A_431 = arith.mulf %parallel_loop3A_427, %parallel_loop3A_430 : vector<16xf32>
        %parallel_loop3A_432 = arith.index_cast %parallel_loop3A_403 : i32 to index
        %parallel_loop3A_433 = arith.constant 64 : index
        %parallel_loop3A_434 = tpu.vector_load %arg13[%parallel_loop3A_432, %parallel_loop3A_433] {strides = array<i32>} : memref<32x128xf32, #tpu.memory_space<vmem>>, vector<16xf32>,
        %parallel_loop3A_435 = arith.index_cast %parallel_loop3A_403 : i32 to index
        %parallel_loop3A_436 = arith.constant 64 : index
        %parallel_loop3A_437 = tpu.vector_load %arg21[%parallel_loop3A_435, %parallel_loop3A_436] {strides = array<i32>} : memref<32x128xf32, #tpu.memory_space<vmem>>, vector<16xf32>,
        %parallel_loop3A_438 = arith.mulf %parallel_loop3A_434, %parallel_loop3A_437 : vector<16xf32>
        %parallel_loop3A_439 = arith.index_cast %parallel_loop3A_403 : i32 to index
        %parallel_loop3A_440 = arith.constant 80 : index
        %parallel_loop3A_441 = tpu.vector_load %arg13[%parallel_loop3A_439, %parallel_loop3A_440] {strides = array<i32>} : memref<32x128xf32, #tpu.memory_space<vmem>>, vector<16xf32>,
        %parallel_loop3A_442 = arith.index_cast %parallel_loop3A_403 : i32 to index
        %parallel_loop3A_443 = arith.constant 80 : index
        %parallel_loop3A_444 = tpu.vector_load %arg21[%parallel_loop3A_442, %parallel_loop3A_443] {strides = array<i32>} : memref<32x128xf32, #tpu.memory_space<vmem>>, vector<16xf32>,
        %parallel_loop3A_445 = arith.mulf %parallel_loop3A_441, %parallel_loop3A_444 : vector<16xf32>
        %parallel_loop3A_446 = arith.index_cast %parallel_loop3A_403 : i32 to index
        %parallel_loop3A_447 = arith.constant 96 : index
        %parallel_loop3A_448 = tpu.vector_load %arg13[%parallel_loop3A_446, %parallel_loop3A_447] {strides = array<i32>} : memref<32x128xf32, #tpu.memory_space<vmem>>, vector<16xf32>,
        %parallel_loop3A_449 = arith.index_cast %parallel_loop3A_403 : i32 to index
        %parallel_loop3A_450 = arith.constant 96 : index
        %parallel_loop3A_451 = tpu.vector_load %arg21[%parallel_loop3A_449, %parallel_loop3A_450] {strides = array<i32>} : memref<32x128xf32, #tpu.memory_space<vmem>>, vector<16xf32>,
        %parallel_loop3A_452 = arith.mulf %parallel_loop3A_448, %parallel_loop3A_451 : vector<16xf32>
        %parallel_loop3A_453 = arith.index_cast %parallel_loop3A_403 : i32 to index
        %parallel_loop3A_454 = arith.constant 112 : index
        %parallel_loop3A_455 = tpu.vector_load %arg13[%parallel_loop3A_453, %parallel_loop3A_454] {strides = array<i32>} : memref<32x128xf32, #tpu.memory_space<vmem>>, vector<16xf32>,
        %parallel_loop3A_456 = arith.index_cast %parallel_loop3A_403 : i32 to index
        %parallel_loop3A_457 = arith.constant 112 : index
        %parallel_loop3A_458 = tpu.vector_load %arg21[%parallel_loop3A_456, %parallel_loop3A_457] {strides = array<i32>} : memref<32x128xf32, #tpu.memory_space<vmem>>, vector<16xf32>,
        %parallel_loop3A_459 = arith.mulf %parallel_loop3A_455, %parallel_loop3A_458 : vector<16xf32>
        %parallel_loop3A_460 = arith.addf %parallel_loop3A_410, %parallel_loop3A_417 : vector<16xf32>
        %parallel_loop3A_461 = arith.addf %parallel_loop3A_424, %parallel_loop3A_431 : vector<16xf32>
        %parallel_loop3A_462 = arith.addf %parallel_loop3A_438, %parallel_loop3A_445 : vector<16xf32>
        %parallel_loop3A_463 = arith.addf %parallel_loop3A_452, %parallel_loop3A_459 : vector<16xf32>
        %parallel_loop3A_464 = arith.addf %parallel_loop3A_460, %parallel_loop3A_461 : vector<16xf32>
        %parallel_loop3A_465 = arith.addf %parallel_loop3A_462, %parallel_loop3A_463 : vector<16xf32>
        %parallel_loop3A_466 = arith.addf %parallel_loop3A_464, %parallel_loop3A_465 : vector<16xf32>
        %parallel_loop3A_467 = arith.index_cast %parallel_loop3A_403 : i32 to index
        %parallel_loop3A_468 = arith.constant 0 : index
        %parallel_loop3A_469 = tpu.vector_load %arg25[%parallel_loop3A_467, %parallel_loop3A_468] {strides = array<i32>} : memref<32x17xf32, #tpu.memory_space<vmem>>, vector<16xf32>,
        tpu.vector_store %arg25[%parallel_loop3A_467, %parallel_loop3A_468], %parallel_loop3A_466 {strides = array<i32>} : memref<32x17xf32, #tpu.memory_space<vmem>>, vector<16xf32>,
      } {sc.loop_unroll_factor = 1 : i64, sc.parallel_access}
      %mul3A_303 = arith.constant 32 : i32
      %mul3A_304 = arith.muli %add3A_287, %mul3A_303 : i32
      %parallel_loop3A_305 = arith.constant 0 : i32
      %parallel_loop3A_306 = arith.constant 2 : i32
      %parallel_loop3A_307 = arith.constant 1 : i32
      scf.for %parallel_loop3A_403 = %parallel_loop3A_305 to %parallel_loop3A_306 step %parallel_loop3A_307  : i32 {
        %parallel_loop3A_404 = arith.constant 16 : i32
        %parallel_loop3A_405 = arith.muli %parallel_loop3A_403, %parallel_loop3A_404 : i32
        %parallel_loop3A_406 = vector.broadcast %parallel_loop3A_405 : i32 to vector<16xi32>
        %parallel_loop3A_407 = arith.addi %parallel_loop3A_406, %iota3A : vector<16xi32>
        %parallel_loop3A_408 = tpu.vector_load_idx %arg25[%parallel_loop3A_407, %broadcast_in_dim3A_3] : memref<32x17xf32, #tpu.memory_space<vmem>>[vector<16xi32>, vector<16xi32>], vector<16xf32>,
        %parallel_loop3A_409 = tpu.vector_load_idx %arg25[%parallel_loop3A_407, %broadcast_in_dim3A_5] : memref<32x17xf32, #tpu.memory_space<vmem>>[vector<16xi32>, vector<16xi32>], vector<16xf32>,
        %parallel_loop3A_410 = tpu.vector_load_idx %arg25[%parallel_loop3A_407, %broadcast_in_dim3A_7] : memref<32x17xf32, #tpu.memory_space<vmem>>[vector<16xi32>, vector<16xi32>], vector<16xf32>,
        %parallel_loop3A_411 = tpu.vector_load_idx %arg25[%parallel_loop3A_407, %broadcast_in_dim3A_9] : memref<32x17xf32, #tpu.memory_space<vmem>>[vector<16xi32>, vector<16xi32>], vector<16xf32>,
        %parallel_loop3A_412 = tpu.vector_load_idx %arg25[%parallel_loop3A_407, %broadcast_in_dim3A_11] : memref<32x17xf32, #tpu.memory_space<vmem>>[vector<16xi32>, vector<16xi32>], vector<16xf32>,
        %parallel_loop3A_413 = tpu.vector_load_idx %arg25[%parallel_loop3A_407, %broadcast_in_dim3A_13] : memref<32x17xf32, #tpu.memory_space<vmem>>[vector<16xi32>, vector<16xi32>], vector<16xf32>,
        %parallel_loop3A_414 = tpu.vector_load_idx %arg25[%parallel_loop3A_407, %broadcast_in_dim3A_15] : memref<32x17xf32, #tpu.memory_space<vmem>>[vector<16xi32>, vector<16xi32>], vector<16xf32>,
        %parallel_loop3A_415 = tpu.vector_load_idx %arg25[%parallel_loop3A_407, %broadcast_in_dim3A_17] : memref<32x17xf32, #tpu.memory_space<vmem>>[vector<16xi32>, vector<16xi32>], vector<16xf32>,
        %parallel_loop3A_416 = tpu.vector_load_idx %arg25[%parallel_loop3A_407, %broadcast_in_dim3A_19] : memref<32x17xf32, #tpu.memory_space<vmem>>[vector<16xi32>, vector<16xi32>], vector<16xf32>,
        %parallel_loop3A_417 = tpu.vector_load_idx %arg25[%parallel_loop3A_407, %broadcast_in_dim3A_21] : memref<32x17xf32, #tpu.memory_space<vmem>>[vector<16xi32>, vector<16xi32>], vector<16xf32>,
        %parallel_loop3A_418 = tpu.vector_load_idx %arg25[%parallel_loop3A_407, %broadcast_in_dim3A_23] : memref<32x17xf32, #tpu.memory_space<vmem>>[vector<16xi32>, vector<16xi32>], vector<16xf32>,
        %parallel_loop3A_419 = tpu.vector_load_idx %arg25[%parallel_loop3A_407, %broadcast_in_dim3A_25] : memref<32x17xf32, #tpu.memory_space<vmem>>[vector<16xi32>, vector<16xi32>], vector<16xf32>,
        %parallel_loop3A_420 = tpu.vector_load_idx %arg25[%parallel_loop3A_407, %broadcast_in_dim3A_27] : memref<32x17xf32, #tpu.memory_space<vmem>>[vector<16xi32>, vector<16xi32>], vector<16xf32>,
        %parallel_loop3A_421 = tpu.vector_load_idx %arg25[%parallel_loop3A_407, %broadcast_in_dim3A_29] : memref<32x17xf32, #tpu.memory_space<vmem>>[vector<16xi32>, vector<16xi32>], vector<16xf32>,
        %parallel_loop3A_422 = tpu.vector_load_idx %arg25[%parallel_loop3A_407, %broadcast_in_dim3A_31] : memref<32x17xf32, #tpu.memory_space<vmem>>[vector<16xi32>, vector<16xi32>], vector<16xf32>,
        %parallel_loop3A_423 = tpu.vector_load_idx %arg25[%parallel_loop3A_407, %broadcast_in_dim3A_33] : memref<32x17xf32, #tpu.memory_space<vmem>>[vector<16xi32>, vector<16xi32>], vector<16xf32>,
        %parallel_loop3A_424 = arith.addf %parallel_loop3A_408, %parallel_loop3A_409 : vector<16xf32>
        %parallel_loop3A_425 = arith.addf %parallel_loop3A_410, %parallel_loop3A_411 : vector<16xf32>
        %parallel_loop3A_426 = arith.addf %parallel_loop3A_412, %parallel_loop3A_413 : vector<16xf32>
        %parallel_loop3A_427 = arith.addf %parallel_loop3A_414, %parallel_loop3A_415 : vector<16xf32>
        %parallel_loop3A_428 = arith.addf %parallel_loop3A_416, %parallel_loop3A_417 : vector<16xf32>
        %parallel_loop3A_429 = arith.addf %parallel_loop3A_418, %parallel_loop3A_419 : vector<16xf32>
        %parallel_loop3A_430 = arith.addf %parallel_loop3A_420, %parallel_loop3A_421 : vector<16xf32>
        %parallel_loop3A_431 = arith.addf %parallel_loop3A_422, %parallel_loop3A_423 : vector<16xf32>
        %parallel_loop3A_432 = arith.addf %parallel_loop3A_424, %parallel_loop3A_425 : vector<16xf32>
        %parallel_loop3A_433 = arith.addf %parallel_loop3A_426, %parallel_loop3A_427 : vector<16xf32>
        %parallel_loop3A_434 = arith.addf %parallel_loop3A_428, %parallel_loop3A_429 : vector<16xf32>
        %parallel_loop3A_435 = arith.addf %parallel_loop3A_430, %parallel_loop3A_431 : vector<16xf32>
        %parallel_loop3A_436 = arith.addf %parallel_loop3A_432, %parallel_loop3A_433 : vector<16xf32>
        %parallel_loop3A_437 = arith.addf %parallel_loop3A_434, %parallel_loop3A_435 : vector<16xf32>
        %parallel_loop3A_438 = arith.addf %parallel_loop3A_436, %parallel_loop3A_437 : vector<16xf32>
        %parallel_loop3A_439 = arith.constant 16 : i32
        %parallel_loop3A_440 = arith.muli %parallel_loop3A_403, %parallel_loop3A_439 : i32
        %parallel_loop3A_441 = arith.addi %mul3A_304, %parallel_loop3A_440 : i32
        %parallel_loop3A_442 = arith.index_cast %parallel_loop3A_441 : i32 to index
        %parallel_loop3A_443 = tpu.vector_load %arg26[%parallel_loop3A_442] {strides = array<i32>} : memref<512xf32, #tpu.memory_space<vmem>>, vector<16xf32>,
        tpu.vector_store %arg26[%parallel_loop3A_442], %parallel_loop3A_438 {strides = array<i32>} : memref<512xf32, #tpu.memory_space<vmem>>, vector<16xf32>,
      } {sc.loop_unroll_factor = 1 : i64, sc.parallel_access}
      %add3A_308 = arith.constant 8 : i32
      %add3A_309 = arith.addi %add3A_287, %add3A_308 : i32
      %lt3A_310 = arith.constant 16 : i32
      %lt3A_311 = arith.cmpi slt, %add3A_309, %lt3A_310 : i32
      %convert_element_type3A_312 = arith.extui %lt3A_311 : i1 to i32
      %cond3A_313 = arith.constant 0 : i32
      %cond3A_314 = arith.cmpi ne, %convert_element_type3A_312, %cond3A_313 : i32
      scf.if %cond3A_314 {
        %add3A_403 = arith.constant 8 : i32
        %add3A_404 = arith.addi %add3A_287, %add3A_403 : i32
        %dma_start3A_405 = arith.constant 0 : i32
        %dma_start3A_406 = tpu.memref_slice %arg7[%add3A_404, %dma_start3A_405] : memref<16x32xi32, #tpu.memory_space<vmem>> -> memref<1x32xi32, #tpu.memory_space<vmem>>
        %dma_start3A_407 = tpu.memref_squeeze %dma_start3A_406 : memref<1x32xi32, #tpu.memory_space<vmem>> -> memref<32xi32, #tpu.memory_space<vmem>>
        %dma_start3A_408 = arith.constant 0 : i32
        %dma_start3A_409 = arith.constant 0 : i32
        %dma_start3A_410 = tpu.memref_slice %arg4[%dma_start3A_408, %dma_start3A_409] : memref<100000x128xf32, #tpu.memory_space<hbm>> -> memref<100000x128xf32, #tpu.memory_space<hbm>>
        tpu.enqueue_indirect_dma source(%dma_start3A_410 : memref<100000x128xf32, #tpu.memory_space<hbm>>) target(%arg13 : memref<32x128xf32, #tpu.memory_space<vmem>>) offsets(%dma_start3A_407 : memref<32xi32, #tpu.memory_space<vmem>>) semaphore(%arg31 : memref<!tpu.dma_semaphore, #tpu.memory_space<semaphore_mem>>)
        %add3A_411 = arith.constant 8 : i32
        %add3A_412 = arith.addi %add3A_287, %add3A_411 : i32
        %dma_start3A_413 = arith.constant 0 : i32
        %dma_start3A_414 = tpu.memref_slice %arg8[%add3A_412, %dma_start3A_413] : memref<16x32xi32, #tpu.memory_space<vmem>> -> memref<1x32xi32, #tpu.memory_space<vmem>>
        %dma_start3A_415 = tpu.memref_squeeze %dma_start3A_414 : memref<1x32xi32, #tpu.memory_space<vmem>> -> memref<32xi32, #tpu.memory_space<vmem>>
        %dma_start3A_416 = arith.constant 0 : i32
        %dma_start3A_417 = arith.constant 0 : i32
        %dma_start3A_418 = tpu.memref_slice %arg5[%dma_start3A_416, %dma_start3A_417] : memref<100000x128xf32, #tpu.memory_space<hbm>> -> memref<100000x128xf32, #tpu.memory_space<hbm>>
        tpu.enqueue_indirect_dma source(%dma_start3A_418 : memref<100000x128xf32, #tpu.memory_space<hbm>>) target(%arg21 : memref<32x128xf32, #tpu.memory_space<vmem>>) offsets(%dma_start3A_415 : memref<32xi32, #tpu.memory_space<vmem>>) semaphore(%arg39 : memref<!tpu.dma_semaphore, #tpu.memory_space<semaphore_mem>>)
      } else {
      }
      %add3A_315 = arith.constant 5 : i32
      %add3A_316 = arith.addi %mul3A_173, %add3A_315 : i32
      %dma_wait3A_317 = arith.constant 0 : i32
      %dma_wait3A_318 = arith.constant 0 : i32
      %dma_wait3A_319 = tpu.memref_slice %arg4[%dma_wait3A_317, %dma_wait3A_318] : memref<100000x128xf32, #tpu.memory_space<hbm>> -> memref<32x128xf32, #tpu.memory_space<hbm>>
      %dma_wait3A_320 = arith.constant 0 : i32
      %dma_wait3A_321 = arith.constant 0 : i32
      %dma_wait3A_322 = tpu.memref_slice %arg4[%dma_wait3A_320, %dma_wait3A_321] : memref<100000x128xf32, #tpu.memory_space<hbm>> -> memref<32x128xf32, #tpu.memory_space<hbm>>
      tpu.wait_dma2 semaphore(%arg32 : memref<!tpu.dma_semaphore, #tpu.memory_space<semaphore_mem>>) src(%dma_wait3A_322 : memref<32x128xf32, #tpu.memory_space<hbm>>) dst(%arg14 : memref<32x128xf32, #tpu.memory_space<vmem>>)
      %dma_wait3A_323 = arith.constant 0 : i32
      %dma_wait3A_324 = arith.constant 0 : i32
      %dma_wait3A_325 = tpu.memref_slice %arg5[%dma_wait3A_323, %dma_wait3A_324] : memref<100000x128xf32, #tpu.memory_space<hbm>> -> memref<32x128xf32, #tpu.memory_space<hbm>>
      %dma_wait3A_326 = arith.constant 0 : i32
      %dma_wait3A_327 = arith.constant 0 : i32
      %dma_wait3A_328 = tpu.memref_slice %arg5[%dma_wait3A_326, %dma_wait3A_327] : memref<100000x128xf32, #tpu.memory_space<hbm>> -> memref<32x128xf32, #tpu.memory_space<hbm>>
      tpu.wait_dma2 semaphore(%arg40 : memref<!tpu.dma_semaphore, #tpu.memory_space<semaphore_mem>>) src(%dma_wait3A_328 : memref<32x128xf32, #tpu.memory_space<hbm>>) dst(%arg22 : memref<32x128xf32, #tpu.memory_space<vmem>>)
      %parallel_loop3A_329 = arith.constant 0 : i32
      %parallel_loop3A_330 = arith.constant 32 : i32
      %parallel_loop3A_331 = arith.constant 1 : i32
      scf.for %parallel_loop3A_403 = %parallel_loop3A_329 to %parallel_loop3A_330 step %parallel_loop3A_331  : i32 {
        %parallel_loop3A_404 = arith.index_cast %parallel_loop3A_403 : i32 to index
        %parallel_loop3A_405 = arith.constant 0 : index
        %parallel_loop3A_406 = tpu.vector_load %arg14[%parallel_loop3A_404, %parallel_loop3A_405] {strides = array<i32>} : memref<32x128xf32, #tpu.memory_space<vmem>>, vector<16xf32>,
        %parallel_loop3A_407 = arith.index_cast %parallel_loop3A_403 : i32 to index
        %parallel_loop3A_408 = arith.constant 0 : index
        %parallel_loop3A_409 = tpu.vector_load %arg22[%parallel_loop3A_407, %parallel_loop3A_408] {strides = array<i32>} : memref<32x128xf32, #tpu.memory_space<vmem>>, vector<16xf32>,
        %parallel_loop3A_410 = arith.mulf %parallel_loop3A_406, %parallel_loop3A_409 : vector<16xf32>
        %parallel_loop3A_411 = arith.index_cast %parallel_loop3A_403 : i32 to index
        %parallel_loop3A_412 = arith.constant 16 : index
        %parallel_loop3A_413 = tpu.vector_load %arg14[%parallel_loop3A_411, %parallel_loop3A_412] {strides = array<i32>} : memref<32x128xf32, #tpu.memory_space<vmem>>, vector<16xf32>,
        %parallel_loop3A_414 = arith.index_cast %parallel_loop3A_403 : i32 to index
        %parallel_loop3A_415 = arith.constant 16 : index
        %parallel_loop3A_416 = tpu.vector_load %arg22[%parallel_loop3A_414, %parallel_loop3A_415] {strides = array<i32>} : memref<32x128xf32, #tpu.memory_space<vmem>>, vector<16xf32>,
        %parallel_loop3A_417 = arith.mulf %parallel_loop3A_413, %parallel_loop3A_416 : vector<16xf32>
        %parallel_loop3A_418 = arith.index_cast %parallel_loop3A_403 : i32 to index
        %parallel_loop3A_419 = arith.constant 32 : index
        %parallel_loop3A_420 = tpu.vector_load %arg14[%parallel_loop3A_418, %parallel_loop3A_419] {strides = array<i32>} : memref<32x128xf32, #tpu.memory_space<vmem>>, vector<16xf32>,
        %parallel_loop3A_421 = arith.index_cast %parallel_loop3A_403 : i32 to index
        %parallel_loop3A_422 = arith.constant 32 : index
        %parallel_loop3A_423 = tpu.vector_load %arg22[%parallel_loop3A_421, %parallel_loop3A_422] {strides = array<i32>} : memref<32x128xf32, #tpu.memory_space<vmem>>, vector<16xf32>,
        %parallel_loop3A_424 = arith.mulf %parallel_loop3A_420, %parallel_loop3A_423 : vector<16xf32>
        %parallel_loop3A_425 = arith.index_cast %parallel_loop3A_403 : i32 to index
        %parallel_loop3A_426 = arith.constant 48 : index
        %parallel_loop3A_427 = tpu.vector_load %arg14[%parallel_loop3A_425, %parallel_loop3A_426] {strides = array<i32>} : memref<32x128xf32, #tpu.memory_space<vmem>>, vector<16xf32>,
        %parallel_loop3A_428 = arith.index_cast %parallel_loop3A_403 : i32 to index
        %parallel_loop3A_429 = arith.constant 48 : index
        %parallel_loop3A_430 = tpu.vector_load %arg22[%parallel_loop3A_428, %parallel_loop3A_429] {strides = array<i32>} : memref<32x128xf32, #tpu.memory_space<vmem>>, vector<16xf32>,
        %parallel_loop3A_431 = arith.mulf %parallel_loop3A_427, %parallel_loop3A_430 : vector<16xf32>
        %parallel_loop3A_432 = arith.index_cast %parallel_loop3A_403 : i32 to index
        %parallel_loop3A_433 = arith.constant 64 : index
        %parallel_loop3A_434 = tpu.vector_load %arg14[%parallel_loop3A_432, %parallel_loop3A_433] {strides = array<i32>} : memref<32x128xf32, #tpu.memory_space<vmem>>, vector<16xf32>,
        %parallel_loop3A_435 = arith.index_cast %parallel_loop3A_403 : i32 to index
        %parallel_loop3A_436 = arith.constant 64 : index
        %parallel_loop3A_437 = tpu.vector_load %arg22[%parallel_loop3A_435, %parallel_loop3A_436] {strides = array<i32>} : memref<32x128xf32, #tpu.memory_space<vmem>>, vector<16xf32>,
        %parallel_loop3A_438 = arith.mulf %parallel_loop3A_434, %parallel_loop3A_437 : vector<16xf32>
        %parallel_loop3A_439 = arith.index_cast %parallel_loop3A_403 : i32 to index
        %parallel_loop3A_440 = arith.constant 80 : index
        %parallel_loop3A_441 = tpu.vector_load %arg14[%parallel_loop3A_439, %parallel_loop3A_440] {strides = array<i32>} : memref<32x128xf32, #tpu.memory_space<vmem>>, vector<16xf32>,
        %parallel_loop3A_442 = arith.index_cast %parallel_loop3A_403 : i32 to index
        %parallel_loop3A_443 = arith.constant 80 : index
        %parallel_loop3A_444 = tpu.vector_load %arg22[%parallel_loop3A_442, %parallel_loop3A_443] {strides = array<i32>} : memref<32x128xf32, #tpu.memory_space<vmem>>, vector<16xf32>,
        %parallel_loop3A_445 = arith.mulf %parallel_loop3A_441, %parallel_loop3A_444 : vector<16xf32>
        %parallel_loop3A_446 = arith.index_cast %parallel_loop3A_403 : i32 to index
        %parallel_loop3A_447 = arith.constant 96 : index
        %parallel_loop3A_448 = tpu.vector_load %arg14[%parallel_loop3A_446, %parallel_loop3A_447] {strides = array<i32>} : memref<32x128xf32, #tpu.memory_space<vmem>>, vector<16xf32>,
        %parallel_loop3A_449 = arith.index_cast %parallel_loop3A_403 : i32 to index
        %parallel_loop3A_450 = arith.constant 96 : index
        %parallel_loop3A_451 = tpu.vector_load %arg22[%parallel_loop3A_449, %parallel_loop3A_450] {strides = array<i32>} : memref<32x128xf32, #tpu.memory_space<vmem>>, vector<16xf32>,
        %parallel_loop3A_452 = arith.mulf %parallel_loop3A_448, %parallel_loop3A_451 : vector<16xf32>
        %parallel_loop3A_453 = arith.index_cast %parallel_loop3A_403 : i32 to index
        %parallel_loop3A_454 = arith.constant 112 : index
        %parallel_loop3A_455 = tpu.vector_load %arg14[%parallel_loop3A_453, %parallel_loop3A_454] {strides = array<i32>} : memref<32x128xf32, #tpu.memory_space<vmem>>, vector<16xf32>,
        %parallel_loop3A_456 = arith.index_cast %parallel_loop3A_403 : i32 to index
        %parallel_loop3A_457 = arith.constant 112 : index
        %parallel_loop3A_458 = tpu.vector_load %arg22[%parallel_loop3A_456, %parallel_loop3A_457] {strides = array<i32>} : memref<32x128xf32, #tpu.memory_space<vmem>>, vector<16xf32>,
        %parallel_loop3A_459 = arith.mulf %parallel_loop3A_455, %parallel_loop3A_458 : vector<16xf32>
        %parallel_loop3A_460 = arith.addf %parallel_loop3A_410, %parallel_loop3A_417 : vector<16xf32>
        %parallel_loop3A_461 = arith.addf %parallel_loop3A_424, %parallel_loop3A_431 : vector<16xf32>
        %parallel_loop3A_462 = arith.addf %parallel_loop3A_438, %parallel_loop3A_445 : vector<16xf32>
        %parallel_loop3A_463 = arith.addf %parallel_loop3A_452, %parallel_loop3A_459 : vector<16xf32>
        %parallel_loop3A_464 = arith.addf %parallel_loop3A_460, %parallel_loop3A_461 : vector<16xf32>
        %parallel_loop3A_465 = arith.addf %parallel_loop3A_462, %parallel_loop3A_463 : vector<16xf32>
        %parallel_loop3A_466 = arith.addf %parallel_loop3A_464, %parallel_loop3A_465 : vector<16xf32>
        %parallel_loop3A_467 = arith.index_cast %parallel_loop3A_403 : i32 to index
        %parallel_loop3A_468 = arith.constant 0 : index
        %parallel_loop3A_469 = tpu.vector_load %arg25[%parallel_loop3A_467, %parallel_loop3A_468] {strides = array<i32>} : memref<32x17xf32, #tpu.memory_space<vmem>>, vector<16xf32>,
        tpu.vector_store %arg25[%parallel_loop3A_467, %parallel_loop3A_468], %parallel_loop3A_466 {strides = array<i32>} : memref<32x17xf32, #tpu.memory_space<vmem>>, vector<16xf32>,
      } {sc.loop_unroll_factor = 1 : i64, sc.parallel_access}
      %mul3A_332 = arith.constant 32 : i32
      %mul3A_333 = arith.muli %add3A_316, %mul3A_332 : i32
      %parallel_loop3A_334 = arith.constant 0 : i32
      %parallel_loop3A_335 = arith.constant 2 : i32
      %parallel_loop3A_336 = arith.constant 1 : i32
      scf.for %parallel_loop3A_403 = %parallel_loop3A_334 to %parallel_loop3A_335 step %parallel_loop3A_336  : i32 {
        %parallel_loop3A_404 = arith.constant 16 : i32
        %parallel_loop3A_405 = arith.muli %parallel_loop3A_403, %parallel_loop3A_404 : i32
        %parallel_loop3A_406 = vector.broadcast %parallel_loop3A_405 : i32 to vector<16xi32>
        %parallel_loop3A_407 = arith.addi %parallel_loop3A_406, %iota3A : vector<16xi32>
        %parallel_loop3A_408 = tpu.vector_load_idx %arg25[%parallel_loop3A_407, %broadcast_in_dim3A_3] : memref<32x17xf32, #tpu.memory_space<vmem>>[vector<16xi32>, vector<16xi32>], vector<16xf32>,
        %parallel_loop3A_409 = tpu.vector_load_idx %arg25[%parallel_loop3A_407, %broadcast_in_dim3A_5] : memref<32x17xf32, #tpu.memory_space<vmem>>[vector<16xi32>, vector<16xi32>], vector<16xf32>,
        %parallel_loop3A_410 = tpu.vector_load_idx %arg25[%parallel_loop3A_407, %broadcast_in_dim3A_7] : memref<32x17xf32, #tpu.memory_space<vmem>>[vector<16xi32>, vector<16xi32>], vector<16xf32>,
        %parallel_loop3A_411 = tpu.vector_load_idx %arg25[%parallel_loop3A_407, %broadcast_in_dim3A_9] : memref<32x17xf32, #tpu.memory_space<vmem>>[vector<16xi32>, vector<16xi32>], vector<16xf32>,
        %parallel_loop3A_412 = tpu.vector_load_idx %arg25[%parallel_loop3A_407, %broadcast_in_dim3A_11] : memref<32x17xf32, #tpu.memory_space<vmem>>[vector<16xi32>, vector<16xi32>], vector<16xf32>,
        %parallel_loop3A_413 = tpu.vector_load_idx %arg25[%parallel_loop3A_407, %broadcast_in_dim3A_13] : memref<32x17xf32, #tpu.memory_space<vmem>>[vector<16xi32>, vector<16xi32>], vector<16xf32>,
        %parallel_loop3A_414 = tpu.vector_load_idx %arg25[%parallel_loop3A_407, %broadcast_in_dim3A_15] : memref<32x17xf32, #tpu.memory_space<vmem>>[vector<16xi32>, vector<16xi32>], vector<16xf32>,
        %parallel_loop3A_415 = tpu.vector_load_idx %arg25[%parallel_loop3A_407, %broadcast_in_dim3A_17] : memref<32x17xf32, #tpu.memory_space<vmem>>[vector<16xi32>, vector<16xi32>], vector<16xf32>,
        %parallel_loop3A_416 = tpu.vector_load_idx %arg25[%parallel_loop3A_407, %broadcast_in_dim3A_19] : memref<32x17xf32, #tpu.memory_space<vmem>>[vector<16xi32>, vector<16xi32>], vector<16xf32>,
        %parallel_loop3A_417 = tpu.vector_load_idx %arg25[%parallel_loop3A_407, %broadcast_in_dim3A_21] : memref<32x17xf32, #tpu.memory_space<vmem>>[vector<16xi32>, vector<16xi32>], vector<16xf32>,
        %parallel_loop3A_418 = tpu.vector_load_idx %arg25[%parallel_loop3A_407, %broadcast_in_dim3A_23] : memref<32x17xf32, #tpu.memory_space<vmem>>[vector<16xi32>, vector<16xi32>], vector<16xf32>,
        %parallel_loop3A_419 = tpu.vector_load_idx %arg25[%parallel_loop3A_407, %broadcast_in_dim3A_25] : memref<32x17xf32, #tpu.memory_space<vmem>>[vector<16xi32>, vector<16xi32>], vector<16xf32>,
        %parallel_loop3A_420 = tpu.vector_load_idx %arg25[%parallel_loop3A_407, %broadcast_in_dim3A_27] : memref<32x17xf32, #tpu.memory_space<vmem>>[vector<16xi32>, vector<16xi32>], vector<16xf32>,
        %parallel_loop3A_421 = tpu.vector_load_idx %arg25[%parallel_loop3A_407, %broadcast_in_dim3A_29] : memref<32x17xf32, #tpu.memory_space<vmem>>[vector<16xi32>, vector<16xi32>], vector<16xf32>,
        %parallel_loop3A_422 = tpu.vector_load_idx %arg25[%parallel_loop3A_407, %broadcast_in_dim3A_31] : memref<32x17xf32, #tpu.memory_space<vmem>>[vector<16xi32>, vector<16xi32>], vector<16xf32>,
        %parallel_loop3A_423 = tpu.vector_load_idx %arg25[%parallel_loop3A_407, %broadcast_in_dim3A_33] : memref<32x17xf32, #tpu.memory_space<vmem>>[vector<16xi32>, vector<16xi32>], vector<16xf32>,
        %parallel_loop3A_424 = arith.addf %parallel_loop3A_408, %parallel_loop3A_409 : vector<16xf32>
        %parallel_loop3A_425 = arith.addf %parallel_loop3A_410, %parallel_loop3A_411 : vector<16xf32>
        %parallel_loop3A_426 = arith.addf %parallel_loop3A_412, %parallel_loop3A_413 : vector<16xf32>
        %parallel_loop3A_427 = arith.addf %parallel_loop3A_414, %parallel_loop3A_415 : vector<16xf32>
        %parallel_loop3A_428 = arith.addf %parallel_loop3A_416, %parallel_loop3A_417 : vector<16xf32>
        %parallel_loop3A_429 = arith.addf %parallel_loop3A_418, %parallel_loop3A_419 : vector<16xf32>
        %parallel_loop3A_430 = arith.addf %parallel_loop3A_420, %parallel_loop3A_421 : vector<16xf32>
        %parallel_loop3A_431 = arith.addf %parallel_loop3A_422, %parallel_loop3A_423 : vector<16xf32>
        %parallel_loop3A_432 = arith.addf %parallel_loop3A_424, %parallel_loop3A_425 : vector<16xf32>
        %parallel_loop3A_433 = arith.addf %parallel_loop3A_426, %parallel_loop3A_427 : vector<16xf32>
        %parallel_loop3A_434 = arith.addf %parallel_loop3A_428, %parallel_loop3A_429 : vector<16xf32>
        %parallel_loop3A_435 = arith.addf %parallel_loop3A_430, %parallel_loop3A_431 : vector<16xf32>
        %parallel_loop3A_436 = arith.addf %parallel_loop3A_432, %parallel_loop3A_433 : vector<16xf32>
        %parallel_loop3A_437 = arith.addf %parallel_loop3A_434, %parallel_loop3A_435 : vector<16xf32>
        %parallel_loop3A_438 = arith.addf %parallel_loop3A_436, %parallel_loop3A_437 : vector<16xf32>
        %parallel_loop3A_439 = arith.constant 16 : i32
        %parallel_loop3A_440 = arith.muli %parallel_loop3A_403, %parallel_loop3A_439 : i32
        %parallel_loop3A_441 = arith.addi %mul3A_333, %parallel_loop3A_440 : i32
        %parallel_loop3A_442 = arith.index_cast %parallel_loop3A_441 : i32 to index
        %parallel_loop3A_443 = tpu.vector_load %arg26[%parallel_loop3A_442] {strides = array<i32>} : memref<512xf32, #tpu.memory_space<vmem>>, vector<16xf32>,
        tpu.vector_store %arg26[%parallel_loop3A_442], %parallel_loop3A_438 {strides = array<i32>} : memref<512xf32, #tpu.memory_space<vmem>>, vector<16xf32>,
      } {sc.loop_unroll_factor = 1 : i64, sc.parallel_access}
      %add3A_337 = arith.constant 8 : i32
      %add3A_338 = arith.addi %add3A_316, %add3A_337 : i32
      %lt3A_339 = arith.constant 16 : i32
      %lt3A_340 = arith.cmpi slt, %add3A_338, %lt3A_339 : i32
      %convert_element_type3A_341 = arith.extui %lt3A_340 : i1 to i32
      %cond3A_342 = arith.constant 0 : i32
      %cond3A_343 = arith.cmpi ne, %convert_element_type3A_341, %cond3A_342 : i32
      scf.if %cond3A_343 {
        %add3A_403 = arith.constant 8 : i32
        %add3A_404 = arith.addi %add3A_316, %add3A_403 : i32
        %dma_start3A_405 = arith.constant 0 : i32
        %dma_start3A_406 = tpu.memref_slice %arg7[%add3A_404, %dma_start3A_405] : memref<16x32xi32, #tpu.memory_space<vmem>> -> memref<1x32xi32, #tpu.memory_space<vmem>>
        %dma_start3A_407 = tpu.memref_squeeze %dma_start3A_406 : memref<1x32xi32, #tpu.memory_space<vmem>> -> memref<32xi32, #tpu.memory_space<vmem>>
        %dma_start3A_408 = arith.constant 0 : i32
        %dma_start3A_409 = arith.constant 0 : i32
        %dma_start3A_410 = tpu.memref_slice %arg4[%dma_start3A_408, %dma_start3A_409] : memref<100000x128xf32, #tpu.memory_space<hbm>> -> memref<100000x128xf32, #tpu.memory_space<hbm>>
        tpu.enqueue_indirect_dma source(%dma_start3A_410 : memref<100000x128xf32, #tpu.memory_space<hbm>>) target(%arg14 : memref<32x128xf32, #tpu.memory_space<vmem>>) offsets(%dma_start3A_407 : memref<32xi32, #tpu.memory_space<vmem>>) semaphore(%arg32 : memref<!tpu.dma_semaphore, #tpu.memory_space<semaphore_mem>>)
        %add3A_411 = arith.constant 8 : i32
        %add3A_412 = arith.addi %add3A_316, %add3A_411 : i32
        %dma_start3A_413 = arith.constant 0 : i32
        %dma_start3A_414 = tpu.memref_slice %arg8[%add3A_412, %dma_start3A_413] : memref<16x32xi32, #tpu.memory_space<vmem>> -> memref<1x32xi32, #tpu.memory_space<vmem>>
        %dma_start3A_415 = tpu.memref_squeeze %dma_start3A_414 : memref<1x32xi32, #tpu.memory_space<vmem>> -> memref<32xi32, #tpu.memory_space<vmem>>
        %dma_start3A_416 = arith.constant 0 : i32
        %dma_start3A_417 = arith.constant 0 : i32
        %dma_start3A_418 = tpu.memref_slice %arg5[%dma_start3A_416, %dma_start3A_417] : memref<100000x128xf32, #tpu.memory_space<hbm>> -> memref<100000x128xf32, #tpu.memory_space<hbm>>
        tpu.enqueue_indirect_dma source(%dma_start3A_418 : memref<100000x128xf32, #tpu.memory_space<hbm>>) target(%arg22 : memref<32x128xf32, #tpu.memory_space<vmem>>) offsets(%dma_start3A_415 : memref<32xi32, #tpu.memory_space<vmem>>) semaphore(%arg40 : memref<!tpu.dma_semaphore, #tpu.memory_space<semaphore_mem>>)
      } else {
      }
      %add3A_344 = arith.constant 6 : i32
      %add3A_345 = arith.addi %mul3A_173, %add3A_344 : i32
      %dma_wait3A_346 = arith.constant 0 : i32
      %dma_wait3A_347 = arith.constant 0 : i32
      %dma_wait3A_348 = tpu.memref_slice %arg4[%dma_wait3A_346, %dma_wait3A_347] : memref<100000x128xf32, #tpu.memory_space<hbm>> -> memref<32x128xf32, #tpu.memory_space<hbm>>
      %dma_wait3A_349 = arith.constant 0 : i32
      %dma_wait3A_350 = arith.constant 0 : i32
      %dma_wait3A_351 = tpu.memref_slice %arg4[%dma_wait3A_349, %dma_wait3A_350] : memref<100000x128xf32, #tpu.memory_space<hbm>> -> memref<32x128xf32, #tpu.memory_space<hbm>>
      tpu.wait_dma2 semaphore(%arg33 : memref<!tpu.dma_semaphore, #tpu.memory_space<semaphore_mem>>) src(%dma_wait3A_351 : memref<32x128xf32, #tpu.memory_space<hbm>>) dst(%arg15 : memref<32x128xf32, #tpu.memory_space<vmem>>)
      %dma_wait3A_352 = arith.constant 0 : i32
      %dma_wait3A_353 = arith.constant 0 : i32
      %dma_wait3A_354 = tpu.memref_slice %arg5[%dma_wait3A_352, %dma_wait3A_353] : memref<100000x128xf32, #tpu.memory_space<hbm>> -> memref<32x128xf32, #tpu.memory_space<hbm>>
      %dma_wait3A_355 = arith.constant 0 : i32
      %dma_wait3A_356 = arith.constant 0 : i32
      %dma_wait3A_357 = tpu.memref_slice %arg5[%dma_wait3A_355, %dma_wait3A_356] : memref<100000x128xf32, #tpu.memory_space<hbm>> -> memref<32x128xf32, #tpu.memory_space<hbm>>
      tpu.wait_dma2 semaphore(%arg41 : memref<!tpu.dma_semaphore, #tpu.memory_space<semaphore_mem>>) src(%dma_wait3A_357 : memref<32x128xf32, #tpu.memory_space<hbm>>) dst(%arg23 : memref<32x128xf32, #tpu.memory_space<vmem>>)
      %parallel_loop3A_358 = arith.constant 0 : i32
      %parallel_loop3A_359 = arith.constant 32 : i32
      %parallel_loop3A_360 = arith.constant 1 : i32
      scf.for %parallel_loop3A_403 = %parallel_loop3A_358 to %parallel_loop3A_359 step %parallel_loop3A_360  : i32 {
        %parallel_loop3A_404 = arith.index_cast %parallel_loop3A_403 : i32 to index
        %parallel_loop3A_405 = arith.constant 0 : index
        %parallel_loop3A_406 = tpu.vector_load %arg15[%parallel_loop3A_404, %parallel_loop3A_405] {strides = array<i32>} : memref<32x128xf32, #tpu.memory_space<vmem>>, vector<16xf32>,
        %parallel_loop3A_407 = arith.index_cast %parallel_loop3A_403 : i32 to index
        %parallel_loop3A_408 = arith.constant 0 : index
        %parallel_loop3A_409 = tpu.vector_load %arg23[%parallel_loop3A_407, %parallel_loop3A_408] {strides = array<i32>} : memref<32x128xf32, #tpu.memory_space<vmem>>, vector<16xf32>,
        %parallel_loop3A_410 = arith.mulf %parallel_loop3A_406, %parallel_loop3A_409 : vector<16xf32>
        %parallel_loop3A_411 = arith.index_cast %parallel_loop3A_403 : i32 to index
        %parallel_loop3A_412 = arith.constant 16 : index
        %parallel_loop3A_413 = tpu.vector_load %arg15[%parallel_loop3A_411, %parallel_loop3A_412] {strides = array<i32>} : memref<32x128xf32, #tpu.memory_space<vmem>>, vector<16xf32>,
        %parallel_loop3A_414 = arith.index_cast %parallel_loop3A_403 : i32 to index
        %parallel_loop3A_415 = arith.constant 16 : index
        %parallel_loop3A_416 = tpu.vector_load %arg23[%parallel_loop3A_414, %parallel_loop3A_415] {strides = array<i32>} : memref<32x128xf32, #tpu.memory_space<vmem>>, vector<16xf32>,
        %parallel_loop3A_417 = arith.mulf %parallel_loop3A_413, %parallel_loop3A_416 : vector<16xf32>
        %parallel_loop3A_418 = arith.index_cast %parallel_loop3A_403 : i32 to index
        %parallel_loop3A_419 = arith.constant 32 : index
        %parallel_loop3A_420 = tpu.vector_load %arg15[%parallel_loop3A_418, %parallel_loop3A_419] {strides = array<i32>} : memref<32x128xf32, #tpu.memory_space<vmem>>, vector<16xf32>,
        %parallel_loop3A_421 = arith.index_cast %parallel_loop3A_403 : i32 to index
        %parallel_loop3A_422 = arith.constant 32 : index
        %parallel_loop3A_423 = tpu.vector_load %arg23[%parallel_loop3A_421, %parallel_loop3A_422] {strides = array<i32>} : memref<32x128xf32, #tpu.memory_space<vmem>>, vector<16xf32>,
        %parallel_loop3A_424 = arith.mulf %parallel_loop3A_420, %parallel_loop3A_423 : vector<16xf32>
        %parallel_loop3A_425 = arith.index_cast %parallel_loop3A_403 : i32 to index
        %parallel_loop3A_426 = arith.constant 48 : index
        %parallel_loop3A_427 = tpu.vector_load %arg15[%parallel_loop3A_425, %parallel_loop3A_426] {strides = array<i32>} : memref<32x128xf32, #tpu.memory_space<vmem>>, vector<16xf32>,
        %parallel_loop3A_428 = arith.index_cast %parallel_loop3A_403 : i32 to index
        %parallel_loop3A_429 = arith.constant 48 : index
        %parallel_loop3A_430 = tpu.vector_load %arg23[%parallel_loop3A_428, %parallel_loop3A_429] {strides = array<i32>} : memref<32x128xf32, #tpu.memory_space<vmem>>, vector<16xf32>,
        %parallel_loop3A_431 = arith.mulf %parallel_loop3A_427, %parallel_loop3A_430 : vector<16xf32>
        %parallel_loop3A_432 = arith.index_cast %parallel_loop3A_403 : i32 to index
        %parallel_loop3A_433 = arith.constant 64 : index
        %parallel_loop3A_434 = tpu.vector_load %arg15[%parallel_loop3A_432, %parallel_loop3A_433] {strides = array<i32>} : memref<32x128xf32, #tpu.memory_space<vmem>>, vector<16xf32>,
        %parallel_loop3A_435 = arith.index_cast %parallel_loop3A_403 : i32 to index
        %parallel_loop3A_436 = arith.constant 64 : index
        %parallel_loop3A_437 = tpu.vector_load %arg23[%parallel_loop3A_435, %parallel_loop3A_436] {strides = array<i32>} : memref<32x128xf32, #tpu.memory_space<vmem>>, vector<16xf32>,
        %parallel_loop3A_438 = arith.mulf %parallel_loop3A_434, %parallel_loop3A_437 : vector<16xf32>
        %parallel_loop3A_439 = arith.index_cast %parallel_loop3A_403 : i32 to index
        %parallel_loop3A_440 = arith.constant 80 : index
        %parallel_loop3A_441 = tpu.vector_load %arg15[%parallel_loop3A_439, %parallel_loop3A_440] {strides = array<i32>} : memref<32x128xf32, #tpu.memory_space<vmem>>, vector<16xf32>,
        %parallel_loop3A_442 = arith.index_cast %parallel_loop3A_403 : i32 to index
        %parallel_loop3A_443 = arith.constant 80 : index
        %parallel_loop3A_444 = tpu.vector_load %arg23[%parallel_loop3A_442, %parallel_loop3A_443] {strides = array<i32>} : memref<32x128xf32, #tpu.memory_space<vmem>>, vector<16xf32>,
        %parallel_loop3A_445 = arith.mulf %parallel_loop3A_441, %parallel_loop3A_444 : vector<16xf32>
        %parallel_loop3A_446 = arith.index_cast %parallel_loop3A_403 : i32 to index
        %parallel_loop3A_447 = arith.constant 96 : index
        %parallel_loop3A_448 = tpu.vector_load %arg15[%parallel_loop3A_446, %parallel_loop3A_447] {strides = array<i32>} : memref<32x128xf32, #tpu.memory_space<vmem>>, vector<16xf32>,
        %parallel_loop3A_449 = arith.index_cast %parallel_loop3A_403 : i32 to index
        %parallel_loop3A_450 = arith.constant 96 : index
        %parallel_loop3A_451 = tpu.vector_load %arg23[%parallel_loop3A_449, %parallel_loop3A_450] {strides = array<i32>} : memref<32x128xf32, #tpu.memory_space<vmem>>, vector<16xf32>,
        %parallel_loop3A_452 = arith.mulf %parallel_loop3A_448, %parallel_loop3A_451 : vector<16xf32>
        %parallel_loop3A_453 = arith.index_cast %parallel_loop3A_403 : i32 to index
        %parallel_loop3A_454 = arith.constant 112 : index
        %parallel_loop3A_455 = tpu.vector_load %arg15[%parallel_loop3A_453, %parallel_loop3A_454] {strides = array<i32>} : memref<32x128xf32, #tpu.memory_space<vmem>>, vector<16xf32>,
        %parallel_loop3A_456 = arith.index_cast %parallel_loop3A_403 : i32 to index
        %parallel_loop3A_457 = arith.constant 112 : index
        %parallel_loop3A_458 = tpu.vector_load %arg23[%parallel_loop3A_456, %parallel_loop3A_457] {strides = array<i32>} : memref<32x128xf32, #tpu.memory_space<vmem>>, vector<16xf32>,
        %parallel_loop3A_459 = arith.mulf %parallel_loop3A_455, %parallel_loop3A_458 : vector<16xf32>
        %parallel_loop3A_460 = arith.addf %parallel_loop3A_410, %parallel_loop3A_417 : vector<16xf32>
        %parallel_loop3A_461 = arith.addf %parallel_loop3A_424, %parallel_loop3A_431 : vector<16xf32>
        %parallel_loop3A_462 = arith.addf %parallel_loop3A_438, %parallel_loop3A_445 : vector<16xf32>
        %parallel_loop3A_463 = arith.addf %parallel_loop3A_452, %parallel_loop3A_459 : vector<16xf32>
        %parallel_loop3A_464 = arith.addf %parallel_loop3A_460, %parallel_loop3A_461 : vector<16xf32>
        %parallel_loop3A_465 = arith.addf %parallel_loop3A_462, %parallel_loop3A_463 : vector<16xf32>
        %parallel_loop3A_466 = arith.addf %parallel_loop3A_464, %parallel_loop3A_465 : vector<16xf32>
        %parallel_loop3A_467 = arith.index_cast %parallel_loop3A_403 : i32 to index
        %parallel_loop3A_468 = arith.constant 0 : index
        %parallel_loop3A_469 = tpu.vector_load %arg25[%parallel_loop3A_467, %parallel_loop3A_468] {strides = array<i32>} : memref<32x17xf32, #tpu.memory_space<vmem>>, vector<16xf32>,
        tpu.vector_store %arg25[%parallel_loop3A_467, %parallel_loop3A_468], %parallel_loop3A_466 {strides = array<i32>} : memref<32x17xf32, #tpu.memory_space<vmem>>, vector<16xf32>,
      } {sc.loop_unroll_factor = 1 : i64, sc.parallel_access}
      %mul3A_361 = arith.constant 32 : i32
      %mul3A_362 = arith.muli %add3A_345, %mul3A_361 : i32
      %parallel_loop3A_363 = arith.constant 0 : i32
      %parallel_loop3A_364 = arith.constant 2 : i32
      %parallel_loop3A_365 = arith.constant 1 : i32
      scf.for %parallel_loop3A_403 = %parallel_loop3A_363 to %parallel_loop3A_364 step %parallel_loop3A_365  : i32 {
        %parallel_loop3A_404 = arith.constant 16 : i32
        %parallel_loop3A_405 = arith.muli %parallel_loop3A_403, %parallel_loop3A_404 : i32
        %parallel_loop3A_406 = vector.broadcast %parallel_loop3A_405 : i32 to vector<16xi32>
        %parallel_loop3A_407 = arith.addi %parallel_loop3A_406, %iota3A : vector<16xi32>
        %parallel_loop3A_408 = tpu.vector_load_idx %arg25[%parallel_loop3A_407, %broadcast_in_dim3A_3] : memref<32x17xf32, #tpu.memory_space<vmem>>[vector<16xi32>, vector<16xi32>], vector<16xf32>,
        %parallel_loop3A_409 = tpu.vector_load_idx %arg25[%parallel_loop3A_407, %broadcast_in_dim3A_5] : memref<32x17xf32, #tpu.memory_space<vmem>>[vector<16xi32>, vector<16xi32>], vector<16xf32>,
        %parallel_loop3A_410 = tpu.vector_load_idx %arg25[%parallel_loop3A_407, %broadcast_in_dim3A_7] : memref<32x17xf32, #tpu.memory_space<vmem>>[vector<16xi32>, vector<16xi32>], vector<16xf32>,
        %parallel_loop3A_411 = tpu.vector_load_idx %arg25[%parallel_loop3A_407, %broadcast_in_dim3A_9] : memref<32x17xf32, #tpu.memory_space<vmem>>[vector<16xi32>, vector<16xi32>], vector<16xf32>,
        %parallel_loop3A_412 = tpu.vector_load_idx %arg25[%parallel_loop3A_407, %broadcast_in_dim3A_11] : memref<32x17xf32, #tpu.memory_space<vmem>>[vector<16xi32>, vector<16xi32>], vector<16xf32>,
        %parallel_loop3A_413 = tpu.vector_load_idx %arg25[%parallel_loop3A_407, %broadcast_in_dim3A_13] : memref<32x17xf32, #tpu.memory_space<vmem>>[vector<16xi32>, vector<16xi32>], vector<16xf32>,
        %parallel_loop3A_414 = tpu.vector_load_idx %arg25[%parallel_loop3A_407, %broadcast_in_dim3A_15] : memref<32x17xf32, #tpu.memory_space<vmem>>[vector<16xi32>, vector<16xi32>], vector<16xf32>,
        %parallel_loop3A_415 = tpu.vector_load_idx %arg25[%parallel_loop3A_407, %broadcast_in_dim3A_17] : memref<32x17xf32, #tpu.memory_space<vmem>>[vector<16xi32>, vector<16xi32>], vector<16xf32>,
        %parallel_loop3A_416 = tpu.vector_load_idx %arg25[%parallel_loop3A_407, %broadcast_in_dim3A_19] : memref<32x17xf32, #tpu.memory_space<vmem>>[vector<16xi32>, vector<16xi32>], vector<16xf32>,
        %parallel_loop3A_417 = tpu.vector_load_idx %arg25[%parallel_loop3A_407, %broadcast_in_dim3A_21] : memref<32x17xf32, #tpu.memory_space<vmem>>[vector<16xi32>, vector<16xi32>], vector<16xf32>,
        %parallel_loop3A_418 = tpu.vector_load_idx %arg25[%parallel_loop3A_407, %broadcast_in_dim3A_23] : memref<32x17xf32, #tpu.memory_space<vmem>>[vector<16xi32>, vector<16xi32>], vector<16xf32>,
        %parallel_loop3A_419 = tpu.vector_load_idx %arg25[%parallel_loop3A_407, %broadcast_in_dim3A_25] : memref<32x17xf32, #tpu.memory_space<vmem>>[vector<16xi32>, vector<16xi32>], vector<16xf32>,
        %parallel_loop3A_420 = tpu.vector_load_idx %arg25[%parallel_loop3A_407, %broadcast_in_dim3A_27] : memref<32x17xf32, #tpu.memory_space<vmem>>[vector<16xi32>, vector<16xi32>], vector<16xf32>,
        %parallel_loop3A_421 = tpu.vector_load_idx %arg25[%parallel_loop3A_407, %broadcast_in_dim3A_29] : memref<32x17xf32, #tpu.memory_space<vmem>>[vector<16xi32>, vector<16xi32>], vector<16xf32>,
        %parallel_loop3A_422 = tpu.vector_load_idx %arg25[%parallel_loop3A_407, %broadcast_in_dim3A_31] : memref<32x17xf32, #tpu.memory_space<vmem>>[vector<16xi32>, vector<16xi32>], vector<16xf32>,
        %parallel_loop3A_423 = tpu.vector_load_idx %arg25[%parallel_loop3A_407, %broadcast_in_dim3A_33] : memref<32x17xf32, #tpu.memory_space<vmem>>[vector<16xi32>, vector<16xi32>], vector<16xf32>,
        %parallel_loop3A_424 = arith.addf %parallel_loop3A_408, %parallel_loop3A_409 : vector<16xf32>
        %parallel_loop3A_425 = arith.addf %parallel_loop3A_410, %parallel_loop3A_411 : vector<16xf32>
        %parallel_loop3A_426 = arith.addf %parallel_loop3A_412, %parallel_loop3A_413 : vector<16xf32>
        %parallel_loop3A_427 = arith.addf %parallel_loop3A_414, %parallel_loop3A_415 : vector<16xf32>
        %parallel_loop3A_428 = arith.addf %parallel_loop3A_416, %parallel_loop3A_417 : vector<16xf32>
        %parallel_loop3A_429 = arith.addf %parallel_loop3A_418, %parallel_loop3A_419 : vector<16xf32>
        %parallel_loop3A_430 = arith.addf %parallel_loop3A_420, %parallel_loop3A_421 : vector<16xf32>
        %parallel_loop3A_431 = arith.addf %parallel_loop3A_422, %parallel_loop3A_423 : vector<16xf32>
        %parallel_loop3A_432 = arith.addf %parallel_loop3A_424, %parallel_loop3A_425 : vector<16xf32>
        %parallel_loop3A_433 = arith.addf %parallel_loop3A_426, %parallel_loop3A_427 : vector<16xf32>
        %parallel_loop3A_434 = arith.addf %parallel_loop3A_428, %parallel_loop3A_429 : vector<16xf32>
        %parallel_loop3A_435 = arith.addf %parallel_loop3A_430, %parallel_loop3A_431 : vector<16xf32>
        %parallel_loop3A_436 = arith.addf %parallel_loop3A_432, %parallel_loop3A_433 : vector<16xf32>
        %parallel_loop3A_437 = arith.addf %parallel_loop3A_434, %parallel_loop3A_435 : vector<16xf32>
        %parallel_loop3A_438 = arith.addf %parallel_loop3A_436, %parallel_loop3A_437 : vector<16xf32>
        %parallel_loop3A_439 = arith.constant 16 : i32
        %parallel_loop3A_440 = arith.muli %parallel_loop3A_403, %parallel_loop3A_439 : i32
        %parallel_loop3A_441 = arith.addi %mul3A_362, %parallel_loop3A_440 : i32
        %parallel_loop3A_442 = arith.index_cast %parallel_loop3A_441 : i32 to index
        %parallel_loop3A_443 = tpu.vector_load %arg26[%parallel_loop3A_442] {strides = array<i32>} : memref<512xf32, #tpu.memory_space<vmem>>, vector<16xf32>,
        tpu.vector_store %arg26[%parallel_loop3A_442], %parallel_loop3A_438 {strides = array<i32>} : memref<512xf32, #tpu.memory_space<vmem>>, vector<16xf32>,
      } {sc.loop_unroll_factor = 1 : i64, sc.parallel_access}
      %add3A_366 = arith.constant 8 : i32
      %add3A_367 = arith.addi %add3A_345, %add3A_366 : i32
      %lt3A_368 = arith.constant 16 : i32
      %lt3A_369 = arith.cmpi slt, %add3A_367, %lt3A_368 : i32
      %convert_element_type3A_370 = arith.extui %lt3A_369 : i1 to i32
      %cond3A_371 = arith.constant 0 : i32
      %cond3A_372 = arith.cmpi ne, %convert_element_type3A_370, %cond3A_371 : i32
      scf.if %cond3A_372 {
        %add3A_403 = arith.constant 8 : i32
        %add3A_404 = arith.addi %add3A_345, %add3A_403 : i32
        %dma_start3A_405 = arith.constant 0 : i32
        %dma_start3A_406 = tpu.memref_slice %arg7[%add3A_404, %dma_start3A_405] : memref<16x32xi32, #tpu.memory_space<vmem>> -> memref<1x32xi32, #tpu.memory_space<vmem>>
        %dma_start3A_407 = tpu.memref_squeeze %dma_start3A_406 : memref<1x32xi32, #tpu.memory_space<vmem>> -> memref<32xi32, #tpu.memory_space<vmem>>
        %dma_start3A_408 = arith.constant 0 : i32
        %dma_start3A_409 = arith.constant 0 : i32
        %dma_start3A_410 = tpu.memref_slice %arg4[%dma_start3A_408, %dma_start3A_409] : memref<100000x128xf32, #tpu.memory_space<hbm>> -> memref<100000x128xf32, #tpu.memory_space<hbm>>
        tpu.enqueue_indirect_dma source(%dma_start3A_410 : memref<100000x128xf32, #tpu.memory_space<hbm>>) target(%arg15 : memref<32x128xf32, #tpu.memory_space<vmem>>) offsets(%dma_start3A_407 : memref<32xi32, #tpu.memory_space<vmem>>) semaphore(%arg33 : memref<!tpu.dma_semaphore, #tpu.memory_space<semaphore_mem>>)
        %add3A_411 = arith.constant 8 : i32
        %add3A_412 = arith.addi %add3A_345, %add3A_411 : i32
        %dma_start3A_413 = arith.constant 0 : i32
        %dma_start3A_414 = tpu.memref_slice %arg8[%add3A_412, %dma_start3A_413] : memref<16x32xi32, #tpu.memory_space<vmem>> -> memref<1x32xi32, #tpu.memory_space<vmem>>
        %dma_start3A_415 = tpu.memref_squeeze %dma_start3A_414 : memref<1x32xi32, #tpu.memory_space<vmem>> -> memref<32xi32, #tpu.memory_space<vmem>>
        %dma_start3A_416 = arith.constant 0 : i32
        %dma_start3A_417 = arith.constant 0 : i32
        %dma_start3A_418 = tpu.memref_slice %arg5[%dma_start3A_416, %dma_start3A_417] : memref<100000x128xf32, #tpu.memory_space<hbm>> -> memref<100000x128xf32, #tpu.memory_space<hbm>>
        tpu.enqueue_indirect_dma source(%dma_start3A_418 : memref<100000x128xf32, #tpu.memory_space<hbm>>) target(%arg23 : memref<32x128xf32, #tpu.memory_space<vmem>>) offsets(%dma_start3A_415 : memref<32xi32, #tpu.memory_space<vmem>>) semaphore(%arg41 : memref<!tpu.dma_semaphore, #tpu.memory_space<semaphore_mem>>)
      } else {
      }
      %add3A_373 = arith.constant 7 : i32
      %add3A_374 = arith.addi %mul3A_173, %add3A_373 : i32
      %dma_wait3A_375 = arith.constant 0 : i32
      %dma_wait3A_376 = arith.constant 0 : i32
      %dma_wait3A_377 = tpu.memref_slice %arg4[%dma_wait3A_375, %dma_wait3A_376] : memref<100000x128xf32, #tpu.memory_space<hbm>> -> memref<32x128xf32, #tpu.memory_space<hbm>>
      %dma_wait3A_378 = arith.constant 0 : i32
      %dma_wait3A_379 = arith.constant 0 : i32
      %dma_wait3A_380 = tpu.memref_slice %arg4[%dma_wait3A_378, %dma_wait3A_379] : memref<100000x128xf32, #tpu.memory_space<hbm>> -> memref<32x128xf32, #tpu.memory_space<hbm>>
      tpu.wait_dma2 semaphore(%arg34 : memref<!tpu.dma_semaphore, #tpu.memory_space<semaphore_mem>>) src(%dma_wait3A_380 : memref<32x128xf32, #tpu.memory_space<hbm>>) dst(%arg16 : memref<32x128xf32, #tpu.memory_space<vmem>>)
      %dma_wait3A_381 = arith.constant 0 : i32
      %dma_wait3A_382 = arith.constant 0 : i32
      %dma_wait3A_383 = tpu.memref_slice %arg5[%dma_wait3A_381, %dma_wait3A_382] : memref<100000x128xf32, #tpu.memory_space<hbm>> -> memref<32x128xf32, #tpu.memory_space<hbm>>
      %dma_wait3A_384 = arith.constant 0 : i32
      %dma_wait3A_385 = arith.constant 0 : i32
      %dma_wait3A_386 = tpu.memref_slice %arg5[%dma_wait3A_384, %dma_wait3A_385] : memref<100000x128xf32, #tpu.memory_space<hbm>> -> memref<32x128xf32, #tpu.memory_space<hbm>>
      tpu.wait_dma2 semaphore(%arg42 : memref<!tpu.dma_semaphore, #tpu.memory_space<semaphore_mem>>) src(%dma_wait3A_386 : memref<32x128xf32, #tpu.memory_space<hbm>>) dst(%arg24 : memref<32x128xf32, #tpu.memory_space<vmem>>)
      %parallel_loop3A_387 = arith.constant 0 : i32
      %parallel_loop3A_388 = arith.constant 32 : i32
      %parallel_loop3A_389 = arith.constant 1 : i32
      scf.for %parallel_loop3A_403 = %parallel_loop3A_387 to %parallel_loop3A_388 step %parallel_loop3A_389  : i32 {
        %parallel_loop3A_404 = arith.index_cast %parallel_loop3A_403 : i32 to index
        %parallel_loop3A_405 = arith.constant 0 : index
        %parallel_loop3A_406 = tpu.vector_load %arg16[%parallel_loop3A_404, %parallel_loop3A_405] {strides = array<i32>} : memref<32x128xf32, #tpu.memory_space<vmem>>, vector<16xf32>,
        %parallel_loop3A_407 = arith.index_cast %parallel_loop3A_403 : i32 to index
        %parallel_loop3A_408 = arith.constant 0 : index
        %parallel_loop3A_409 = tpu.vector_load %arg24[%parallel_loop3A_407, %parallel_loop3A_408] {strides = array<i32>} : memref<32x128xf32, #tpu.memory_space<vmem>>, vector<16xf32>,
        %parallel_loop3A_410 = arith.mulf %parallel_loop3A_406, %parallel_loop3A_409 : vector<16xf32>
        %parallel_loop3A_411 = arith.index_cast %parallel_loop3A_403 : i32 to index
        %parallel_loop3A_412 = arith.constant 16 : index
        %parallel_loop3A_413 = tpu.vector_load %arg16[%parallel_loop3A_411, %parallel_loop3A_412] {strides = array<i32>} : memref<32x128xf32, #tpu.memory_space<vmem>>, vector<16xf32>,
        %parallel_loop3A_414 = arith.index_cast %parallel_loop3A_403 : i32 to index
        %parallel_loop3A_415 = arith.constant 16 : index
        %parallel_loop3A_416 = tpu.vector_load %arg24[%parallel_loop3A_414, %parallel_loop3A_415] {strides = array<i32>} : memref<32x128xf32, #tpu.memory_space<vmem>>, vector<16xf32>,
        %parallel_loop3A_417 = arith.mulf %parallel_loop3A_413, %parallel_loop3A_416 : vector<16xf32>
        %parallel_loop3A_418 = arith.index_cast %parallel_loop3A_403 : i32 to index
        %parallel_loop3A_419 = arith.constant 32 : index
        %parallel_loop3A_420 = tpu.vector_load %arg16[%parallel_loop3A_418, %parallel_loop3A_419] {strides = array<i32>} : memref<32x128xf32, #tpu.memory_space<vmem>>, vector<16xf32>,
        %parallel_loop3A_421 = arith.index_cast %parallel_loop3A_403 : i32 to index
        %parallel_loop3A_422 = arith.constant 32 : index
        %parallel_loop3A_423 = tpu.vector_load %arg24[%parallel_loop3A_421, %parallel_loop3A_422] {strides = array<i32>} : memref<32x128xf32, #tpu.memory_space<vmem>>, vector<16xf32>,
        %parallel_loop3A_424 = arith.mulf %parallel_loop3A_420, %parallel_loop3A_423 : vector<16xf32>
        %parallel_loop3A_425 = arith.index_cast %parallel_loop3A_403 : i32 to index
        %parallel_loop3A_426 = arith.constant 48 : index
        %parallel_loop3A_427 = tpu.vector_load %arg16[%parallel_loop3A_425, %parallel_loop3A_426] {strides = array<i32>} : memref<32x128xf32, #tpu.memory_space<vmem>>, vector<16xf32>,
        %parallel_loop3A_428 = arith.index_cast %parallel_loop3A_403 : i32 to index
        %parallel_loop3A_429 = arith.constant 48 : index
        %parallel_loop3A_430 = tpu.vector_load %arg24[%parallel_loop3A_428, %parallel_loop3A_429] {strides = array<i32>} : memref<32x128xf32, #tpu.memory_space<vmem>>, vector<16xf32>,
        %parallel_loop3A_431 = arith.mulf %parallel_loop3A_427, %parallel_loop3A_430 : vector<16xf32>
        %parallel_loop3A_432 = arith.index_cast %parallel_loop3A_403 : i32 to index
        %parallel_loop3A_433 = arith.constant 64 : index
        %parallel_loop3A_434 = tpu.vector_load %arg16[%parallel_loop3A_432, %parallel_loop3A_433] {strides = array<i32>} : memref<32x128xf32, #tpu.memory_space<vmem>>, vector<16xf32>,
        %parallel_loop3A_435 = arith.index_cast %parallel_loop3A_403 : i32 to index
        %parallel_loop3A_436 = arith.constant 64 : index
        %parallel_loop3A_437 = tpu.vector_load %arg24[%parallel_loop3A_435, %parallel_loop3A_436] {strides = array<i32>} : memref<32x128xf32, #tpu.memory_space<vmem>>, vector<16xf32>,
        %parallel_loop3A_438 = arith.mulf %parallel_loop3A_434, %parallel_loop3A_437 : vector<16xf32>
        %parallel_loop3A_439 = arith.index_cast %parallel_loop3A_403 : i32 to index
        %parallel_loop3A_440 = arith.constant 80 : index
        %parallel_loop3A_441 = tpu.vector_load %arg16[%parallel_loop3A_439, %parallel_loop3A_440] {strides = array<i32>} : memref<32x128xf32, #tpu.memory_space<vmem>>, vector<16xf32>,
        %parallel_loop3A_442 = arith.index_cast %parallel_loop3A_403 : i32 to index
        %parallel_loop3A_443 = arith.constant 80 : index
        %parallel_loop3A_444 = tpu.vector_load %arg24[%parallel_loop3A_442, %parallel_loop3A_443] {strides = array<i32>} : memref<32x128xf32, #tpu.memory_space<vmem>>, vector<16xf32>,
        %parallel_loop3A_445 = arith.mulf %parallel_loop3A_441, %parallel_loop3A_444 : vector<16xf32>
        %parallel_loop3A_446 = arith.index_cast %parallel_loop3A_403 : i32 to index
        %parallel_loop3A_447 = arith.constant 96 : index
        %parallel_loop3A_448 = tpu.vector_load %arg16[%parallel_loop3A_446, %parallel_loop3A_447] {strides = array<i32>} : memref<32x128xf32, #tpu.memory_space<vmem>>, vector<16xf32>,
        %parallel_loop3A_449 = arith.index_cast %parallel_loop3A_403 : i32 to index
        %parallel_loop3A_450 = arith.constant 96 : index
        %parallel_loop3A_451 = tpu.vector_load %arg24[%parallel_loop3A_449, %parallel_loop3A_450] {strides = array<i32>} : memref<32x128xf32, #tpu.memory_space<vmem>>, vector<16xf32>,
        %parallel_loop3A_452 = arith.mulf %parallel_loop3A_448, %parallel_loop3A_451 : vector<16xf32>
        %parallel_loop3A_453 = arith.index_cast %parallel_loop3A_403 : i32 to index
        %parallel_loop3A_454 = arith.constant 112 : index
        %parallel_loop3A_455 = tpu.vector_load %arg16[%parallel_loop3A_453, %parallel_loop3A_454] {strides = array<i32>} : memref<32x128xf32, #tpu.memory_space<vmem>>, vector<16xf32>,
        %parallel_loop3A_456 = arith.index_cast %parallel_loop3A_403 : i32 to index
        %parallel_loop3A_457 = arith.constant 112 : index
        %parallel_loop3A_458 = tpu.vector_load %arg24[%parallel_loop3A_456, %parallel_loop3A_457] {strides = array<i32>} : memref<32x128xf32, #tpu.memory_space<vmem>>, vector<16xf32>,
        %parallel_loop3A_459 = arith.mulf %parallel_loop3A_455, %parallel_loop3A_458 : vector<16xf32>
        %parallel_loop3A_460 = arith.addf %parallel_loop3A_410, %parallel_loop3A_417 : vector<16xf32>
        %parallel_loop3A_461 = arith.addf %parallel_loop3A_424, %parallel_loop3A_431 : vector<16xf32>
        %parallel_loop3A_462 = arith.addf %parallel_loop3A_438, %parallel_loop3A_445 : vector<16xf32>
        %parallel_loop3A_463 = arith.addf %parallel_loop3A_452, %parallel_loop3A_459 : vector<16xf32>
        %parallel_loop3A_464 = arith.addf %parallel_loop3A_460, %parallel_loop3A_461 : vector<16xf32>
        %parallel_loop3A_465 = arith.addf %parallel_loop3A_462, %parallel_loop3A_463 : vector<16xf32>
        %parallel_loop3A_466 = arith.addf %parallel_loop3A_464, %parallel_loop3A_465 : vector<16xf32>
        %parallel_loop3A_467 = arith.index_cast %parallel_loop3A_403 : i32 to index
        %parallel_loop3A_468 = arith.constant 0 : index
        %parallel_loop3A_469 = tpu.vector_load %arg25[%parallel_loop3A_467, %parallel_loop3A_468] {strides = array<i32>} : memref<32x17xf32, #tpu.memory_space<vmem>>, vector<16xf32>,
        tpu.vector_store %arg25[%parallel_loop3A_467, %parallel_loop3A_468], %parallel_loop3A_466 {strides = array<i32>} : memref<32x17xf32, #tpu.memory_space<vmem>>, vector<16xf32>,
      } {sc.loop_unroll_factor = 1 : i64, sc.parallel_access}
      %mul3A_390 = arith.constant 32 : i32
      %mul3A_391 = arith.muli %add3A_374, %mul3A_390 : i32
      %parallel_loop3A_392 = arith.constant 0 : i32
      %parallel_loop3A_393 = arith.constant 2 : i32
      %parallel_loop3A_394 = arith.constant 1 : i32
      scf.for %parallel_loop3A_403 = %parallel_loop3A_392 to %parallel_loop3A_393 step %parallel_loop3A_394  : i32 {
        %parallel_loop3A_404 = arith.constant 16 : i32
        %parallel_loop3A_405 = arith.muli %parallel_loop3A_403, %parallel_loop3A_404 : i32
        %parallel_loop3A_406 = vector.broadcast %parallel_loop3A_405 : i32 to vector<16xi32>
        %parallel_loop3A_407 = arith.addi %parallel_loop3A_406, %iota3A : vector<16xi32>
        %parallel_loop3A_408 = tpu.vector_load_idx %arg25[%parallel_loop3A_407, %broadcast_in_dim3A_3] : memref<32x17xf32, #tpu.memory_space<vmem>>[vector<16xi32>, vector<16xi32>], vector<16xf32>,
        %parallel_loop3A_409 = tpu.vector_load_idx %arg25[%parallel_loop3A_407, %broadcast_in_dim3A_5] : memref<32x17xf32, #tpu.memory_space<vmem>>[vector<16xi32>, vector<16xi32>], vector<16xf32>,
        %parallel_loop3A_410 = tpu.vector_load_idx %arg25[%parallel_loop3A_407, %broadcast_in_dim3A_7] : memref<32x17xf32, #tpu.memory_space<vmem>>[vector<16xi32>, vector<16xi32>], vector<16xf32>,
        %parallel_loop3A_411 = tpu.vector_load_idx %arg25[%parallel_loop3A_407, %broadcast_in_dim3A_9] : memref<32x17xf32, #tpu.memory_space<vmem>>[vector<16xi32>, vector<16xi32>], vector<16xf32>,
        %parallel_loop3A_412 = tpu.vector_load_idx %arg25[%parallel_loop3A_407, %broadcast_in_dim3A_11] : memref<32x17xf32, #tpu.memory_space<vmem>>[vector<16xi32>, vector<16xi32>], vector<16xf32>,
        %parallel_loop3A_413 = tpu.vector_load_idx %arg25[%parallel_loop3A_407, %broadcast_in_dim3A_13] : memref<32x17xf32, #tpu.memory_space<vmem>>[vector<16xi32>, vector<16xi32>], vector<16xf32>,
        %parallel_loop3A_414 = tpu.vector_load_idx %arg25[%parallel_loop3A_407, %broadcast_in_dim3A_15] : memref<32x17xf32, #tpu.memory_space<vmem>>[vector<16xi32>, vector<16xi32>], vector<16xf32>,
        %parallel_loop3A_415 = tpu.vector_load_idx %arg25[%parallel_loop3A_407, %broadcast_in_dim3A_17] : memref<32x17xf32, #tpu.memory_space<vmem>>[vector<16xi32>, vector<16xi32>], vector<16xf32>,
        %parallel_loop3A_416 = tpu.vector_load_idx %arg25[%parallel_loop3A_407, %broadcast_in_dim3A_19] : memref<32x17xf32, #tpu.memory_space<vmem>>[vector<16xi32>, vector<16xi32>], vector<16xf32>,
        %parallel_loop3A_417 = tpu.vector_load_idx %arg25[%parallel_loop3A_407, %broadcast_in_dim3A_21] : memref<32x17xf32, #tpu.memory_space<vmem>>[vector<16xi32>, vector<16xi32>], vector<16xf32>,
        %parallel_loop3A_418 = tpu.vector_load_idx %arg25[%parallel_loop3A_407, %broadcast_in_dim3A_23] : memref<32x17xf32, #tpu.memory_space<vmem>>[vector<16xi32>, vector<16xi32>], vector<16xf32>,
        %parallel_loop3A_419 = tpu.vector_load_idx %arg25[%parallel_loop3A_407, %broadcast_in_dim3A_25] : memref<32x17xf32, #tpu.memory_space<vmem>>[vector<16xi32>, vector<16xi32>], vector<16xf32>,
        %parallel_loop3A_420 = tpu.vector_load_idx %arg25[%parallel_loop3A_407, %broadcast_in_dim3A_27] : memref<32x17xf32, #tpu.memory_space<vmem>>[vector<16xi32>, vector<16xi32>], vector<16xf32>,
        %parallel_loop3A_421 = tpu.vector_load_idx %arg25[%parallel_loop3A_407, %broadcast_in_dim3A_29] : memref<32x17xf32, #tpu.memory_space<vmem>>[vector<16xi32>, vector<16xi32>], vector<16xf32>,
        %parallel_loop3A_422 = tpu.vector_load_idx %arg25[%parallel_loop3A_407, %broadcast_in_dim3A_31] : memref<32x17xf32, #tpu.memory_space<vmem>>[vector<16xi32>, vector<16xi32>], vector<16xf32>,
        %parallel_loop3A_423 = tpu.vector_load_idx %arg25[%parallel_loop3A_407, %broadcast_in_dim3A_33] : memref<32x17xf32, #tpu.memory_space<vmem>>[vector<16xi32>, vector<16xi32>], vector<16xf32>,
        %parallel_loop3A_424 = arith.addf %parallel_loop3A_408, %parallel_loop3A_409 : vector<16xf32>
        %parallel_loop3A_425 = arith.addf %parallel_loop3A_410, %parallel_loop3A_411 : vector<16xf32>
        %parallel_loop3A_426 = arith.addf %parallel_loop3A_412, %parallel_loop3A_413 : vector<16xf32>
        %parallel_loop3A_427 = arith.addf %parallel_loop3A_414, %parallel_loop3A_415 : vector<16xf32>
        %parallel_loop3A_428 = arith.addf %parallel_loop3A_416, %parallel_loop3A_417 : vector<16xf32>
        %parallel_loop3A_429 = arith.addf %parallel_loop3A_418, %parallel_loop3A_419 : vector<16xf32>
        %parallel_loop3A_430 = arith.addf %parallel_loop3A_420, %parallel_loop3A_421 : vector<16xf32>
        %parallel_loop3A_431 = arith.addf %parallel_loop3A_422, %parallel_loop3A_423 : vector<16xf32>
        %parallel_loop3A_432 = arith.addf %parallel_loop3A_424, %parallel_loop3A_425 : vector<16xf32>
        %parallel_loop3A_433 = arith.addf %parallel_loop3A_426, %parallel_loop3A_427 : vector<16xf32>
        %parallel_loop3A_434 = arith.addf %parallel_loop3A_428, %parallel_loop3A_429 : vector<16xf32>
        %parallel_loop3A_435 = arith.addf %parallel_loop3A_430, %parallel_loop3A_431 : vector<16xf32>
        %parallel_loop3A_436 = arith.addf %parallel_loop3A_432, %parallel_loop3A_433 : vector<16xf32>
        %parallel_loop3A_437 = arith.addf %parallel_loop3A_434, %parallel_loop3A_435 : vector<16xf32>
        %parallel_loop3A_438 = arith.addf %parallel_loop3A_436, %parallel_loop3A_437 : vector<16xf32>
        %parallel_loop3A_439 = arith.constant 16 : i32
        %parallel_loop3A_440 = arith.muli %parallel_loop3A_403, %parallel_loop3A_439 : i32
        %parallel_loop3A_441 = arith.addi %mul3A_391, %parallel_loop3A_440 : i32
        %parallel_loop3A_442 = arith.index_cast %parallel_loop3A_441 : i32 to index
        %parallel_loop3A_443 = tpu.vector_load %arg26[%parallel_loop3A_442] {strides = array<i32>} : memref<512xf32, #tpu.memory_space<vmem>>, vector<16xf32>,
        tpu.vector_store %arg26[%parallel_loop3A_442], %parallel_loop3A_438 {strides = array<i32>} : memref<512xf32, #tpu.memory_space<vmem>>, vector<16xf32>,
      } {sc.loop_unroll_factor = 1 : i64, sc.parallel_access}
      %add3A_395 = arith.constant 8 : i32
      %add3A_396 = arith.addi %add3A_374, %add3A_395 : i32
      %lt3A_397 = arith.constant 16 : i32
      %lt3A_398 = arith.cmpi slt, %add3A_396, %lt3A_397 : i32
      %convert_element_type3A_399 = arith.extui %lt3A_398 : i1 to i32
      %cond3A_400 = arith.constant 0 : i32
      %cond3A_401 = arith.cmpi ne, %convert_element_type3A_399, %cond3A_400 : i32
      scf.if %cond3A_401 {
        %add3A_403 = arith.constant 8 : i32
        %add3A_404 = arith.addi %add3A_374, %add3A_403 : i32
        %dma_start3A_405 = arith.constant 0 : i32
        %dma_start3A_406 = tpu.memref_slice %arg7[%add3A_404, %dma_start3A_405] : memref<16x32xi32, #tpu.memory_space<vmem>> -> memref<1x32xi32, #tpu.memory_space<vmem>>
        %dma_start3A_407 = tpu.memref_squeeze %dma_start3A_406 : memref<1x32xi32, #tpu.memory_space<vmem>> -> memref<32xi32, #tpu.memory_space<vmem>>
        %dma_start3A_408 = arith.constant 0 : i32
        %dma_start3A_409 = arith.constant 0 : i32
        %dma_start3A_410 = tpu.memref_slice %arg4[%dma_start3A_408, %dma_start3A_409] : memref<100000x128xf32, #tpu.memory_space<hbm>> -> memref<100000x128xf32, #tpu.memory_space<hbm>>
        tpu.enqueue_indirect_dma source(%dma_start3A_410 : memref<100000x128xf32, #tpu.memory_space<hbm>>) target(%arg16 : memref<32x128xf32, #tpu.memory_space<vmem>>) offsets(%dma_start3A_407 : memref<32xi32, #tpu.memory_space<vmem>>) semaphore(%arg34 : memref<!tpu.dma_semaphore, #tpu.memory_space<semaphore_mem>>)
        %add3A_411 = arith.constant 8 : i32
        %add3A_412 = arith.addi %add3A_374, %add3A_411 : i32
        %dma_start3A_413 = arith.constant 0 : i32
        %dma_start3A_414 = tpu.memref_slice %arg8[%add3A_412, %dma_start3A_413] : memref<16x32xi32, #tpu.memory_space<vmem>> -> memref<1x32xi32, #tpu.memory_space<vmem>>
        %dma_start3A_415 = tpu.memref_squeeze %dma_start3A_414 : memref<1x32xi32, #tpu.memory_space<vmem>> -> memref<32xi32, #tpu.memory_space<vmem>>
        %dma_start3A_416 = arith.constant 0 : i32
        %dma_start3A_417 = arith.constant 0 : i32
        %dma_start3A_418 = tpu.memref_slice %arg5[%dma_start3A_416, %dma_start3A_417] : memref<100000x128xf32, #tpu.memory_space<hbm>> -> memref<100000x128xf32, #tpu.memory_space<hbm>>
        tpu.enqueue_indirect_dma source(%dma_start3A_418 : memref<100000x128xf32, #tpu.memory_space<hbm>>) target(%arg24 : memref<32x128xf32, #tpu.memory_space<vmem>>) offsets(%dma_start3A_415 : memref<32xi32, #tpu.memory_space<vmem>>) semaphore(%arg42 : memref<!tpu.dma_semaphore, #tpu.memory_space<semaphore_mem>>)
      } else {
      }
      %scan3A_402 = arith.constant 0 : i32
      scf.yield %scan3A_402 : i32
    }
    %scan3A_169 = arith.constant 2 : i32
    "tpu.region"() ({
      %run_scoped3A = tpu.sem_alloc : memref<!tpu.dma_semaphore, #tpu.memory_space<semaphore_mem>>
      %dma_start3A_170 = tpu.memref_slice %arg6[%mul3A_2] : memref<16384xf32, #tpu.memory_space<hbm>> -> memref<512xf32, #tpu.memory_space<hbm>>
      %dma_start3A_171 = tpu.memref_slice %arg6[%mul3A_2] : memref<16384xf32, #tpu.memory_space<hbm>> -> memref<512xf32, #tpu.memory_space<hbm>>
      tpu.enqueue_dma source(%arg26 : memref<512xf32, #tpu.memory_space<vmem>>) target(%dma_start3A_171 : memref<512xf32, #tpu.memory_space<hbm>>) target_semaphore(%run_scoped3A : memref<!tpu.dma_semaphore, #tpu.memory_space<semaphore_mem>>)
      %dma_wait3A_172 = tpu.memref_slice %arg6[%mul3A_2] : memref<16384xf32, #tpu.memory_space<hbm>> -> memref<512xf32, #tpu.memory_space<hbm>>
      %dma_wait3A_173 = tpu.memref_slice %arg6[%mul3A_2] : memref<16384xf32, #tpu.memory_space<hbm>> -> memref<512xf32, #tpu.memory_space<hbm>>
      tpu.wait_dma2 semaphore(%run_scoped3A : memref<!tpu.dma_semaphore, #tpu.memory_space<semaphore_mem>>) src(%arg26 : memref<512xf32, #tpu.memory_space<vmem>>) dst(%dma_wait3A_173 : memref<512xf32, #tpu.memory_space<hbm>>)
      tpu.yield
    }) : () -> ()
    return
  }
}

</mosaic_0001>

<sc_bundles>
// kernel: _run.3.cloned.1.call-start
scs
__scs_entry_jumppad:
0x0: {  	(pc) =	sbr.rel $0x88, $3  }
0x1: {  	(tag) =	ssettag $0x0;
	lr =	simm.s32 $0x1  }
0x2: {  	[smem:$0x3F9D] =	sst lr;
	_ =	strace $0xD0000000  }
0x3: {  	_ = 	snop  }
0x4: {  	_ = 	snop  }
0x5: {  	_ = 	snop  }
0x6: {  	_ = 	snop  }
0x7: {  	_ = 	snop  }
__scs_overlays_trampoline_lowered:
0x8: {  	[smem:$0x3FAC] =	sst s0  }
0x9: {  	[smem:$0x3FAD] =	sst s1  }
0xa: {  	[smem:$0x3FAE] =	sst s2  }
0xb: {  	[smem:$0x3FAF] =	sst s3  }
0xc: {  	[smem:$0x3FB0] =	sst s4  }
0xd: {  	[smem:$0x3FB1] =	sst s5  }
0xe: {  	[smem:$0x3FB2] =	sst s6  }
0xf: {  	[smem:$0x3FB3] =	sst s7  }
0x10: {  	[smem:$0x3FB4] =	sst s8  }
0x11: {  	[smem:$0x3FB5] =	sst s9;
	s0 =	simm.s32 @!p0 $0x0  }
0x12: {  	s1 =	sld [smem:$0x3F9B];
	s0 =	simm.s32 @p0 $0x1  }
0x13: {  	[smem:$0x3FB6] =	sst s0;
	s0 =	simm.s32 @!p1 $0x0  }
0x14: {  	s2 =	sld [smem:$0x3F9A];
	s0 =	simm.s32 @p1 $0x1  }
0x15: {  	[smem:$0x3FB7] =	sst s0;
	s0 =	simm.s32 @!p2 $0x0  }
0x16: {  	s3 =	sld [smem:$0x3FDB];
	s0 =	simm.s32 @p2 $0x1  }
0x17: {  	s4 =	simm.s32 $0x1BF5;
	[smem:$0x3FB9] =	sst s0  }
0x18: {  	s0 =	sld [smem:$0x3F9C];
	_ =	swait.ge [sflag:s4], $0x0  }
0x19: {  	s7 =	sld [smem:$0x3F9D]  }
0x1a: {  	s8 =	sadd.s32 $0xFFFFE003, lr  }
0x1b: {  	s9 =	sadd.s32 $0xFFFFFEF7, lr;
	s5 =	simm.s32 $0xFFFFFFFF;
	p2 =	slt.u32 s8, $0xFFFFF086  }
0x1c: {  	p1 =	slt.u32 s9, $0xF7A;
	s5 =	simm.s32 @!p2 $0x0  }
0x1d: {  	s5 =	simm.s32 @p1 $0x1;
	p0 =	seq.s32 s7, s2  }
0x1e: {  	s7 =	smul.u32 @!p0 $0xF7A, s2;
	p2 =	seq.s32 @!p0 s5, $0x0  }
0x1f: {  	s9 =	smul.u32 $0xF7A, s1;
	s8 =	simm.s32 @!p0 $0x1BF5;
	p2 =	por !p2, p0  }
0x20: {  	[sflag:s8] =	ssyncset.s32 @!p0 $0xFFFFF086;
	s6 =	sadd.s32 @!p0 s3, s7;
	s7 =	simm.s32 @!p0 $0x108  }
0x21: {  	s3 =	sadd.s32 s3, s9;
	s6 =	sadd.s32 @!p0 $0x88, s6;
	s7 =	simm.s32 @p2 $0x1082  }
0x22: {  	[simem:s7], [sflag:s8] =	dma.local @!p0 [hbm:s6], $0xF7A  }
0x23: {  	s9 =	sor.u32 $0xD0000000, s2;
	s6 =	simm.s32 $0x108;
	_ =	swait.ge @!p0 [sflag:s8], $0x0  }
0x24: {  	s3 =	sadd.s32 $0x88, s3;
	s6 =	simm.s32 @!p1 $0x1082;
	[sflag:s4] =	ssyncset.s32 $0xFFFFF086  }
0x25: {  	[simem:s6], [sflag:s4] =	dma.local [hbm:s3], $0xF7A  }
0x26: {  	[smem:$0x3F9D] =	sst s1;
	(tag) =	ssettag s2;
	_ =	strace s9  }
0x27: {  	s1 =	sld [smem:$0x3FAD]  }
0x28: {  	s2 =	sld [smem:$0x3FAE]  }
0x29: {  	s4 =	sld [smem:$0x3FB0]  }
0x2a: {  	p0 =	seq.s32 s5, $0x0;
	s5 =	sld [smem:$0x3FB1]  }
0x2b: {  	s6 =	sld [smem:$0x3FB2]  }
0x2c: {  	s7 =	sld [smem:$0x3FB3]  }
0x2d: {  	s3 =	simm.s32 $0x108;
	s8 =	sld [smem:$0x3FB4]  }
0x2e: {  	s3 =	simm.s32 @!p0 $0x1082;
	s9 =	sld [smem:$0x3FB5]  }
0x2f: {  	lr =	sadd.s32 s0, s3;
	s0 =	sld [smem:$0x3FAC]  }
0x30: {  	s3 =	sld [smem:$0x3FAF]  }
0x31: {  	[smem:$0x3FB8] =	sst s10  }
0x32: {  	s10 =	sld [smem:$0x3FB6];
	_ =	sdelay $0x3  }
0x33: {  	p0 =	seq.s32 s10, $0x1;
	s10 =	sld [smem:$0x3FB8];
	_ =	sdelay $0x3  }
0x34: {  	[smem:$0x3FB8] =	sst s10  }
0x35: {  	s10 =	sld [smem:$0x3FB7];
	_ =	sdelay $0x3  }
0x36: {  	p1 =	seq.s32 s10, $0x1;
	s10 =	sld [smem:$0x3FB8];
	_ =	sdelay $0x3  }
0x37: {  	[smem:$0x3FB8] =	sst s10  }
0x38: {  	s10 =	sld [smem:$0x3FB9]  }
0x39: {  	_ = 	snop;
	(pc) =	sbr.ind lr, $3  }
0x3a: {  	_ = 	snop  }
0x3b: {  	_ = 	snop  }
0x3c: {  	p2 =	seq.s32 s10, $0x1;
	s10 =	sld [smem:$0x3FB8]  }
0x3d: {  	_ =	shalt  }
0x3e: {  	_ =	shalt  }
0x3f: {  	_ =	shalt  }
0x40: {  	_ =	shalt  }
0x41: {  	_ =	shalt  }
0x42: {  	_ =	shalt  }
0x43: {  	_ =	shalt  }
0x44: {  	_ =	shalt  }
0x45: {  	_ =	shalt  }
0x46: {  	_ =	shalt  }
0x47: {  	_ =	shalt  }
0x48: {  	_ =	shalt  }
0x49: {  	_ =	shalt  }
0x4a: {  	_ =	shalt  }
0x4b: {  	_ =	shalt  }
0x4c: {  	_ =	shalt  }
0x4d: {  	_ =	shalt  }
0x4e: {  	_ =	shalt  }
0x4f: {  	_ =	shalt  }
0x50: {  	_ =	shalt  }
0x51: {  	_ =	shalt  }
0x52: {  	_ =	shalt  }
0x53: {  	_ =	shalt  }
0x54: {  	_ =	shalt  }
0x55: {  	_ =	shalt  }
0x56: {  	_ =	shalt  }
0x57: {  	_ =	shalt  }
0x58: {  	_ =	shalt  }
0x59: {  	_ =	shalt  }
0x5a: {  	_ =	shalt  }
0x5b: {  	_ =	shalt  }
0x5c: {  	_ =	shalt  }
0x5d: {  	_ =	shalt  }
0x5e: {  	_ =	shalt  }
0x5f: {  	_ =	shalt  }
0x60: {  	_ =	shalt  }
0x61: {  	_ =	shalt  }
0x62: {  	_ =	shalt  }
0x63: {  	_ =	shalt  }
0x64: {  	_ =	shalt  }
0x65: {  	_ =	shalt  }
0x66: {  	_ =	shalt  }
0x67: {  	_ =	shalt  }
0x68: {  	_ =	shalt  }
0x69: {  	_ =	shalt  }
0x6a: {  	_ =	shalt  }
0x6b: {  	_ =	shalt  }
0x6c: {  	_ =	shalt  }
0x6d: {  	_ =	shalt  }
0x6e: {  	_ =	shalt  }
0x6f: {  	_ =	shalt  }
0x70: {  	_ =	shalt  }
0x71: {  	_ =	shalt  }
0x72: {  	_ =	shalt  }
0x73: {  	_ =	shalt  }
0x74: {  	_ =	shalt  }
0x75: {  	_ =	shalt  }
0x76: {  	_ =	shalt  }
0x77: {  	_ =	shalt  }
0x78: {  	_ =	shalt  }
0x79: {  	_ =	shalt  }
0x7a: {  	_ =	shalt  }
0x7b: {  	_ =	shalt  }
0x7c: {  	_ =	shalt  }
0x7d: {  	_ =	shalt  }
0x7e: {  	_ =	shalt  }
0x7f: {  	_ =	shalt  }
0x80: {  	_ =	shalt  }
0x81: {  	_ =	shalt  }
0x82: {  	_ =	shalt  }
0x83: {  	_ =	shalt  }
0x84: {  	_ =	shalt  }
0x85: {  	_ =	shalt  }
0x86: {  	_ =	shalt  }
0x87: {  	_ =	shalt  }
.Lfunc_end0:
.L_simem_size_0:
called_computation_lowered:
.L_overlay_start_0:
0x88: {  	s2 =	sld [smem:$0x3FD9]  }
0x89: {  	s3 =	sld [smem:$0x3FFE];
	_ =	sdelay $0x1  }
0x8a: {  	s1 =	srdreg.scid  }
0x8b: {  	s0 =	sand.u32 $0x1, s1  }
0x8c: {  	s17 =	sshll.u32 s0, $0xA;
	s2 =	sadd.s32 s3, s2  }
0x8d: {  	s2 =	sadd.s32 s2, s17  }
0x8e: {  	[smem:$0x3FC4] =	sst s2  }
0x8f: {  	_ = 	snop  }
0x90: {  	s2 =	sld [smem:$0x3FC7]  }
0x91: {  	s18 =	sld [smem:$0x3FC6]  }
0x92: {  	s4 =	sld [smem:$0x3FD0];
	(tm) =	ssettm $0x1  }
0x93: {  	s5 =	sld [smem:$0x3FFB];
	_ =	sdelay $0x3  }
0x94: {  	_ =	strace s5  }
0x95: {  	s5 =	sld [smem:$0x3FFC];
	_ =	sdelay $0x3  }
0x96: {  	_ =	strace s5  }
0x97: {  	s5 =	sld [smem:$0x3FFD];
	_ =	sdelay $0x3  }
0x98: {  	_ =	strace s5  }
0x99: {  	_ =	strace $0x8FFFFFFF  }
0x9a: {  	s19 =	sld [smem:$0x3FDB];
	_ =	sdelay $0x1  }
0x9b: {  	s6 =	simm.s32 $_scs_section_size  }
0x9c: {  	s7 =	simm.s32 $_size__tile_overlayer_lowered;
	s8 =	simm.s32 $_tile_overlayer_lowered  }
0x9d: {  	s22 =	simm.s32 $0x1BFF;
	s21 =	sshll.u32 s8, $0x1;
	s5 =	sadd.s32 s6, s19  }
0x9e: {  	s9 =	simm.s32 $0x0;
	s20 =	sshll.u32 s7, $0x1;
	s7 =	sadd.s32 s21, s5  }
0x9f: {  	[timem:s9], [sflag:s22] =	dma.local [hbm:s7], s20  }
0xa0: {  	_ =	swait.ge [sflag:s22], s20  }
0xa1: {  	s6 =	ssub.s32 $0x0, s20;
	[sflag:s22] =	ssyncset.done $0x0  }
0xa2: {  	[sflag:s22] =	ssyncadd.s32 s6;
	_ =	sdelay $0x1  }
0xa3: {  	s23 =	simm.s32 $0x1B8B  }
0xa4: {  	_ =	swait.ge [sflag:s23], $0x1  }
0xa5: {  	[sflag:s23] =	ssyncset.done $0x0  }
0xa6: {  	s25 =	simm.s32 $0x1B8E;
	s24 =	sld [smem:$0x3FFE];
	[sflag:s23] =	ssyncadd.s32 $0xFFFFFFFF  }
0xa7: {  	s26 =	simm.s32 $execute0_lowered;
	[smem:$0x3FD2] =	sst s25  }
0xa8: {  	s7 =	sshll.u32 s26, $0x1;
	_ =	strace $0x80000046;
	[dreg:$0x1] =	wrdreg $0xFFFFFFFF  }
0xa9: {  	s28 =	simm.s32 $_size_execute0_lowered;
	s5 =	sadd.s32 s5, s7;
	[dreg:$0x0] =	wrdreg $0x0  }
0xaa: {  	s7 =	sshll.u32 s28, $0x1;
	[dreg:$0x2] =	wrdreg s5  }
0xab: {  	[dreg:$0x3] =	wrdreg s7  }
0xac: {  	[dreg:$0x4] =	wrdreg $0xC0  }
0xad: {  	_ =	task [dreg:s9], $0x5FFFF  }
0xae: {  	[dreg:$0x1] =	wrdreg $0xFFFFFFFF  }
0xaf: {  	[dreg:$0x0] =	wrdreg $0x60  }
0xb0: {  	[dreg:$0x2] =	wrdreg s24  }
0xb1: {  	[dreg:$0x3] =	wrdreg s2  }
0xb2: {  	[dreg:$0x4] =	wrdreg s18  }
0xb3: {  	[dreg:$0x5] =	wrdreg s4  }
0xb4: {  	[dreg:$0x6] =	wrdreg $0x9  }
0xb5: {  	_ =	task.clear_ibuf [dreg:s9], $0x7FFFF;
	_ =	strace $0x90000046  }
0xb6: {  	s29 =	simm.s32 $0x9;
	_ =	strace $0x80000048  }
0xb7: {  	_ =	swait.ge [sflag:s29], $0x1  }
0xb8: {  	[sflag:s29] =	ssyncadd.s32 $0xFFFFFFFF  }
0xb9: {  	_ =	strace $0x90000048  }
0xba: {  	_ =	sfence  }
0xbb: {  	s30 =	sld [smem:$0x0];
	_ =	sdelay $0x2  }
0xbc: {  	s31 =	sshll.u32 s1, $0xD;
	s1 =	sshrl.u32 s1, $0x2  }
0xbd: {  	s3 =	sand.u32 $0x4000, s31;
	s1 =	sadd.s32 s1, s30  }
0xbe: {  	s0 =	sor.u32 s3, s0;
	s1 =	sshll.u32 s1, $0x11  }
0xbf: {  	s0 =	sor.u32 s1, s0  }
0xc0: {  	s0 =	sadd.s32 $0x8F2B, s0  }
0xc1: {  	[sflag:s0] =	ssyncadd.remote.s32 $0x1  }
0xc2: {  	_ =	sfence.sel $0xFFFF  }
0xc3: {  	[dreg:$0x0] =	wrdreg $0xFFFFFFFF;
	(pc) =	sbr.abs _section_cstart, $3  }
0xc4: {  	[dreg:$0x1] =	wrdreg $0xFFFFFFFF  }
0xc5: {  	_ =	task.clear_ibuf [dreg:s9], $0x2FFFF;
	_ =	strace $0x9FFFFFFF  }
0xc6: {  	(tm) =	ssettm $0x7FFFFFFF  }
0xc7: {  	_ =	shalt  }
tec
execute0_lowered:
.L_overlay_start_1:
0x0: {  	(tag) =	ssettag $0x1  }
0x1: {  	s0 =	rddreg [dreg:$0x0]  }
0x2: {  	s2 =	rddreg [dreg:$0x1]  }
0x3: {  	s3 =	rddreg [dreg:$0x2]  }
0x4: {  	s1 =	rddreg [dreg:$0x3];
	s4 =	srdreg.scid  }
0x5: {  	s6 =	stileid.u32;
	s10 =	simm.s32 $0x11;
	s11 =	simm.s32 $0x12  }
0x6: {  	s12 =	simm.s32 $0x20;
	s19 =	simm.s32 $0x8000;
	s20 =	simm.s32 $0x10000  }
0x7: {  	s21 =	simm.s32 $0x1;
	s22 =	simm.s32 $0x9;
	s23 =	simm.s32 $0x11000  }
0x8: {  	s24 =	simm.s32 $0x2;
	s28 =	simm.s32 $0xB;
	s29 =	simm.s32 $0x4  }
0x9: {  	s30 =	simm.s32 $0xC;
	s31 =	simm.s32 $0x5;
	s13 =	simm.s32 $0xE  }
0xa: {  	s14 =	simm.s32 $0x7;
	s15 =	simm.s32 $0xF;
	s16 =	simm.s32 $0x8  }
0xb: {  	s17 =	simm.s32 $0x10;
	s5 =	sand.u32 $0x1, s4;
	s6 =	sshll.u32 s6, $0x1  }
0xc: {  	s18 =	simm.s32 $0x13;
	s9 =	simm.s32 $0x0;
	s6 =	sor.u32 s5, s6  }
0xd: {  	s4 =	simm.s32 $0x0;
	s5 =	ssub.s32 $0x2, s5;
	s7 =	sshll.u32 s6, $0x8  }
0xe: {  	[smem:$0x7FF] =	sst s4;
	s8 =	sshrl.u32 s5, $0x1;
	s0 =	sadd.s32 s7, s0  }
0xf: {  	_ =	strace $0x80000047;
	s25 =	sshll.u32 s6, $0x6;
	s7 =	sadd.s32 $0x400, s0  }
0x10: {  	s5 =	ssub.s32 s5, s8;
	s0 =	sadd.s32 $0x2400, s0;
	[dreg:$0x5] =	wrdreg s7  }
0x11: {  	s26 =	smax.u32 s5, $0x1;
	[dreg:$0x6] =	wrdreg s0;
	s0 =	sadd.s32 s1, s25  }
0x12: {  	v0 =	vlaneseq.u32;
	[dreg:$0x8] =	wrdreg s26;
	s25 =	simm.s32 $0xA;
	s26 =	simm.s32 $0x3  }
0x13: {  	v0 =	vmul.u32 $0x80, v0;
	s1 =	simm.s32 $0x6;
	[dreg:$0x7] =	wrdreg s0;
	s0 =	simm.s32 $0xD  }
.LBB2_1:
0x14: {  	s5 =	rddreg [dreg:$0x5]  }
0x15: {  	[tilespmem:s4], [sflag:$0x11] =	stream.linear.gather [hbm4b:s5+s4], $0x800, $0x38;
	[tilespmem:$0x12200] =	vst v63  }
0x16: {  	s8 =	rddreg [dreg:$0x6];
	s6 =	simm.s32 $0x800  }
0x17: {  	[tilespmem:s6], [sflag:$0x12] =	stream.linear.gather [hbm4b:s8+s4], $0x800, $0x38;
	[tilespmem:$0x12200] =	vst v63  }
0x18: {  	_ =	swait.ge [sflag:s10], $0x800  }
0x19: {  	[sflag:s10] =	ssyncset.done $0x0  }
0x1a: {  	[sflag:s10] =	ssyncadd.s32 $0xFFFFF800  }
0x1b: {  	_ =	swait.ge [sflag:s11], $0x800  }
0x1c: {  	[sflag:s11] =	ssyncset.done $0x0  }
0x1d: {  	s7 =	simm.s32 $0x1000;
	[sflag:s11] =	ssyncadd.s32 $0xFFFFF800  }
0x1e: {  	[tilespmem:s7], [sflag:$0x1] =	stream.indirect.gather [hbm4b:s2+s12], $0x80, s4, s12, $0xb8;
	[tilespmem:$0x12200] =	vst v63  }
0x1f: {  	s8 =	simm.s32 $0x9000  }
0x20: {  	[tilespmem:s8], [sflag:$0x9] =	stream.indirect.gather [hbm4b:s3+s12], $0x80, s6, s12, $0xb8;
	[tilespmem:$0x12200] =	vst v63  }
0x21: {  	s7 =	simm.s32 $0x80;
	s8 =	simm.s32 $0x2000  }
0x22: {  	[tilespmem:s8], [sflag:$0x2] =	stream.indirect.gather [hbm4b:s2+s12], $0x80, s7, s12, $0xb8;
	[tilespmem:$0x12200] =	vst v63  }
0x23: {  	s7 =	simm.s32 $0x880;
	s8 =	simm.s32 $0xA000  }
0x24: {  	[tilespmem:s8], [sflag:$0xA] =	stream.indirect.gather [hbm4b:s3+s12], $0x80, s7, s12, $0xb8;
	[tilespmem:$0x12200] =	vst v63  }
0x25: {  	s7 =	simm.s32 $0x100;
	s8 =	simm.s32 $0x3000  }
0x26: {  	[tilespmem:s8], [sflag:$0x3] =	stream.indirect.gather [hbm4b:s2+s12], $0x80, s7, s12, $0xb8;
	[tilespmem:$0x12200] =	vst v63  }
0x27: {  	s7 =	simm.s32 $0x900;
	s8 =	simm.s32 $0xB000  }
0x28: {  	[tilespmem:s8], [sflag:$0xB] =	stream.indirect.gather [hbm4b:s3+s12], $0x80, s7, s12, $0xb8;
	[tilespmem:$0x12200] =	vst v63  }
0x29: {  	s7 =	simm.s32 $0x180;
	s8 =	simm.s32 $0x4000  }
0x2a: {  	[tilespmem:s8], [sflag:$0x4] =	stream.indirect.gather [hbm4b:s2+s12], $0x80, s7, s12, $0xb8;
	[tilespmem:$0x12200] =	vst v63  }
0x2b: {  	s7 =	simm.s32 $0x980;
	s8 =	simm.s32 $0xC000  }
0x2c: {  	[tilespmem:s8], [sflag:$0xC] =	stream.indirect.gather [hbm4b:s3+s12], $0x80, s7, s12, $0xb8;
	[tilespmem:$0x12200] =	vst v63  }
0x2d: {  	s7 =	simm.s32 $0x200;
	s8 =	simm.s32 $0x5000  }
0x2e: {  	[tilespmem:s8], [sflag:$0x5] =	stream.indirect.gather [hbm4b:s2+s12], $0x80, s7, s12, $0xb8;
	[tilespmem:$0x12200] =	vst v63  }
0x2f: {  	s7 =	simm.s32 $0xA00;
	s8 =	simm.s32 $0xD000  }
0x30: {  	[tilespmem:s8], [sflag:$0xD] =	stream.indirect.gather [hbm4b:s3+s12], $0x80, s7, s12, $0xb8;
	[tilespmem:$0x12200] =	vst v63  }
0x31: {  	s7 =	simm.s32 $0x280;
	s8 =	simm.s32 $0x6000  }
0x32: {  	[tilespmem:s8], [sflag:$0x6] =	stream.indirect.gather [hbm4b:s2+s12], $0x80, s7, s12, $0xb8;
	[tilespmem:$0x12200] =	vst v63  }
0x33: {  	s7 =	simm.s32 $0xA80;
	s8 =	simm.s32 $0xE000  }
0x34: {  	[tilespmem:s8], [sflag:$0xE] =	stream.indirect.gather [hbm4b:s3+s12], $0x80, s7, s12, $0xb8;
	[tilespmem:$0x12200] =	vst v63  }
0x35: {  	s7 =	simm.s32 $0x300;
	s8 =	simm.s32 $0x7000  }
0x36: {  	[tilespmem:s8], [sflag:$0x7] =	stream.indirect.gather [hbm4b:s2+s12], $0x80, s7, s12, $0xb8;
	[tilespmem:$0x12200] =	vst v63  }
0x37: {  	p1 =	por $0x1, $0x1;
	s7 =	simm.s32 $0xB00;
	s8 =	simm.s32 $0xF000  }
0x38: {  	[tilespmem:s8], [sflag:$0xF] =	stream.indirect.gather [hbm4b:s3+s12], $0x80, s7, s12, $0xb8;
	[tilespmem:$0x12200] =	vst v63  }
0x39: {  	s5 =	simm.s32 $0x0;
	s6 =	simm.s32 $0xB80;
	s7 =	simm.s32 $0x380  }
.LBB2_2:
0x3a: {  	[tilespmem:s19], [sflag:$0x8] =	stream.indirect.gather [hbm4b:s2+s12], $0x80, s7, s12, $0xb8;
	[tilespmem:$0x12200] =	vst v63  }
0x3b: {  	_ = 	snop  }
0x3c: {  	[tilespmem:s20], [sflag:$0x10] =	stream.indirect.gather [hbm4b:s3+s12], $0x80, s6, s12, $0xb8;
	[tilespmem:$0x12200] =	vst v63  }
0x3d: {  	_ =	swait.ge [sflag:s21], $0x1000  }
0x3e: {  	[sflag:s21] =	ssyncset.done $0x0  }
0x3f: {  	[sflag:s21] =	ssyncadd.s32 $0xFFFFF000  }
0x40: {  	_ =	swait.ge [sflag:s22], $0x1000  }
0x41: {  	[sflag:s22] =	ssyncset.done $0x0  }
0x42: {  	s6 =	simm.s32 $0x0;
	[sflag:s22] =	ssyncadd.s32 $0xFFFFF000  }
0x43: {  	v7 =	vld [tilespmem:s6+$0x1000]  }
0x44: {  	v1 =	vld [tilespmem:s6+$0x9000]  }
0x45: {  	v2 =	vld [tilespmem:s6+$0x1010]  }
0x46: {  	v3 =	vld [tilespmem:s6+$0x9010]  }
0x47: {  	v4 =	vld [tilespmem:s6+$0x1020]  }
0x48: {  	v5 =	vld [tilespmem:s6+$0x9020]  }
0x49: {  	v6 =	vld [tilespmem:s6+$0x1030]  }
0x4a: {  	v9 =	vld [tilespmem:s6+$0x9030]  }
0x4b: {  	v8 =	vld [tilespmem:s6+$0x1040]  }
0x4c: {  	v10 =	vld [tilespmem:s6+$0x9040]  }
0x4d: {  	v11 =	vld [tilespmem:s6+$0x1050]  }
0x4e: {  	v13 =	vld [tilespmem:s6+$0x9050]  }
0x4f: {  	v12 =	vld [tilespmem:s6+$0x1060]  }
0x50: {  	v14 =	vld [tilespmem:s6+$0x9060]  }
0x51: {  	p0 =	por p1, p1;
	s7 =	simm.s32 $0x200;
	v15 =	vld [tilespmem:s6+$0x1070]  }
.LBB2_3:
0x52: {  	s8 =	sshra.s32 s7, $0x2;
	p1 =	seq.s32 s7, $0x3E00;
	v16 =	vld [tilespmem:s6+$0x9070]  }
0x53: {  	v17 =	vld [tilespmem:s8+$0x1000]  }
0x54: {  	v7 =	vmul.f32 v1, v7;
	v18 =	vmul.f32 v3, v2;
	v1 =	vld [tilespmem:s8+$0x9000]  }
0x55: {  	v19 =	vmul.f32 v5, v4;
	v6 =	vmul.f32 v9, v6;
	v2 =	vld [tilespmem:s8+$0x1010]  }
0x56: {  	v8 =	vmul.f32 v10, v8;
	v9 =	vmul.f32 v13, v11;
	v3 =	vld [tilespmem:s8+$0x9010]  }
0x57: {  	v10 =	vmul.f32 v14, v12;
	v4 =	vld [tilespmem:s8+$0x1020];
	v11 =	vmul.f32 v16, v15  }
0x58: {  	v13 =	vadd.f32 v6, v19;
	v12 =	vadd.f32 v18, v7;
	v5 =	vld [tilespmem:s8+$0x9020];
	v7 =	vmov v17  }
0x59: {  	v14 =	vadd.f32 v9, v8;
	v6 =	vld [tilespmem:s8+$0x1030];
	v10 =	vadd.f32 v11, v10  }
0x5a: {  	v9 =	vld [tilespmem:s8+$0x9030]  }
0x5b: {  	v12 =	vadd.f32 v13, v12;
	v8 =	vld [tilespmem:s8+$0x1040];
	v13 =	vadd.f32 v10, v14  }
0x5c: {  	v10 =	vld [tilespmem:s8+$0x9040]  }
.Ltmp0:
0x5d: {  	v11 =	vld [tilespmem:s8+$0x1050];
	v14 =	vadd.f32 v13, v12;
	(pc) =	sbr.rel @!p1 .LBB2_3-.Ltmp0, $4  }
0x5e: {  	v13 =	vld [tilespmem:s8+$0x9050]  }
0x5f: {  	v12 =	vld [tilespmem:s8+$0x1060];
	[tilespmem:s6+$0x11000] =	vst v14;
	s6 =	smov.u32 s8  }
0x60: {  	v14 =	vld [tilespmem:s6+$0x9060]  }
0x61: {  	s7 =	sadd.s32 $0x200, s7;
	v15 =	vld [tilespmem:s6+$0x1070]  }
0x62: {  	v16 =	vld [tilespmem:s6+$0x9070];
	_ =	sdelay $0x1  }
0x63: {  	v1 =	vmul.f32 v1, v7;
	v2 =	vmul.f32 v3, v2  }
0x64: {  	v3 =	vmul.f32 v5, v4;
	v58 =	vmul.f32 v9, v6  }
0x65: {  	v59 =	vmul.f32 v10, v8;
	v60 =	vmul.f32 v13, v11  }
0x66: {  	v61 =	vmul.f32 v14, v12;
	v62 =	vmul.f32 v16, v15  }
0x67: {  	v1 =	vadd.f32 v2, v1;
	v2 =	vadd.f32 v58, v3  }
0x68: {  	v3 =	vadd.f32 v60, v59;
	v63 =	vadd.f32 v62, v61;
	_ =	sdelay $0x1  }
0x69: {  	v1 =	vadd.f32 v2, v1;
	v2 =	vadd.f32 v63, v3;
	_ =	sdelay $0x1  }
0x6a: {  	s5 =	sshra.s32 s5, $0x2;
	v1 =	vadd.f32 v2, v1  }
0x6b: {  	s7 =	sadd.s32 $0x12000, s5  }
0x6c: {  	p1 =	por $0x1, $0x1;
	[tilespmem:s6+$0x11000] =	vst v1;
	s6 =	simm.s32 $0x0;
	v1 =	vmov s7  }
.LBB2_5:
0x6d: {  	v2 =	vmov s6  }
0x6e: {  	v2 =	vshll.u32 v2, $0x7  }
0x6f: {  	v2 =	vor.u32 v0, v2  }
0x70: {  	v3 =	vor.u32 $0x1, v2  }
0x71: {  	v4 =	vor.u32 $0x2, v2  }
0x72: {  	v5 =	vor.u32 $0x3, v2  }
0x73: {  	v6 =	vor.u32 $0x4, v2  }
0x74: {  	v8 =	vor.u32 $0x5, v2;
	v7 =	vld.idx.msk [tilespmem:v2+s23+$0x0], $0xffff  }
0x75: {  	v9 =	vor.u32 $0x6, v2;
	v3 =	vld.idx.msk [tilespmem:v3+s23+$0x0], $0xffff  }
0x76: {  	v10 =	vor.u32 $0x7, v2;
	v4 =	vld.idx.msk [tilespmem:v4+s23+$0x0], $0xffff  }
0x77: {  	v11 =	vor.u32 $0x8, v2;
	v5 =	vld.idx.msk [tilespmem:v5+s23+$0x0], $0xffff  }
0x78: {  	v12 =	vor.u32 $0x9, v2;
	v6 =	vld.idx.msk [tilespmem:v6+s23+$0x0], $0xffff  }
0x79: {  	v13 =	vor.u32 $0xA, v2;
	v8 =	vld.idx.msk [tilespmem:v8+s23+$0x0], $0xffff  }
0x7a: {  	v14 =	vor.u32 $0xB, v2;
	v9 =	vld.idx.msk [tilespmem:v9+s23+$0x0], $0xffff  }
0x7b: {  	v15 =	vor.u32 $0xC, v2;
	v10 =	vld.idx.msk [tilespmem:v10+s23+$0x0], $0xffff  }
0x7c: {  	v16 =	vor.u32 $0xD, v2;
	v11 =	vld.idx.msk [tilespmem:v11+s23+$0x0], $0xffff  }
0x7d: {  	v17 =	vor.u32 $0xE, v2;
	v12 =	vld.idx.msk [tilespmem:v12+s23+$0x0], $0xffff  }
0x7e: {  	v2 =	vor.u32 $0xF, v2;
	v13 =	vld.idx.msk [tilespmem:v13+s23+$0x0], $0xffff  }
0x7f: {  	v14 =	vld.idx.msk [tilespmem:v14+s23+$0x0], $0xffff  }
0x80: {  	v15 =	vld.idx.msk [tilespmem:v15+s23+$0x0], $0xffff  }
0x81: {  	v16 =	vld.idx.msk [tilespmem:v16+s23+$0x0], $0xffff  }
0x82: {  	v17 =	vld.idx.msk [tilespmem:v17+s23+$0x0], $0xffff  }
0x83: {  	v2 =	vld.idx.msk [tilespmem:v2+s23+$0x0], $0xffff;
	_ =	sdelay $0x1  }
0x84: {  	v3 =	vadd.f32 v3, v7;
	v4 =	vadd.f32 v5, v4  }
0x85: {  	v57 =	vadd.f32 v8, v6;
	v58 =	vadd.f32 v10, v9  }
0x86: {  	v59 =	vadd.f32 v12, v11;
	v60 =	vadd.f32 v14, v13  }
0x87: {  	v61 =	vadd.f32 v16, v15;
	v2 =	vadd.f32 v2, v17  }
0x88: {  	v3 =	vadd.f32 v4, v3;
	v62 =	vadd.f32 v58, v57  }
0x89: {  	v63 =	vadd.f32 v60, v59;
	v2 =	vadd.f32 v2, v61  }
0x8a: {  	p2 =	por p1, p1  }
.Ltmp1:
0x8b: {  	v3 =	vadd.f32 v62, v3;
	v2 =	vadd.f32 v2, v63;
	(pc) =	sbr.rel @p2 .LBB2_5-.Ltmp1, $3  }
0x8c: {  	_ = 	snop  }
0x8d: {  	v2 =	vadd.f32 v2, v3;
	_ =	sdelay $0x1  }
0x8e: {  	p1 =	por $0x0, $0x0;
	[tilespmem:v1+s6+$0x0 ss:$0x1] =	vst.idx.msk $0xffff, v2;
	s6 =	simm.s32 $0x10  }
0x8f: {  	s6 =	simm.s32 @p0 $0x20;
	s7 =	simm.s32 @p0 $0x400;
	s8 =	simm.s32 @p0 $0x1000  }
0x90: {  	[tilespmem:s8], [sflag:$0x1] =	stream.indirect.gather @p0 [hbm4b:s2+s6], $0x80, s7, s6, $0xb8;
	[tilespmem:$0x12200] =	vst v63  }
0x91: {  	s7 =	simm.s32 @p0 $0xC00;
	s8 =	simm.s32 @p0 $0x9000  }
0x92: {  	[tilespmem:s8], [sflag:$0x9] =	stream.indirect.gather @p0 [hbm4b:s3+s6], $0x80, s7, s6, $0xb8;
	[tilespmem:$0x12200] =	vst v63  }
0x93: {  	_ =	swait.ge [sflag:s24], $0x1000  }
0x94: {  	[sflag:s24] =	ssyncset.done $0x0  }
0x95: {  	[sflag:s24] =	ssyncadd.s32 $0xFFFFF000  }
0x96: {  	_ =	swait.ge [sflag:s25], $0x1000  }
0x97: {  	[sflag:s25] =	ssyncset.done $0x0  }
0x98: {  	s6 =	simm.s32 $0x0;
	[sflag:s25] =	ssyncadd.s32 $0xFFFFF000  }
0x99: {  	v7 =	vld [tilespmem:s6+$0x2000]  }
0x9a: {  	v1 =	vld [tilespmem:s6+$0xA000]  }
0x9b: {  	v2 =	vld [tilespmem:s6+$0x2010]  }
0x9c: {  	v3 =	vld [tilespmem:s6+$0xA010]  }
0x9d: {  	v4 =	vld [tilespmem:s6+$0x2020]  }
0x9e: {  	v5 =	vld [tilespmem:s6+$0xA020]  }
0x9f: {  	v6 =	vld [tilespmem:s6+$0x2030]  }
0xa0: {  	v9 =	vld [tilespmem:s6+$0xA030]  }
0xa1: {  	v8 =	vld [tilespmem:s6+$0x2040]  }
0xa2: {  	v10 =	vld [tilespmem:s6+$0xA040]  }
0xa3: {  	v11 =	vld [tilespmem:s6+$0x2050]  }
0xa4: {  	v13 =	vld [tilespmem:s6+$0xA050]  }
0xa5: {  	v12 =	vld [tilespmem:s6+$0x2060]  }
0xa6: {  	v14 =	vld [tilespmem:s6+$0xA060]  }
0xa7: {  	s7 =	simm.s32 $0x200;
	v15 =	vld [tilespmem:s6+$0x2070]  }
.LBB2_7:
0xa8: {  	s8 =	sshra.s32 s7, $0x2;
	p1 =	seq.s32 s7, $0x3E00;
	v16 =	vld [tilespmem:s6+$0xA070]  }
0xa9: {  	v17 =	vld [tilespmem:s8+$0x2000]  }
0xaa: {  	v7 =	vmul.f32 v1, v7;
	v18 =	vmul.f32 v3, v2;
	v1 =	vld [tilespmem:s8+$0xA000]  }
0xab: {  	v19 =	vmul.f32 v5, v4;
	v6 =	vmul.f32 v9, v6;
	v2 =	vld [tilespmem:s8+$0x2010]  }
0xac: {  	v8 =	vmul.f32 v10, v8;
	v9 =	vmul.f32 v13, v11;
	v3 =	vld [tilespmem:s8+$0xA010]  }
0xad: {  	v10 =	vmul.f32 v14, v12;
	v4 =	vld [tilespmem:s8+$0x2020];
	v11 =	vmul.f32 v16, v15  }
0xae: {  	v13 =	vadd.f32 v6, v19;
	v12 =	vadd.f32 v18, v7;
	v5 =	vld [tilespmem:s8+$0xA020];
	v7 =	vmov v17  }
0xaf: {  	v14 =	vadd.f32 v9, v8;
	v6 =	vld [tilespmem:s8+$0x2030];
	v10 =	vadd.f32 v11, v10  }
0xb0: {  	v9 =	vld [tilespmem:s8+$0xA030]  }
0xb1: {  	v12 =	vadd.f32 v13, v12;
	v8 =	vld [tilespmem:s8+$0x2040];
	v13 =	vadd.f32 v10, v14  }
0xb2: {  	v10 =	vld [tilespmem:s8+$0xA040]  }
.Ltmp2:
0xb3: {  	v11 =	vld [tilespmem:s8+$0x2050];
	v14 =	vadd.f32 v13, v12;
	(pc) =	sbr.rel @!p1 .LBB2_7-.Ltmp2, $4  }
0xb4: {  	v13 =	vld [tilespmem:s8+$0xA050]  }
0xb5: {  	v12 =	vld [tilespmem:s8+$0x2060];
	[tilespmem:s6+$0x11000] =	vst v14;
	s6 =	smov.u32 s8  }
0xb6: {  	v14 =	vld [tilespmem:s6+$0xA060]  }
0xb7: {  	s7 =	sadd.s32 $0x200, s7;
	v15 =	vld [tilespmem:s6+$0x2070]  }
0xb8: {  	v16 =	vld [tilespmem:s6+$0xA070];
	_ =	sdelay $0x1  }
0xb9: {  	v1 =	vmul.f32 v1, v7;
	v2 =	vmul.f32 v3, v2  }
0xba: {  	v3 =	vmul.f32 v5, v4;
	v58 =	vmul.f32 v9, v6  }
0xbb: {  	v59 =	vmul.f32 v10, v8;
	v60 =	vmul.f32 v13, v11  }
0xbc: {  	v61 =	vmul.f32 v14, v12;
	v62 =	vmul.f32 v16, v15  }
0xbd: {  	v1 =	vadd.f32 v2, v1;
	v2 =	vadd.f32 v58, v3  }
0xbe: {  	v3 =	vadd.f32 v60, v59;
	v63 =	vadd.f32 v62, v61;
	_ =	sdelay $0x1  }
0xbf: {  	v1 =	vadd.f32 v2, v1;
	v2 =	vadd.f32 v63, v3;
	_ =	sdelay $0x1  }
0xc0: {  	v1 =	vadd.f32 v2, v1  }
0xc1: {  	s7 =	sadd.s32 $0x12020, s5  }
0xc2: {  	p1 =	por $0x1, $0x1;
	[tilespmem:s6+$0x11000] =	vst v1;
	s6 =	simm.s32 $0x0;
	v1 =	vmov s7  }
.LBB2_9:
0xc3: {  	v2 =	vmov s6  }
0xc4: {  	v2 =	vshll.u32 v2, $0x7  }
0xc5: {  	v2 =	vor.u32 v0, v2  }
0xc6: {  	v3 =	vor.u32 $0x1, v2  }
0xc7: {  	v4 =	vor.u32 $0x2, v2  }
0xc8: {  	v5 =	vor.u32 $0x3, v2  }
0xc9: {  	v6 =	vor.u32 $0x4, v2  }
0xca: {  	v8 =	vor.u32 $0x5, v2;
	v7 =	vld.idx.msk [tilespmem:v2+s23+$0x0], $0xffff  }
0xcb: {  	v9 =	vor.u32 $0x6, v2;
	v3 =	vld.idx.msk [tilespmem:v3+s23+$0x0], $0xffff  }
0xcc: {  	v10 =	vor.u32 $0x7, v2;
	v4 =	vld.idx.msk [tilespmem:v4+s23+$0x0], $0xffff  }
0xcd: {  	v11 =	vor.u32 $0x8, v2;
	v5 =	vld.idx.msk [tilespmem:v5+s23+$0x0], $0xffff  }
0xce: {  	v12 =	vor.u32 $0x9, v2;
	v6 =	vld.idx.msk [tilespmem:v6+s23+$0x0], $0xffff  }
0xcf: {  	v13 =	vor.u32 $0xA, v2;
	v8 =	vld.idx.msk [tilespmem:v8+s23+$0x0], $0xffff  }
0xd0: {  	v14 =	vor.u32 $0xB, v2;
	v9 =	vld.idx.msk [tilespmem:v9+s23+$0x0], $0xffff  }
0xd1: {  	v15 =	vor.u32 $0xC, v2;
	v10 =	vld.idx.msk [tilespmem:v10+s23+$0x0], $0xffff  }
0xd2: {  	v16 =	vor.u32 $0xD, v2;
	v11 =	vld.idx.msk [tilespmem:v11+s23+$0x0], $0xffff  }
0xd3: {  	v17 =	vor.u32 $0xE, v2;
	v12 =	vld.idx.msk [tilespmem:v12+s23+$0x0], $0xffff  }
0xd4: {  	v2 =	vor.u32 $0xF, v2;
	v13 =	vld.idx.msk [tilespmem:v13+s23+$0x0], $0xffff  }
0xd5: {  	v14 =	vld.idx.msk [tilespmem:v14+s23+$0x0], $0xffff  }
0xd6: {  	v15 =	vld.idx.msk [tilespmem:v15+s23+$0x0], $0xffff  }
0xd7: {  	v16 =	vld.idx.msk [tilespmem:v16+s23+$0x0], $0xffff  }
0xd8: {  	v17 =	vld.idx.msk [tilespmem:v17+s23+$0x0], $0xffff  }
0xd9: {  	v2 =	vld.idx.msk [tilespmem:v2+s23+$0x0], $0xffff;
	_ =	sdelay $0x1  }
0xda: {  	v3 =	vadd.f32 v3, v7;
	v4 =	vadd.f32 v5, v4  }
0xdb: {  	v57 =	vadd.f32 v8, v6;
	v58 =	vadd.f32 v10, v9  }
0xdc: {  	v59 =	vadd.f32 v12, v11;
	v60 =	vadd.f32 v14, v13  }
0xdd: {  	v61 =	vadd.f32 v16, v15;
	v2 =	vadd.f32 v2, v17  }
0xde: {  	v3 =	vadd.f32 v4, v3;
	v62 =	vadd.f32 v58, v57  }
0xdf: {  	v63 =	vadd.f32 v60, v59;
	v2 =	vadd.f32 v2, v61  }
0xe0: {  	p2 =	por p1, p1  }
.Ltmp3:
0xe1: {  	v3 =	vadd.f32 v62, v3;
	v2 =	vadd.f32 v2, v63;
	(pc) =	sbr.rel @p2 .LBB2_9-.Ltmp3, $3  }
0xe2: {  	_ = 	snop  }
0xe3: {  	v2 =	vadd.f32 v2, v3;
	_ =	sdelay $0x1  }
0xe4: {  	p1 =	por $0x0, $0x0;
	[tilespmem:v1+s6+$0x0 ss:$0x1] =	vst.idx.msk $0xffff, v2;
	s6 =	simm.s32 $0x10  }
0xe5: {  	s6 =	simm.s32 @p0 $0x20;
	s7 =	simm.s32 @p0 $0x480;
	s8 =	simm.s32 @p0 $0x2000  }
0xe6: {  	[tilespmem:s8], [sflag:$0x2] =	stream.indirect.gather @p0 [hbm4b:s2+s6], $0x80, s7, s6, $0xb8;
	[tilespmem:$0x12200] =	vst v63  }
0xe7: {  	s7 =	simm.s32 @p0 $0xC80;
	s8 =	simm.s32 @p0 $0xA000  }
0xe8: {  	[tilespmem:s8], [sflag:$0xA] =	stream.indirect.gather @p0 [hbm4b:s3+s6], $0x80, s7, s6, $0xb8;
	[tilespmem:$0x12200] =	vst v63  }
0xe9: {  	_ =	swait.ge [sflag:s26], $0x1000  }
0xea: {  	[sflag:s26] =	ssyncset.done $0x0  }
0xeb: {  	[sflag:s26] =	ssyncadd.s32 $0xFFFFF000  }
0xec: {  	_ =	swait.ge [sflag:s28], $0x1000  }
0xed: {  	[sflag:s28] =	ssyncset.done $0x0  }
0xee: {  	s6 =	simm.s32 $0x0;
	[sflag:s28] =	ssyncadd.s32 $0xFFFFF000  }
0xef: {  	v7 =	vld [tilespmem:s6+$0x3000]  }
0xf0: {  	v1 =	vld [tilespmem:s6+$0xB000]  }
0xf1: {  	v2 =	vld [tilespmem:s6+$0x3010]  }
0xf2: {  	v3 =	vld [tilespmem:s6+$0xB010]  }
0xf3: {  	v4 =	vld [tilespmem:s6+$0x3020]  }
0xf4: {  	v5 =	vld [tilespmem:s6+$0xB020]  }
0xf5: {  	v6 =	vld [tilespmem:s6+$0x3030]  }
0xf6: {  	v9 =	vld [tilespmem:s6+$0xB030]  }
0xf7: {  	v8 =	vld [tilespmem:s6+$0x3040]  }
0xf8: {  	v10 =	vld [tilespmem:s6+$0xB040]  }
0xf9: {  	v11 =	vld [tilespmem:s6+$0x3050]  }
0xfa: {  	v13 =	vld [tilespmem:s6+$0xB050]  }
0xfb: {  	v12 =	vld [tilespmem:s6+$0x3060]  }
0xfc: {  	v14 =	vld [tilespmem:s6+$0xB060]  }
0xfd: {  	s7 =	simm.s32 $0x200;
	v15 =	vld [tilespmem:s6+$0x3070]  }
.LBB2_11:
0xfe: {  	s8 =	sshra.s32 s7, $0x2;
	p1 =	seq.s32 s7, $0x3E00;
	v16 =	vld [tilespmem:s6+$0xB070]  }
0xff: {  	v17 =	vld [tilespmem:s8+$0x3000]  }
0x100: {  	v7 =	vmul.f32 v1, v7;
	v18 =	vmul.f32 v3, v2;
	v1 =	vld [tilespmem:s8+$0xB000]  }
0x101: {  	v19 =	vmul.f32 v5, v4;
	v6 =	vmul.f32 v9, v6;
	v2 =	vld [tilespmem:s8+$0x3010]  }
0x102: {  	v8 =	vmul.f32 v10, v8;
	v9 =	vmul.f32 v13, v11;
	v3 =	vld [tilespmem:s8+$0xB010]  }
0x103: {  	v10 =	vmul.f32 v14, v12;
	v4 =	vld [tilespmem:s8+$0x3020];
	v11 =	vmul.f32 v16, v15  }
0x104: {  	v13 =	vadd.f32 v6, v19;
	v12 =	vadd.f32 v18, v7;
	v5 =	vld [tilespmem:s8+$0xB020];
	v7 =	vmov v17  }
0x105: {  	v14 =	vadd.f32 v9, v8;
	v6 =	vld [tilespmem:s8+$0x3030];
	v10 =	vadd.f32 v11, v10  }
0x106: {  	v9 =	vld [tilespmem:s8+$0xB030]  }
0x107: {  	v12 =	vadd.f32 v13, v12;
	v8 =	vld [tilespmem:s8+$0x3040];
	v13 =	vadd.f32 v10, v14  }
0x108: {  	v10 =	vld [tilespmem:s8+$0xB040]  }
.Ltmp4:
0x109: {  	v11 =	vld [tilespmem:s8+$0x3050];
	v14 =	vadd.f32 v13, v12;
	(pc) =	sbr.rel @!p1 .LBB2_11-.Ltmp4, $4  }
0x10a: {  	v13 =	vld [tilespmem:s8+$0xB050]  }
0x10b: {  	v12 =	vld [tilespmem:s8+$0x3060];
	[tilespmem:s6+$0x11000] =	vst v14;
	s6 =	smov.u32 s8  }
0x10c: {  	v14 =	vld [tilespmem:s6+$0xB060]  }
0x10d: {  	s7 =	sadd.s32 $0x200, s7;
	v15 =	vld [tilespmem:s6+$0x3070]  }
0x10e: {  	v16 =	vld [tilespmem:s6+$0xB070];
	_ =	sdelay $0x1  }
0x10f: {  	v1 =	vmul.f32 v1, v7;
	v2 =	vmul.f32 v3, v2  }
0x110: {  	v3 =	vmul.f32 v5, v4;
	v58 =	vmul.f32 v9, v6  }
0x111: {  	v59 =	vmul.f32 v10, v8;
	v60 =	vmul.f32 v13, v11  }
0x112: {  	v61 =	vmul.f32 v14, v12;
	v62 =	vmul.f32 v16, v15  }
0x113: {  	v1 =	vadd.f32 v2, v1;
	v2 =	vadd.f32 v58, v3  }
0x114: {  	v3 =	vadd.f32 v60, v59;
	v63 =	vadd.f32 v62, v61;
	_ =	sdelay $0x1  }
0x115: {  	v1 =	vadd.f32 v2, v1;
	v2 =	vadd.f32 v63, v3;
	_ =	sdelay $0x1  }
0x116: {  	v1 =	vadd.f32 v2, v1  }
0x117: {  	s7 =	sadd.s32 $0x12040, s5  }
0x118: {  	p1 =	por $0x1, $0x1;
	[tilespmem:s6+$0x11000] =	vst v1;
	s6 =	simm.s32 $0x0;
	v1 =	vmov s7  }
.LBB2_13:
0x119: {  	v2 =	vmov s6  }
0x11a: {  	v2 =	vshll.u32 v2, $0x7  }
0x11b: {  	v2 =	vor.u32 v0, v2  }
0x11c: {  	v3 =	vor.u32 $0x1, v2  }
0x11d: {  	v4 =	vor.u32 $0x2, v2  }
0x11e: {  	v5 =	vor.u32 $0x3, v2  }
0x11f: {  	v6 =	vor.u32 $0x4, v2  }
0x120: {  	v8 =	vor.u32 $0x5, v2;
	v7 =	vld.idx.msk [tilespmem:v2+s23+$0x0], $0xffff  }
0x121: {  	v9 =	vor.u32 $0x6, v2;
	v3 =	vld.idx.msk [tilespmem:v3+s23+$0x0], $0xffff  }
0x122: {  	v10 =	vor.u32 $0x7, v2;
	v4 =	vld.idx.msk [tilespmem:v4+s23+$0x0], $0xffff  }
0x123: {  	v11 =	vor.u32 $0x8, v2;
	v5 =	vld.idx.msk [tilespmem:v5+s23+$0x0], $0xffff  }
0x124: {  	v12 =	vor.u32 $0x9, v2;
	v6 =	vld.idx.msk [tilespmem:v6+s23+$0x0], $0xffff  }
0x125: {  	v13 =	vor.u32 $0xA, v2;
	v8 =	vld.idx.msk [tilespmem:v8+s23+$0x0], $0xffff  }
0x126: {  	v14 =	vor.u32 $0xB, v2;
	v9 =	vld.idx.msk [tilespmem:v9+s23+$0x0], $0xffff  }
0x127: {  	v15 =	vor.u32 $0xC, v2;
	v10 =	vld.idx.msk [tilespmem:v10+s23+$0x0], $0xffff  }
0x128: {  	v16 =	vor.u32 $0xD, v2;
	v11 =	vld.idx.msk [tilespmem:v11+s23+$0x0], $0xffff  }
0x129: {  	v17 =	vor.u32 $0xE, v2;
	v12 =	vld.idx.msk [tilespmem:v12+s23+$0x0], $0xffff  }
0x12a: {  	v2 =	vor.u32 $0xF, v2;
	v13 =	vld.idx.msk [tilespmem:v13+s23+$0x0], $0xffff  }
0x12b: {  	v14 =	vld.idx.msk [tilespmem:v14+s23+$0x0], $0xffff  }
0x12c: {  	v15 =	vld.idx.msk [tilespmem:v15+s23+$0x0], $0xffff  }
0x12d: {  	v16 =	vld.idx.msk [tilespmem:v16+s23+$0x0], $0xffff  }
0x12e: {  	v17 =	vld.idx.msk [tilespmem:v17+s23+$0x0], $0xffff  }
0x12f: {  	v2 =	vld.idx.msk [tilespmem:v2+s23+$0x0], $0xffff;
	_ =	sdelay $0x1  }
0x130: {  	v3 =	vadd.f32 v3, v7;
	v4 =	vadd.f32 v5, v4  }
0x131: {  	v57 =	vadd.f32 v8, v6;
	v58 =	vadd.f32 v10, v9  }
0x132: {  	v59 =	vadd.f32 v12, v11;
	v60 =	vadd.f32 v14, v13  }
0x133: {  	v61 =	vadd.f32 v16, v15;
	v2 =	vadd.f32 v2, v17  }
0x134: {  	v3 =	vadd.f32 v4, v3;
	v62 =	vadd.f32 v58, v57  }
0x135: {  	v63 =	vadd.f32 v60, v59;
	v2 =	vadd.f32 v2, v61  }
0x136: {  	p2 =	por p1, p1  }
.Ltmp5:
0x137: {  	v3 =	vadd.f32 v62, v3;
	v2 =	vadd.f32 v2, v63;
	(pc) =	sbr.rel @p2 .LBB2_13-.Ltmp5, $3  }
0x138: {  	_ = 	snop  }
0x139: {  	v2 =	vadd.f32 v2, v3;
	_ =	sdelay $0x1  }
0x13a: {  	p1 =	por $0x0, $0x0;
	[tilespmem:v1+s6+$0x0 ss:$0x1] =	vst.idx.msk $0xffff, v2;
	s6 =	simm.s32 $0x10  }
0x13b: {  	s6 =	simm.s32 @p0 $0x20;
	s7 =	simm.s32 @p0 $0x500;
	s8 =	simm.s32 @p0 $0x3000  }
0x13c: {  	[tilespmem:s8], [sflag:$0x3] =	stream.indirect.gather @p0 [hbm4b:s2+s6], $0x80, s7, s6, $0xb8;
	[tilespmem:$0x12200] =	vst v63  }
0x13d: {  	s7 =	simm.s32 @p0 $0xD00;
	s8 =	simm.s32 @p0 $0xB000  }
0x13e: {  	[tilespmem:s8], [sflag:$0xB] =	stream.indirect.gather @p0 [hbm4b:s3+s6], $0x80, s7, s6, $0xb8;
	[tilespmem:$0x12200] =	vst v63  }
0x13f: {  	_ =	swait.ge [sflag:s29], $0x1000  }
0x140: {  	[sflag:s29] =	ssyncset.done $0x0  }
0x141: {  	[sflag:s29] =	ssyncadd.s32 $0xFFFFF000  }
0x142: {  	_ =	swait.ge [sflag:s30], $0x1000  }
0x143: {  	[sflag:s30] =	ssyncset.done $0x0  }
0x144: {  	s6 =	simm.s32 $0x0;
	[sflag:s30] =	ssyncadd.s32 $0xFFFFF000  }
0x145: {  	v7 =	vld [tilespmem:s6+$0x4000]  }
0x146: {  	v1 =	vld [tilespmem:s6+$0xC000]  }
0x147: {  	v2 =	vld [tilespmem:s6+$0x4010]  }
0x148: {  	v3 =	vld [tilespmem:s6+$0xC010]  }
0x149: {  	v4 =	vld [tilespmem:s6+$0x4020]  }
0x14a: {  	v5 =	vld [tilespmem:s6+$0xC020]  }
0x14b: {  	v6 =	vld [tilespmem:s6+$0x4030]  }
0x14c: {  	v9 =	vld [tilespmem:s6+$0xC030]  }
0x14d: {  	v8 =	vld [tilespmem:s6+$0x4040]  }
0x14e: {  	v10 =	vld [tilespmem:s6+$0xC040]  }
0x14f: {  	v11 =	vld [tilespmem:s6+$0x4050]  }
0x150: {  	v13 =	vld [tilespmem:s6+$0xC050]  }
0x151: {  	v12 =	vld [tilespmem:s6+$0x4060]  }
0x152: {  	v14 =	vld [tilespmem:s6+$0xC060]  }
0x153: {  	s7 =	simm.s32 $0x200;
	v15 =	vld [tilespmem:s6+$0x4070]  }
.LBB2_15:
0x154: {  	s8 =	sshra.s32 s7, $0x2;
	p1 =	seq.s32 s7, $0x3E00;
	v16 =	vld [tilespmem:s6+$0xC070]  }
0x155: {  	v17 =	vld [tilespmem:s8+$0x4000]  }
0x156: {  	v7 =	vmul.f32 v1, v7;
	v18 =	vmul.f32 v3, v2;
	v1 =	vld [tilespmem:s8+$0xC000]  }
0x157: {  	v19 =	vmul.f32 v5, v4;
	v6 =	vmul.f32 v9, v6;
	v2 =	vld [tilespmem:s8+$0x4010]  }
0x158: {  	v8 =	vmul.f32 v10, v8;
	v9 =	vmul.f32 v13, v11;
	v3 =	vld [tilespmem:s8+$0xC010]  }
0x159: {  	v10 =	vmul.f32 v14, v12;
	v4 =	vld [tilespmem:s8+$0x4020];
	v11 =	vmul.f32 v16, v15  }
0x15a: {  	v13 =	vadd.f32 v6, v19;
	v12 =	vadd.f32 v18, v7;
	v5 =	vld [tilespmem:s8+$0xC020];
	v7 =	vmov v17  }
0x15b: {  	v14 =	vadd.f32 v9, v8;
	v6 =	vld [tilespmem:s8+$0x4030];
	v10 =	vadd.f32 v11, v10  }
0x15c: {  	v9 =	vld [tilespmem:s8+$0xC030]  }
0x15d: {  	v12 =	vadd.f32 v13, v12;
	v8 =	vld [tilespmem:s8+$0x4040];
	v13 =	vadd.f32 v10, v14  }
0x15e: {  	v10 =	vld [tilespmem:s8+$0xC040]  }
.Ltmp6:
0x15f: {  	v11 =	vld [tilespmem:s8+$0x4050];
	v14 =	vadd.f32 v13, v12;
	(pc) =	sbr.rel @!p1 .LBB2_15-.Ltmp6, $4  }
0x160: {  	v13 =	vld [tilespmem:s8+$0xC050]  }
0x161: {  	v12 =	vld [tilespmem:s8+$0x4060];
	[tilespmem:s6+$0x11000] =	vst v14;
	s6 =	smov.u32 s8  }
0x162: {  	v14 =	vld [tilespmem:s6+$0xC060]  }
0x163: {  	s7 =	sadd.s32 $0x200, s7;
	v15 =	vld [tilespmem:s6+$0x4070]  }
0x164: {  	v16 =	vld [tilespmem:s6+$0xC070];
	_ =	sdelay $0x1  }
0x165: {  	v1 =	vmul.f32 v1, v7;
	v2 =	vmul.f32 v3, v2  }
0x166: {  	v3 =	vmul.f32 v5, v4;
	v58 =	vmul.f32 v9, v6  }
0x167: {  	v59 =	vmul.f32 v10, v8;
	v60 =	vmul.f32 v13, v11  }
0x168: {  	v61 =	vmul.f32 v14, v12;
	v62 =	vmul.f32 v16, v15  }
0x169: {  	v1 =	vadd.f32 v2, v1;
	v2 =	vadd.f32 v58, v3  }
0x16a: {  	v3 =	vadd.f32 v60, v59;
	v63 =	vadd.f32 v62, v61;
	_ =	sdelay $0x1  }
0x16b: {  	v1 =	vadd.f32 v2, v1;
	v2 =	vadd.f32 v63, v3;
	_ =	sdelay $0x1  }
0x16c: {  	v1 =	vadd.f32 v2, v1  }
0x16d: {  	s7 =	sadd.s32 $0x12060, s5  }
0x16e: {  	p1 =	por $0x1, $0x1;
	[tilespmem:s6+$0x11000] =	vst v1;
	s6 =	simm.s32 $0x0;
	v1 =	vmov s7  }
.LBB2_17:
0x16f: {  	v2 =	vmov s6  }
0x170: {  	v2 =	vshll.u32 v2, $0x7  }
0x171: {  	v2 =	vor.u32 v0, v2  }
0x172: {  	v3 =	vor.u32 $0x1, v2  }
0x173: {  	v4 =	vor.u32 $0x2, v2  }
0x174: {  	v5 =	vor.u32 $0x3, v2  }
0x175: {  	v6 =	vor.u32 $0x4, v2  }
0x176: {  	v8 =	vor.u32 $0x5, v2;
	v7 =	vld.idx.msk [tilespmem:v2+s23+$0x0], $0xffff  }
0x177: {  	v9 =	vor.u32 $0x6, v2;
	v3 =	vld.idx.msk [tilespmem:v3+s23+$0x0], $0xffff  }
0x178: {  	v10 =	vor.u32 $0x7, v2;
	v4 =	vld.idx.msk [tilespmem:v4+s23+$0x0], $0xffff  }
0x179: {  	v11 =	vor.u32 $0x8, v2;
	v5 =	vld.idx.msk [tilespmem:v5+s23+$0x0], $0xffff  }
0x17a: {  	v12 =	vor.u32 $0x9, v2;
	v6 =	vld.idx.msk [tilespmem:v6+s23+$0x0], $0xffff  }
0x17b: {  	v13 =	vor.u32 $0xA, v2;
	v8 =	vld.idx.msk [tilespmem:v8+s23+$0x0], $0xffff  }
0x17c: {  	v14 =	vor.u32 $0xB, v2;
	v9 =	vld.idx.msk [tilespmem:v9+s23+$0x0], $0xffff  }
0x17d: {  	v15 =	vor.u32 $0xC, v2;
	v10 =	vld.idx.msk [tilespmem:v10+s23+$0x0], $0xffff  }
0x17e: {  	v16 =	vor.u32 $0xD, v2;
	v11 =	vld.idx.msk [tilespmem:v11+s23+$0x0], $0xffff  }
0x17f: {  	v17 =	vor.u32 $0xE, v2;
	v12 =	vld.idx.msk [tilespmem:v12+s23+$0x0], $0xffff  }
0x180: {  	v2 =	vor.u32 $0xF, v2;
	v13 =	vld.idx.msk [tilespmem:v13+s23+$0x0], $0xffff  }
0x181: {  	v14 =	vld.idx.msk [tilespmem:v14+s23+$0x0], $0xffff  }
0x182: {  	v15 =	vld.idx.msk [tilespmem:v15+s23+$0x0], $0xffff  }
0x183: {  	v16 =	vld.idx.msk [tilespmem:v16+s23+$0x0], $0xffff  }
0x184: {  	v17 =	vld.idx.msk [tilespmem:v17+s23+$0x0], $0xffff  }
0x185: {  	v2 =	vld.idx.msk [tilespmem:v2+s23+$0x0], $0xffff;
	_ =	sdelay $0x1  }
0x186: {  	v3 =	vadd.f32 v3, v7;
	v4 =	vadd.f32 v5, v4  }
0x187: {  	v57 =	vadd.f32 v8, v6;
	v58 =	vadd.f32 v10, v9  }
0x188: {  	v59 =	vadd.f32 v12, v11;
	v60 =	vadd.f32 v14, v13  }
0x189: {  	v61 =	vadd.f32 v16, v15;
	v2 =	vadd.f32 v2, v17  }
0x18a: {  	v3 =	vadd.f32 v4, v3;
	v62 =	vadd.f32 v58, v57  }
0x18b: {  	v63 =	vadd.f32 v60, v59;
	v2 =	vadd.f32 v2, v61  }
0x18c: {  	p2 =	por p1, p1  }
.Ltmp7:
0x18d: {  	v3 =	vadd.f32 v62, v3;
	v2 =	vadd.f32 v2, v63;
	(pc) =	sbr.rel @p2 .LBB2_17-.Ltmp7, $3  }
0x18e: {  	_ = 	snop  }
0x18f: {  	v2 =	vadd.f32 v2, v3;
	_ =	sdelay $0x1  }
0x190: {  	p1 =	por $0x0, $0x0;
	[tilespmem:v1+s6+$0x0 ss:$0x1] =	vst.idx.msk $0xffff, v2;
	s6 =	simm.s32 $0x10  }
0x191: {  	s6 =	simm.s32 @p0 $0x20;
	s7 =	simm.s32 @p0 $0x580;
	s8 =	simm.s32 @p0 $0x4000  }
0x192: {  	[tilespmem:s8], [sflag:$0x4] =	stream.indirect.gather @p0 [hbm4b:s2+s6], $0x80, s7, s6, $0xb8;
	[tilespmem:$0x12200] =	vst v63  }
0x193: {  	s7 =	simm.s32 @p0 $0xD80;
	s8 =	simm.s32 @p0 $0xC000  }
0x194: {  	[tilespmem:s8], [sflag:$0xC] =	stream.indirect.gather @p0 [hbm4b:s3+s6], $0x80, s7, s6, $0xb8;
	[tilespmem:$0x12200] =	vst v63  }
0x195: {  	_ =	swait.ge [sflag:s31], $0x1000  }
0x196: {  	[sflag:s31] =	ssyncset.done $0x0  }
0x197: {  	[sflag:s31] =	ssyncadd.s32 $0xFFFFF000  }
0x198: {  	_ =	swait.ge [sflag:s0], $0x1000  }
0x199: {  	[sflag:s0] =	ssyncset.done $0x0  }
0x19a: {  	s6 =	simm.s32 $0x0;
	[sflag:s0] =	ssyncadd.s32 $0xFFFFF000  }
0x19b: {  	v7 =	vld [tilespmem:s6+$0x5000]  }
0x19c: {  	v1 =	vld [tilespmem:s6+$0xD000]  }
0x19d: {  	v2 =	vld [tilespmem:s6+$0x5010]  }
0x19e: {  	v3 =	vld [tilespmem:s6+$0xD010]  }
0x19f: {  	v4 =	vld [tilespmem:s6+$0x5020]  }
0x1a0: {  	v5 =	vld [tilespmem:s6+$0xD020]  }
0x1a1: {  	v6 =	vld [tilespmem:s6+$0x5030]  }
0x1a2: {  	v9 =	vld [tilespmem:s6+$0xD030]  }
0x1a3: {  	v8 =	vld [tilespmem:s6+$0x5040]  }
0x1a4: {  	v10 =	vld [tilespmem:s6+$0xD040]  }
0x1a5: {  	v11 =	vld [tilespmem:s6+$0x5050]  }
0x1a6: {  	v13 =	vld [tilespmem:s6+$0xD050]  }
0x1a7: {  	v12 =	vld [tilespmem:s6+$0x5060]  }
0x1a8: {  	v14 =	vld [tilespmem:s6+$0xD060]  }
0x1a9: {  	s7 =	simm.s32 $0x200;
	v15 =	vld [tilespmem:s6+$0x5070]  }
.LBB2_19:
0x1aa: {  	s8 =	sshra.s32 s7, $0x2;
	p1 =	seq.s32 s7, $0x3E00;
	v16 =	vld [tilespmem:s6+$0xD070]  }
0x1ab: {  	v17 =	vld [tilespmem:s8+$0x5000]  }
0x1ac: {  	v7 =	vmul.f32 v1, v7;
	v18 =	vmul.f32 v3, v2;
	v1 =	vld [tilespmem:s8+$0xD000]  }
0x1ad: {  	v19 =	vmul.f32 v5, v4;
	v6 =	vmul.f32 v9, v6;
	v2 =	vld [tilespmem:s8+$0x5010]  }
0x1ae: {  	v8 =	vmul.f32 v10, v8;
	v9 =	vmul.f32 v13, v11;
	v3 =	vld [tilespmem:s8+$0xD010]  }
0x1af: {  	v10 =	vmul.f32 v14, v12;
	v4 =	vld [tilespmem:s8+$0x5020];
	v11 =	vmul.f32 v16, v15  }
0x1b0: {  	v13 =	vadd.f32 v6, v19;
	v12 =	vadd.f32 v18, v7;
	v5 =	vld [tilespmem:s8+$0xD020];
	v7 =	vmov v17  }
0x1b1: {  	v14 =	vadd.f32 v9, v8;
	v6 =	vld [tilespmem:s8+$0x5030];
	v10 =	vadd.f32 v11, v10  }
0x1b2: {  	v9 =	vld [tilespmem:s8+$0xD030]  }
0x1b3: {  	v12 =	vadd.f32 v13, v12;
	v8 =	vld [tilespmem:s8+$0x5040];
	v13 =	vadd.f32 v10, v14  }
0x1b4: {  	v10 =	vld [tilespmem:s8+$0xD040]  }
.Ltmp8:
0x1b5: {  	v11 =	vld [tilespmem:s8+$0x5050];
	v14 =	vadd.f32 v13, v12;
	(pc) =	sbr.rel @!p1 .LBB2_19-.Ltmp8, $4  }
0x1b6: {  	v13 =	vld [tilespmem:s8+$0xD050]  }
0x1b7: {  	v12 =	vld [tilespmem:s8+$0x5060];
	[tilespmem:s6+$0x11000] =	vst v14;
	s6 =	smov.u32 s8  }
0x1b8: {  	v14 =	vld [tilespmem:s6+$0xD060]  }
0x1b9: {  	s7 =	sadd.s32 $0x200, s7;
	v15 =	vld [tilespmem:s6+$0x5070]  }
0x1ba: {  	v16 =	vld [tilespmem:s6+$0xD070];
	_ =	sdelay $0x1  }
0x1bb: {  	v1 =	vmul.f32 v1, v7;
	v2 =	vmul.f32 v3, v2  }
0x1bc: {  	v3 =	vmul.f32 v5, v4;
	v58 =	vmul.f32 v9, v6  }
0x1bd: {  	v59 =	vmul.f32 v10, v8;
	v60 =	vmul.f32 v13, v11  }
0x1be: {  	v61 =	vmul.f32 v14, v12;
	v62 =	vmul.f32 v16, v15  }
0x1bf: {  	v1 =	vadd.f32 v2, v1;
	v2 =	vadd.f32 v58, v3  }
0x1c0: {  	v3 =	vadd.f32 v60, v59;
	v63 =	vadd.f32 v62, v61;
	_ =	sdelay $0x1  }
0x1c1: {  	v1 =	vadd.f32 v2, v1;
	v2 =	vadd.f32 v63, v3;
	_ =	sdelay $0x1  }
0x1c2: {  	v1 =	vadd.f32 v2, v1  }
0x1c3: {  	s7 =	sadd.s32 $0x12080, s5  }
0x1c4: {  	p1 =	por $0x1, $0x1;
	[tilespmem:s6+$0x11000] =	vst v1;
	s6 =	simm.s32 $0x0;
	v1 =	vmov s7  }
.LBB2_21:
0x1c5: {  	v2 =	vmov s6  }
0x1c6: {  	v2 =	vshll.u32 v2, $0x7  }
0x1c7: {  	v2 =	vor.u32 v0, v2  }
0x1c8: {  	v3 =	vor.u32 $0x1, v2  }
0x1c9: {  	v4 =	vor.u32 $0x2, v2  }
0x1ca: {  	v5 =	vor.u32 $0x3, v2  }
0x1cb: {  	v6 =	vor.u32 $0x4, v2  }
0x1cc: {  	v8 =	vor.u32 $0x5, v2;
	v7 =	vld.idx.msk [tilespmem:v2+s23+$0x0], $0xffff  }
0x1cd: {  	v9 =	vor.u32 $0x6, v2;
	v3 =	vld.idx.msk [tilespmem:v3+s23+$0x0], $0xffff  }
0x1ce: {  	v10 =	vor.u32 $0x7, v2;
	v4 =	vld.idx.msk [tilespmem:v4+s23+$0x0], $0xffff  }
0x1cf: {  	v11 =	vor.u32 $0x8, v2;
	v5 =	vld.idx.msk [tilespmem:v5+s23+$0x0], $0xffff  }
0x1d0: {  	v12 =	vor.u32 $0x9, v2;
	v6 =	vld.idx.msk [tilespmem:v6+s23+$0x0], $0xffff  }
0x1d1: {  	v13 =	vor.u32 $0xA, v2;
	v8 =	vld.idx.msk [tilespmem:v8+s23+$0x0], $0xffff  }
0x1d2: {  	v14 =	vor.u32 $0xB, v2;
	v9 =	vld.idx.msk [tilespmem:v9+s23+$0x0], $0xffff  }
0x1d3: {  	v15 =	vor.u32 $0xC, v2;
	v10 =	vld.idx.msk [tilespmem:v10+s23+$0x0], $0xffff  }
0x1d4: {  	v16 =	vor.u32 $0xD, v2;
	v11 =	vld.idx.msk [tilespmem:v11+s23+$0x0], $0xffff  }
0x1d5: {  	v17 =	vor.u32 $0xE, v2;
	v12 =	vld.idx.msk [tilespmem:v12+s23+$0x0], $0xffff  }
0x1d6: {  	v2 =	vor.u32 $0xF, v2;
	v13 =	vld.idx.msk [tilespmem:v13+s23+$0x0], $0xffff  }
0x1d7: {  	v14 =	vld.idx.msk [tilespmem:v14+s23+$0x0], $0xffff  }
0x1d8: {  	v15 =	vld.idx.msk [tilespmem:v15+s23+$0x0], $0xffff  }
0x1d9: {  	v16 =	vld.idx.msk [tilespmem:v16+s23+$0x0], $0xffff  }
0x1da: {  	v17 =	vld.idx.msk [tilespmem:v17+s23+$0x0], $0xffff  }
0x1db: {  	v2 =	vld.idx.msk [tilespmem:v2+s23+$0x0], $0xffff;
	_ =	sdelay $0x1  }
0x1dc: {  	v3 =	vadd.f32 v3, v7;
	v4 =	vadd.f32 v5, v4  }
0x1dd: {  	v57 =	vadd.f32 v8, v6;
	v58 =	vadd.f32 v10, v9  }
0x1de: {  	v59 =	vadd.f32 v12, v11;
	v60 =	vadd.f32 v14, v13  }
0x1df: {  	v61 =	vadd.f32 v16, v15;
	v2 =	vadd.f32 v2, v17  }
0x1e0: {  	v3 =	vadd.f32 v4, v3;
	v62 =	vadd.f32 v58, v57  }
0x1e1: {  	v63 =	vadd.f32 v60, v59;
	v2 =	vadd.f32 v2, v61  }
0x1e2: {  	p2 =	por p1, p1  }
.Ltmp9:
0x1e3: {  	v3 =	vadd.f32 v62, v3;
	v2 =	vadd.f32 v2, v63;
	(pc) =	sbr.rel @p2 .LBB2_21-.Ltmp9, $3  }
0x1e4: {  	_ = 	snop  }
0x1e5: {  	v2 =	vadd.f32 v2, v3;
	_ =	sdelay $0x1  }
0x1e6: {  	p1 =	por $0x0, $0x0;
	[tilespmem:v1+s6+$0x0 ss:$0x1] =	vst.idx.msk $0xffff, v2;
	s6 =	simm.s32 $0x10  }
0x1e7: {  	s6 =	simm.s32 @p0 $0x20;
	s7 =	simm.s32 @p0 $0x600;
	s8 =	simm.s32 @p0 $0x5000  }
0x1e8: {  	[tilespmem:s8], [sflag:$0x5] =	stream.indirect.gather @p0 [hbm4b:s2+s6], $0x80, s7, s6, $0xb8;
	[tilespmem:$0x12200] =	vst v63  }
0x1e9: {  	s7 =	simm.s32 @p0 $0xE00;
	s8 =	simm.s32 @p0 $0xD000  }
0x1ea: {  	[tilespmem:s8], [sflag:$0xD] =	stream.indirect.gather @p0 [hbm4b:s3+s6], $0x80, s7, s6, $0xb8;
	[tilespmem:$0x12200] =	vst v63  }
0x1eb: {  	_ =	swait.ge [sflag:s1], $0x1000  }
0x1ec: {  	[sflag:s1] =	ssyncset.done $0x0  }
0x1ed: {  	[sflag:s1] =	ssyncadd.s32 $0xFFFFF000  }
0x1ee: {  	_ =	swait.ge [sflag:s13], $0x1000  }
0x1ef: {  	[sflag:s13] =	ssyncset.done $0x0  }
0x1f0: {  	s6 =	simm.s32 $0x0;
	[sflag:s13] =	ssyncadd.s32 $0xFFFFF000  }
0x1f1: {  	v7 =	vld [tilespmem:s6+$0x6000]  }
0x1f2: {  	v1 =	vld [tilespmem:s6+$0xE000]  }
0x1f3: {  	v2 =	vld [tilespmem:s6+$0x6010]  }
0x1f4: {  	v3 =	vld [tilespmem:s6+$0xE010]  }
0x1f5: {  	v4 =	vld [tilespmem:s6+$0x6020]  }
0x1f6: {  	v5 =	vld [tilespmem:s6+$0xE020]  }
0x1f7: {  	v6 =	vld [tilespmem:s6+$0x6030]  }
0x1f8: {  	v9 =	vld [tilespmem:s6+$0xE030]  }
0x1f9: {  	v8 =	vld [tilespmem:s6+$0x6040]  }
0x1fa: {  	v10 =	vld [tilespmem:s6+$0xE040]  }
0x1fb: {  	v11 =	vld [tilespmem:s6+$0x6050]  }
0x1fc: {  	v13 =	vld [tilespmem:s6+$0xE050]  }
0x1fd: {  	v12 =	vld [tilespmem:s6+$0x6060]  }
0x1fe: {  	v14 =	vld [tilespmem:s6+$0xE060]  }
0x1ff: {  	s7 =	simm.s32 $0x200;
	v15 =	vld [tilespmem:s6+$0x6070]  }
.LBB2_23:
0x200: {  	s8 =	sshra.s32 s7, $0x2;
	p1 =	seq.s32 s7, $0x3E00;
	v16 =	vld [tilespmem:s6+$0xE070]  }
0x201: {  	v17 =	vld [tilespmem:s8+$0x6000]  }
0x202: {  	v7 =	vmul.f32 v1, v7;
	v18 =	vmul.f32 v3, v2;
	v1 =	vld [tilespmem:s8+$0xE000]  }
0x203: {  	v19 =	vmul.f32 v5, v4;
	v6 =	vmul.f32 v9, v6;
	v2 =	vld [tilespmem:s8+$0x6010]  }
0x204: {  	v8 =	vmul.f32 v10, v8;
	v9 =	vmul.f32 v13, v11;
	v3 =	vld [tilespmem:s8+$0xE010]  }
0x205: {  	v10 =	vmul.f32 v14, v12;
	v4 =	vld [tilespmem:s8+$0x6020];
	v11 =	vmul.f32 v16, v15  }
0x206: {  	v13 =	vadd.f32 v6, v19;
	v12 =	vadd.f32 v18, v7;
	v5 =	vld [tilespmem:s8+$0xE020];
	v7 =	vmov v17  }
0x207: {  	v14 =	vadd.f32 v9, v8;
	v6 =	vld [tilespmem:s8+$0x6030];
	v10 =	vadd.f32 v11, v10  }
0x208: {  	v9 =	vld [tilespmem:s8+$0xE030]  }
0x209: {  	v12 =	vadd.f32 v13, v12;
	v8 =	vld [tilespmem:s8+$0x6040];
	v13 =	vadd.f32 v10, v14  }
0x20a: {  	v10 =	vld [tilespmem:s8+$0xE040]  }
.Ltmp10:
0x20b: {  	v11 =	vld [tilespmem:s8+$0x6050];
	v14 =	vadd.f32 v13, v12;
	(pc) =	sbr.rel @!p1 .LBB2_23-.Ltmp10, $4  }
0x20c: {  	v13 =	vld [tilespmem:s8+$0xE050]  }
0x20d: {  	v12 =	vld [tilespmem:s8+$0x6060];
	[tilespmem:s6+$0x11000] =	vst v14;
	s6 =	smov.u32 s8  }
0x20e: {  	v14 =	vld [tilespmem:s6+$0xE060]  }
0x20f: {  	s7 =	sadd.s32 $0x200, s7;
	v15 =	vld [tilespmem:s6+$0x6070]  }
0x210: {  	v16 =	vld [tilespmem:s6+$0xE070];
	_ =	sdelay $0x1  }
0x211: {  	v1 =	vmul.f32 v1, v7;
	v2 =	vmul.f32 v3, v2  }
0x212: {  	v3 =	vmul.f32 v5, v4;
	v58 =	vmul.f32 v9, v6  }
0x213: {  	v59 =	vmul.f32 v10, v8;
	v60 =	vmul.f32 v13, v11  }
0x214: {  	v61 =	vmul.f32 v14, v12;
	v62 =	vmul.f32 v16, v15  }
0x215: {  	v1 =	vadd.f32 v2, v1;
	v2 =	vadd.f32 v58, v3  }
0x216: {  	v3 =	vadd.f32 v60, v59;
	v63 =	vadd.f32 v62, v61;
	_ =	sdelay $0x1  }
0x217: {  	v1 =	vadd.f32 v2, v1;
	v2 =	vadd.f32 v63, v3;
	_ =	sdelay $0x1  }
0x218: {  	v1 =	vadd.f32 v2, v1  }
0x219: {  	s7 =	sadd.s32 $0x120A0, s5  }
0x21a: {  	p1 =	por $0x1, $0x1;
	[tilespmem:s6+$0x11000] =	vst v1;
	s6 =	simm.s32 $0x0;
	v1 =	vmov s7  }
.LBB2_25:
0x21b: {  	v2 =	vmov s6  }
0x21c: {  	v2 =	vshll.u32 v2, $0x7  }
0x21d: {  	v2 =	vor.u32 v0, v2  }
0x21e: {  	v3 =	vor.u32 $0x1, v2  }
0x21f: {  	v4 =	vor.u32 $0x2, v2  }
0x220: {  	v5 =	vor.u32 $0x3, v2  }
0x221: {  	v6 =	vor.u32 $0x4, v2  }
0x222: {  	v8 =	vor.u32 $0x5, v2;
	v7 =	vld.idx.msk [tilespmem:v2+s23+$0x0], $0xffff  }
0x223: {  	v9 =	vor.u32 $0x6, v2;
	v3 =	vld.idx.msk [tilespmem:v3+s23+$0x0], $0xffff  }
0x224: {  	v10 =	vor.u32 $0x7, v2;
	v4 =	vld.idx.msk [tilespmem:v4+s23+$0x0], $0xffff  }
0x225: {  	v11 =	vor.u32 $0x8, v2;
	v5 =	vld.idx.msk [tilespmem:v5+s23+$0x0], $0xffff  }
0x226: {  	v12 =	vor.u32 $0x9, v2;
	v6 =	vld.idx.msk [tilespmem:v6+s23+$0x0], $0xffff  }
0x227: {  	v13 =	vor.u32 $0xA, v2;
	v8 =	vld.idx.msk [tilespmem:v8+s23+$0x0], $0xffff  }
0x228: {  	v14 =	vor.u32 $0xB, v2;
	v9 =	vld.idx.msk [tilespmem:v9+s23+$0x0], $0xffff  }
0x229: {  	v15 =	vor.u32 $0xC, v2;
	v10 =	vld.idx.msk [tilespmem:v10+s23+$0x0], $0xffff  }
0x22a: {  	v16 =	vor.u32 $0xD, v2;
	v11 =	vld.idx.msk [tilespmem:v11+s23+$0x0], $0xffff  }
0x22b: {  	v17 =	vor.u32 $0xE, v2;
	v12 =	vld.idx.msk [tilespmem:v12+s23+$0x0], $0xffff  }
0x22c: {  	v2 =	vor.u32 $0xF, v2;
	v13 =	vld.idx.msk [tilespmem:v13+s23+$0x0], $0xffff  }
0x22d: {  	v14 =	vld.idx.msk [tilespmem:v14+s23+$0x0], $0xffff  }
0x22e: {  	v15 =	vld.idx.msk [tilespmem:v15+s23+$0x0], $0xffff  }
0x22f: {  	v16 =	vld.idx.msk [tilespmem:v16+s23+$0x0], $0xffff  }
0x230: {  	v17 =	vld.idx.msk [tilespmem:v17+s23+$0x0], $0xffff  }
0x231: {  	v2 =	vld.idx.msk [tilespmem:v2+s23+$0x0], $0xffff;
	_ =	sdelay $0x1  }
0x232: {  	v3 =	vadd.f32 v3, v7;
	v4 =	vadd.f32 v5, v4  }
0x233: {  	v57 =	vadd.f32 v8, v6;
	v58 =	vadd.f32 v10, v9  }
0x234: {  	v59 =	vadd.f32 v12, v11;
	v60 =	vadd.f32 v14, v13  }
0x235: {  	v61 =	vadd.f32 v16, v15;
	v2 =	vadd.f32 v2, v17  }
0x236: {  	v3 =	vadd.f32 v4, v3;
	v62 =	vadd.f32 v58, v57  }
0x237: {  	v63 =	vadd.f32 v60, v59;
	v2 =	vadd.f32 v2, v61  }
0x238: {  	p2 =	por p1, p1  }
.Ltmp11:
0x239: {  	v3 =	vadd.f32 v62, v3;
	v2 =	vadd.f32 v2, v63;
	(pc) =	sbr.rel @p2 .LBB2_25-.Ltmp11, $3  }
0x23a: {  	_ = 	snop  }
0x23b: {  	v2 =	vadd.f32 v2, v3;
	_ =	sdelay $0x1  }
0x23c: {  	p1 =	por $0x0, $0x0;
	[tilespmem:v1+s6+$0x0 ss:$0x1] =	vst.idx.msk $0xffff, v2;
	s6 =	simm.s32 $0x10  }
0x23d: {  	s6 =	simm.s32 @p0 $0x20;
	s7 =	simm.s32 @p0 $0x680;
	s8 =	simm.s32 @p0 $0x6000  }
0x23e: {  	[tilespmem:s8], [sflag:$0x6] =	stream.indirect.gather @p0 [hbm4b:s2+s6], $0x80, s7, s6, $0xb8;
	[tilespmem:$0x12200] =	vst v63  }
0x23f: {  	s7 =	simm.s32 @p0 $0xE80;
	s8 =	simm.s32 @p0 $0xE000  }
0x240: {  	[tilespmem:s8], [sflag:$0xE] =	stream.indirect.gather @p0 [hbm4b:s3+s6], $0x80, s7, s6, $0xb8;
	[tilespmem:$0x12200] =	vst v63  }
0x241: {  	_ =	swait.ge [sflag:s14], $0x1000  }
0x242: {  	[sflag:s14] =	ssyncset.done $0x0  }
0x243: {  	[sflag:s14] =	ssyncadd.s32 $0xFFFFF000  }
0x244: {  	_ =	swait.ge [sflag:s15], $0x1000  }
0x245: {  	[sflag:s15] =	ssyncset.done $0x0  }
0x246: {  	s6 =	simm.s32 $0x0;
	[sflag:s15] =	ssyncadd.s32 $0xFFFFF000  }
0x247: {  	v7 =	vld [tilespmem:s6+$0x7000]  }
0x248: {  	v1 =	vld [tilespmem:s6+$0xF000]  }
0x249: {  	v2 =	vld [tilespmem:s6+$0x7010]  }
0x24a: {  	v3 =	vld [tilespmem:s6+$0xF010]  }
0x24b: {  	v4 =	vld [tilespmem:s6+$0x7020]  }
0x24c: {  	v5 =	vld [tilespmem:s6+$0xF020]  }
0x24d: {  	v6 =	vld [tilespmem:s6+$0x7030]  }
0x24e: {  	v9 =	vld [tilespmem:s6+$0xF030]  }
0x24f: {  	v8 =	vld [tilespmem:s6+$0x7040]  }
0x250: {  	v10 =	vld [tilespmem:s6+$0xF040]  }
0x251: {  	v11 =	vld [tilespmem:s6+$0x7050]  }
0x252: {  	v13 =	vld [tilespmem:s6+$0xF050]  }
0x253: {  	v12 =	vld [tilespmem:s6+$0x7060]  }
0x254: {  	v14 =	vld [tilespmem:s6+$0xF060]  }
0x255: {  	s7 =	simm.s32 $0x200;
	v15 =	vld [tilespmem:s6+$0x7070]  }
.LBB2_27:
0x256: {  	s8 =	sshra.s32 s7, $0x2;
	p1 =	seq.s32 s7, $0x3E00;
	v16 =	vld [tilespmem:s6+$0xF070]  }
0x257: {  	v17 =	vld [tilespmem:s8+$0x7000]  }
0x258: {  	v7 =	vmul.f32 v1, v7;
	v18 =	vmul.f32 v3, v2;
	v1 =	vld [tilespmem:s8+$0xF000]  }
0x259: {  	v19 =	vmul.f32 v5, v4;
	v6 =	vmul.f32 v9, v6;
	v2 =	vld [tilespmem:s8+$0x7010]  }
0x25a: {  	v8 =	vmul.f32 v10, v8;
	v9 =	vmul.f32 v13, v11;
	v3 =	vld [tilespmem:s8+$0xF010]  }
0x25b: {  	v10 =	vmul.f32 v14, v12;
	v4 =	vld [tilespmem:s8+$0x7020];
	v11 =	vmul.f32 v16, v15  }
0x25c: {  	v13 =	vadd.f32 v6, v19;
	v12 =	vadd.f32 v18, v7;
	v5 =	vld [tilespmem:s8+$0xF020];
	v7 =	vmov v17  }
0x25d: {  	v14 =	vadd.f32 v9, v8;
	v6 =	vld [tilespmem:s8+$0x7030];
	v10 =	vadd.f32 v11, v10  }
0x25e: {  	v9 =	vld [tilespmem:s8+$0xF030]  }
0x25f: {  	v12 =	vadd.f32 v13, v12;
	v8 =	vld [tilespmem:s8+$0x7040];
	v13 =	vadd.f32 v10, v14  }
0x260: {  	v10 =	vld [tilespmem:s8+$0xF040]  }
.Ltmp12:
0x261: {  	v11 =	vld [tilespmem:s8+$0x7050];
	v14 =	vadd.f32 v13, v12;
	(pc) =	sbr.rel @!p1 .LBB2_27-.Ltmp12, $4  }
0x262: {  	v13 =	vld [tilespmem:s8+$0xF050]  }
0x263: {  	v12 =	vld [tilespmem:s8+$0x7060];
	[tilespmem:s6+$0x11000] =	vst v14;
	s6 =	smov.u32 s8  }
0x264: {  	v14 =	vld [tilespmem:s6+$0xF060]  }
0x265: {  	s7 =	sadd.s32 $0x200, s7;
	v15 =	vld [tilespmem:s6+$0x7070]  }
0x266: {  	v16 =	vld [tilespmem:s6+$0xF070];
	_ =	sdelay $0x1  }
0x267: {  	v1 =	vmul.f32 v1, v7;
	v2 =	vmul.f32 v3, v2  }
0x268: {  	v3 =	vmul.f32 v5, v4;
	v58 =	vmul.f32 v9, v6  }
0x269: {  	v59 =	vmul.f32 v10, v8;
	v60 =	vmul.f32 v13, v11  }
0x26a: {  	v61 =	vmul.f32 v14, v12;
	v62 =	vmul.f32 v16, v15  }
0x26b: {  	v1 =	vadd.f32 v2, v1;
	v2 =	vadd.f32 v58, v3  }
0x26c: {  	v3 =	vadd.f32 v60, v59;
	v63 =	vadd.f32 v62, v61;
	_ =	sdelay $0x1  }
0x26d: {  	v1 =	vadd.f32 v2, v1;
	v2 =	vadd.f32 v63, v3;
	_ =	sdelay $0x1  }
0x26e: {  	v1 =	vadd.f32 v2, v1  }
0x26f: {  	s7 =	sadd.s32 $0x120C0, s5  }
0x270: {  	p1 =	por $0x1, $0x1;
	[tilespmem:s6+$0x11000] =	vst v1;
	s6 =	simm.s32 $0x0;
	v1 =	vmov s7  }
.LBB2_29:
0x271: {  	v2 =	vmov s6  }
0x272: {  	v2 =	vshll.u32 v2, $0x7  }
0x273: {  	v2 =	vor.u32 v0, v2  }
0x274: {  	v3 =	vor.u32 $0x1, v2  }
0x275: {  	v4 =	vor.u32 $0x2, v2  }
0x276: {  	v5 =	vor.u32 $0x3, v2  }
0x277: {  	v6 =	vor.u32 $0x4, v2  }
0x278: {  	v8 =	vor.u32 $0x5, v2;
	v7 =	vld.idx.msk [tilespmem:v2+s23+$0x0], $0xffff  }
0x279: {  	v9 =	vor.u32 $0x6, v2;
	v3 =	vld.idx.msk [tilespmem:v3+s23+$0x0], $0xffff  }
0x27a: {  	v10 =	vor.u32 $0x7, v2;
	v4 =	vld.idx.msk [tilespmem:v4+s23+$0x0], $0xffff  }
0x27b: {  	v11 =	vor.u32 $0x8, v2;
	v5 =	vld.idx.msk [tilespmem:v5+s23+$0x0], $0xffff  }
0x27c: {  	v12 =	vor.u32 $0x9, v2;
	v6 =	vld.idx.msk [tilespmem:v6+s23+$0x0], $0xffff  }
0x27d: {  	v13 =	vor.u32 $0xA, v2;
	v8 =	vld.idx.msk [tilespmem:v8+s23+$0x0], $0xffff  }
0x27e: {  	v14 =	vor.u32 $0xB, v2;
	v9 =	vld.idx.msk [tilespmem:v9+s23+$0x0], $0xffff  }
0x27f: {  	v15 =	vor.u32 $0xC, v2;
	v10 =	vld.idx.msk [tilespmem:v10+s23+$0x0], $0xffff  }
0x280: {  	v16 =	vor.u32 $0xD, v2;
	v11 =	vld.idx.msk [tilespmem:v11+s23+$0x0], $0xffff  }
0x281: {  	v17 =	vor.u32 $0xE, v2;
	v12 =	vld.idx.msk [tilespmem:v12+s23+$0x0], $0xffff  }
0x282: {  	v2 =	vor.u32 $0xF, v2;
	v13 =	vld.idx.msk [tilespmem:v13+s23+$0x0], $0xffff  }
0x283: {  	v14 =	vld.idx.msk [tilespmem:v14+s23+$0x0], $0xffff  }
0x284: {  	v15 =	vld.idx.msk [tilespmem:v15+s23+$0x0], $0xffff  }
0x285: {  	v16 =	vld.idx.msk [tilespmem:v16+s23+$0x0], $0xffff  }
0x286: {  	v17 =	vld.idx.msk [tilespmem:v17+s23+$0x0], $0xffff  }
0x287: {  	v2 =	vld.idx.msk [tilespmem:v2+s23+$0x0], $0xffff;
	_ =	sdelay $0x1  }
0x288: {  	v3 =	vadd.f32 v3, v7;
	v4 =	vadd.f32 v5, v4  }
0x289: {  	v57 =	vadd.f32 v8, v6;
	v58 =	vadd.f32 v10, v9  }
0x28a: {  	v59 =	vadd.f32 v12, v11;
	v60 =	vadd.f32 v14, v13  }
0x28b: {  	v61 =	vadd.f32 v16, v15;
	v2 =	vadd.f32 v2, v17  }
0x28c: {  	v3 =	vadd.f32 v4, v3;
	v62 =	vadd.f32 v58, v57  }
0x28d: {  	v63 =	vadd.f32 v60, v59;
	v2 =	vadd.f32 v2, v61  }
0x28e: {  	p2 =	por p1, p1  }
.Ltmp13:
0x28f: {  	v3 =	vadd.f32 v62, v3;
	v2 =	vadd.f32 v2, v63;
	(pc) =	sbr.rel @p2 .LBB2_29-.Ltmp13, $3  }
0x290: {  	_ = 	snop  }
0x291: {  	v2 =	vadd.f32 v2, v3;
	_ =	sdelay $0x1  }
0x292: {  	p1 =	por $0x0, $0x0;
	[tilespmem:v1+s6+$0x0 ss:$0x1] =	vst.idx.msk $0xffff, v2;
	s6 =	simm.s32 $0x10  }
0x293: {  	s6 =	simm.s32 @p0 $0x20;
	s7 =	simm.s32 @p0 $0x700;
	s8 =	simm.s32 @p0 $0x7000  }
0x294: {  	[tilespmem:s8], [sflag:$0x7] =	stream.indirect.gather @p0 [hbm4b:s2+s6], $0x80, s7, s6, $0xb8;
	[tilespmem:$0x12200] =	vst v63  }
0x295: {  	s7 =	simm.s32 @p0 $0xF00;
	s8 =	simm.s32 @p0 $0xF000  }
0x296: {  	[tilespmem:s8], [sflag:$0xF] =	stream.indirect.gather @p0 [hbm4b:s3+s6], $0x80, s7, s6, $0xb8;
	[tilespmem:$0x12200] =	vst v63  }
0x297: {  	_ =	swait.ge [sflag:s16], $0x1000  }
0x298: {  	[sflag:s16] =	ssyncset.done $0x0  }
0x299: {  	[sflag:s16] =	ssyncadd.s32 $0xFFFFF000  }
0x29a: {  	_ =	swait.ge [sflag:s17], $0x1000  }
0x29b: {  	[sflag:s17] =	ssyncset.done $0x0  }
0x29c: {  	s6 =	simm.s32 $0x0;
	[sflag:s17] =	ssyncadd.s32 $0xFFFFF000  }
0x29d: {  	v7 =	vld [tilespmem:s6+$0x8000]  }
0x29e: {  	v1 =	vld [tilespmem:s6+$0x10000]  }
0x29f: {  	v2 =	vld [tilespmem:s6+$0x8010]  }
0x2a0: {  	v3 =	vld [tilespmem:s6+$0x10010]  }
0x2a1: {  	v4 =	vld [tilespmem:s6+$0x8020]  }
0x2a2: {  	v5 =	vld [tilespmem:s6+$0x10020]  }
0x2a3: {  	v6 =	vld [tilespmem:s6+$0x8030]  }
0x2a4: {  	v9 =	vld [tilespmem:s6+$0x10030]  }
0x2a5: {  	v8 =	vld [tilespmem:s6+$0x8040]  }
0x2a6: {  	v10 =	vld [tilespmem:s6+$0x10040]  }
0x2a7: {  	v11 =	vld [tilespmem:s6+$0x8050]  }
0x2a8: {  	v13 =	vld [tilespmem:s6+$0x10050]  }
0x2a9: {  	v12 =	vld [tilespmem:s6+$0x8060]  }
0x2aa: {  	v14 =	vld [tilespmem:s6+$0x10060]  }
0x2ab: {  	s7 =	simm.s32 $0x200;
	v15 =	vld [tilespmem:s6+$0x8070]  }
.LBB2_31:
0x2ac: {  	s8 =	sshra.s32 s7, $0x2;
	p1 =	seq.s32 s7, $0x3E00;
	v16 =	vld [tilespmem:s6+$0x10070]  }
0x2ad: {  	v17 =	vld [tilespmem:s8+$0x8000]  }
0x2ae: {  	v7 =	vmul.f32 v1, v7;
	v18 =	vmul.f32 v3, v2;
	v1 =	vld [tilespmem:s8+$0x10000]  }
0x2af: {  	v19 =	vmul.f32 v5, v4;
	v6 =	vmul.f32 v9, v6;
	v2 =	vld [tilespmem:s8+$0x8010]  }
0x2b0: {  	v8 =	vmul.f32 v10, v8;
	v9 =	vmul.f32 v13, v11;
	v3 =	vld [tilespmem:s8+$0x10010]  }
0x2b1: {  	v10 =	vmul.f32 v14, v12;
	v4 =	vld [tilespmem:s8+$0x8020];
	v11 =	vmul.f32 v16, v15  }
0x2b2: {  	v13 =	vadd.f32 v6, v19;
	v12 =	vadd.f32 v18, v7;
	v5 =	vld [tilespmem:s8+$0x10020];
	v7 =	vmov v17  }
0x2b3: {  	v14 =	vadd.f32 v9, v8;
	v6 =	vld [tilespmem:s8+$0x8030];
	v10 =	vadd.f32 v11, v10  }
0x2b4: {  	v9 =	vld [tilespmem:s8+$0x10030]  }
0x2b5: {  	v12 =	vadd.f32 v13, v12;
	v8 =	vld [tilespmem:s8+$0x8040];
	v13 =	vadd.f32 v10, v14  }
0x2b6: {  	v10 =	vld [tilespmem:s8+$0x10040]  }
.Ltmp14:
0x2b7: {  	v11 =	vld [tilespmem:s8+$0x8050];
	v14 =	vadd.f32 v13, v12;
	(pc) =	sbr.rel @!p1 .LBB2_31-.Ltmp14, $4  }
0x2b8: {  	v13 =	vld [tilespmem:s8+$0x10050]  }
0x2b9: {  	v12 =	vld [tilespmem:s8+$0x8060];
	[tilespmem:s6+$0x11000] =	vst v14;
	s6 =	smov.u32 s8  }
0x2ba: {  	v14 =	vld [tilespmem:s6+$0x10060]  }
0x2bb: {  	s7 =	sadd.s32 $0x200, s7;
	v15 =	vld [tilespmem:s6+$0x8070]  }
0x2bc: {  	v16 =	vld [tilespmem:s6+$0x10070];
	_ =	sdelay $0x1  }
0x2bd: {  	v1 =	vmul.f32 v1, v7;
	v2 =	vmul.f32 v3, v2  }
0x2be: {  	v3 =	vmul.f32 v5, v4;
	v58 =	vmul.f32 v9, v6  }
0x2bf: {  	v59 =	vmul.f32 v10, v8;
	v60 =	vmul.f32 v13, v11  }
0x2c0: {  	v61 =	vmul.f32 v14, v12;
	v62 =	vmul.f32 v16, v15  }
0x2c1: {  	v1 =	vadd.f32 v2, v1;
	v2 =	vadd.f32 v58, v3  }
0x2c2: {  	v3 =	vadd.f32 v60, v59;
	v63 =	vadd.f32 v62, v61;
	_ =	sdelay $0x1  }
0x2c3: {  	v1 =	vadd.f32 v2, v1;
	v2 =	vadd.f32 v63, v3;
	_ =	sdelay $0x1  }
0x2c4: {  	v1 =	vadd.f32 v2, v1  }
0x2c5: {  	s8 =	sadd.s32 $0x120E0, s5  }
0x2c6: {  	s5 =	simm.s32 $0x0;
	p1 =	por $0x1, $0x1;
	[tilespmem:s6+$0x11000] =	vst v1;
	v1 =	vmov s8  }
.LBB2_33:
0x2c7: {  	v2 =	vmov s5  }
0x2c8: {  	v2 =	vshll.u32 v2, $0x7  }
0x2c9: {  	v2 =	vor.u32 v0, v2  }
0x2ca: {  	v3 =	vor.u32 $0x1, v2  }
0x2cb: {  	v4 =	vor.u32 $0x2, v2  }
0x2cc: {  	v5 =	vor.u32 $0x3, v2  }
0x2cd: {  	v6 =	vor.u32 $0x4, v2  }
0x2ce: {  	v8 =	vor.u32 $0x5, v2;
	v7 =	vld.idx.msk [tilespmem:v2+s23+$0x0], $0xffff  }
0x2cf: {  	v9 =	vor.u32 $0x6, v2;
	v3 =	vld.idx.msk [tilespmem:v3+s23+$0x0], $0xffff  }
0x2d0: {  	v10 =	vor.u32 $0x7, v2;
	v4 =	vld.idx.msk [tilespmem:v4+s23+$0x0], $0xffff  }
0x2d1: {  	v11 =	vor.u32 $0x8, v2;
	v5 =	vld.idx.msk [tilespmem:v5+s23+$0x0], $0xffff  }
0x2d2: {  	v12 =	vor.u32 $0x9, v2;
	v6 =	vld.idx.msk [tilespmem:v6+s23+$0x0], $0xffff  }
0x2d3: {  	v13 =	vor.u32 $0xA, v2;
	v8 =	vld.idx.msk [tilespmem:v8+s23+$0x0], $0xffff  }
0x2d4: {  	v14 =	vor.u32 $0xB, v2;
	v9 =	vld.idx.msk [tilespmem:v9+s23+$0x0], $0xffff  }
0x2d5: {  	v15 =	vor.u32 $0xC, v2;
	v10 =	vld.idx.msk [tilespmem:v10+s23+$0x0], $0xffff  }
0x2d6: {  	v16 =	vor.u32 $0xD, v2;
	v11 =	vld.idx.msk [tilespmem:v11+s23+$0x0], $0xffff  }
0x2d7: {  	v17 =	vor.u32 $0xE, v2;
	v12 =	vld.idx.msk [tilespmem:v12+s23+$0x0], $0xffff  }
0x2d8: {  	v2 =	vor.u32 $0xF, v2;
	v13 =	vld.idx.msk [tilespmem:v13+s23+$0x0], $0xffff  }
0x2d9: {  	v14 =	vld.idx.msk [tilespmem:v14+s23+$0x0], $0xffff  }
0x2da: {  	v15 =	vld.idx.msk [tilespmem:v15+s23+$0x0], $0xffff  }
0x2db: {  	v16 =	vld.idx.msk [tilespmem:v16+s23+$0x0], $0xffff  }
0x2dc: {  	v17 =	vld.idx.msk [tilespmem:v17+s23+$0x0], $0xffff  }
0x2dd: {  	v2 =	vld.idx.msk [tilespmem:v2+s23+$0x0], $0xffff;
	_ =	sdelay $0x1  }
0x2de: {  	v3 =	vadd.f32 v3, v7;
	v4 =	vadd.f32 v5, v4  }
0x2df: {  	v57 =	vadd.f32 v8, v6;
	v58 =	vadd.f32 v10, v9  }
0x2e0: {  	v59 =	vadd.f32 v12, v11;
	v60 =	vadd.f32 v14, v13  }
0x2e1: {  	v61 =	vadd.f32 v16, v15;
	v2 =	vadd.f32 v2, v17  }
0x2e2: {  	v3 =	vadd.f32 v4, v3;
	v62 =	vadd.f32 v58, v57  }
0x2e3: {  	v63 =	vadd.f32 v60, v59;
	v2 =	vadd.f32 v2, v61  }
0x2e4: {  	p2 =	por p1, p1  }
.Ltmp15:
0x2e5: {  	v3 =	vadd.f32 v62, v3;
	v2 =	vadd.f32 v2, v63;
	(pc) =	sbr.rel @p2 .LBB2_33-.Ltmp15, $3  }
0x2e6: {  	_ = 	snop  }
0x2e7: {  	v2 =	vadd.f32 v2, v3;
	_ =	sdelay $0x1  }
0x2e8: {  	p1 =	por $0x0, $0x0;
	[tilespmem:v1+s5+$0x0 ss:$0x1] =	vst.idx.msk $0xffff, v2;
	s5 =	simm.s32 $0x10  }
.Ltmp16:
0x2e9: {  	(pc) =	sbr.rel @p0 .LBB2_2-.Ltmp16, $3  }
0x2ea: {  	_ =	sdelay $0x1  }
0x2eb: {  	s5 =	simm.s32 $0x400  }
0x2ec: {  	p1 =	por $0x0, $0x0;
	s6 =	simm.s32 $0xF80;
	s7 =	simm.s32 $0x780  }
0x2ed: {  	s5 =	rddreg [dreg:$0x7];
	s6 =	simm.s32 $0x12000  }
0x2ee: {  	[hbm4b:s5+s4] =	stream.linear.scatter [tilespmem:s6], [sflag:$0x13], $0x200, $0x38;
	[tilespmem:$0x12200] =	vst v63  }
0x2ef: {  	_ =	swait.ge [sflag:s18], $0x200  }
0x2f0: {  	s9 =	sadd.s32 $0x1, s9;
	s8 =	rddreg [dreg:$0x8]  }
0x2f1: {  	p0 =	sne.s32 s9, s8  }
.Ltmp17:
0x2f2: {  	_ = 	snop;
	(pc) =	sbr.rel @p0 .LBB2_1-.Ltmp17, $3  }
0x2f3: {  	_ =	sdelay $0x1  }
0x2f4: {  	[sflag:s18] =	ssyncset.done $0x0  }
0x2f5: {  	[sflag:s18] =	ssyncadd.s32 $0xFFFFFE00  }
0x2f6: {  	_ =	sfence.sel $0x180000  }
0x2f7: {  	[bflag:$0x0] =	sbarrier.arrive $0xFFFF  }
0x2f8: {  	_ =	strace $0x90000047  }
0x2f9: {  	s0 =	stileid.u32;
	[bflag:$0x2] =	sbarrier.arrive $0xFFFF  }
0x2fa: {  	p0 =	sne.s32 s0, $0x0;
	s0 =	rddreg [dreg:$0x4]  }
0x2fb: {  	s0 =	sadd.s32 @!p0 $0x100000, s0  }
0x2fc: {  	[sflag:s0] =	ssyncadd.tile.s32 @!p0 $0x1;
	_ =	shalt  }
.Lfunc_end2:
_tile_overlayer_lowered:
.L_overlay_start_2:
0x2fd: {  	(tag) =	ssettag $0x2  }
0x2fe: {  	s0 =	rddreg [dreg:$0x0];
	s2 =	stileid.u32  }
0x2ff: {  	s1 =	rddreg [dreg:$0x1];
	p0 =	sne.s32 s2, $0x0  }
0x300: {  	s3 =	rddreg [dreg:$0x2];
	[bflag:$0x3] =	sbarrier.arrive $0xFFFF;
	s2 =	simm.s32 @!p0 $0x1C13  }
0x301: {  	[timem:s3], [sflag:s2] =	dma.local @!p0 [hbm:s0], s1  }
0x302: {  	s0 =	simm.s32 @!p0 $0x13  }
0x303: {  	_ =	swait.ge @!p0 [sflag:s0], s1  }
0x304: {  	s1 =	ssub.s32 @!p0 $0x0, s1;
	[sflag:s0] =	ssyncset.done @!p0 $0x0  }
0x305: {  	[sflag:s0] =	ssyncadd.s32 @!p0 s1  }
0x306: {  	[bflag:$0x3] =	sbarrier.arrive $0xFFFF  }
0x307: {  	_ =	shalt  }

</sc_bundles>
